<compile_context>
chip_gen: v7x
topology: tpu7x:2x2x1
jax: 0.10.2.dev20260603
libtpu: 0.0.44.dev20260713+nightly
codegen_flags: <defaults>
</compile_context>

<pallas_src>
import functools

import jax
import jax.numpy as jnp
from jax import lax
from jax.experimental import pallas as pl
from jax.experimental.pallas import tpu as pltpu
from jax.experimental.pallas import tpu_sc as plsc

_BR = 256
_K = 5
_NT = 2048
_NSC = 1024
_NC = 2
_NS = 16
_L = 16
_NW = _NC * _NS
_RPW = _NSC // _NW
_CH = _NT // _L


def _tc_body(q_ref, l_ref, t_ref, c_ref, o_ref):
    nt = t_ref.shape[1]
    qx = q_ref[:, 0:1]
    qy = q_ref[:, 1:2]
    tx = t_ref[0:1, :]
    ty = t_ref[1:2, :]
    dx = qx - tx
    dy = qy - ty
    s2 = dx * dx + dy * dy
    d = jnp.sqrt(s2)

    iota = lax.broadcasted_iota(jnp.int32, s2.shape, 1)
    cur = d
    total = jnp.zeros((s2.shape[0], 1), jnp.float32)
    for i in range(_K):
        m = jnp.min(cur, axis=1, keepdims=True)
        total = total + m
        if i < _K - 1:
            pos = jnp.min(jnp.where(cur <= m, iota, nt), axis=1,
                          keepdims=True)
            cur = jnp.where(iota == pos, jnp.float32(jnp.inf), cur)
    delta = total / jnp.float32(_K)

    p0 = jax.nn.sigmoid(l_ref[:, 0:1] - l_ref[:, 1:2])
    tcls = c_ref[0:1, :]
    cls_cost = p0 + tcls * (1.0 - 2.0 * p0)

    w = jnp.exp(s2 * (-1.0 / 50.0))
    cost_point = jnp.where(d < delta, d * w, d)
    o_ref[:, :] = cost_point - cls_cost


def _nr_sqrt(s2):
    i = lax.bitcast_convert_type(s2, jnp.int32)
    i = jnp.int32(0x5F3759DF) - lax.shift_right_arithmetic(i, 1)
    y = lax.bitcast_convert_type(i, jnp.float32)
    for _ in range(3):
        y = y * (1.5 - 0.5 * s2 * y * y)
    return jnp.where(s2 > 0.0, s2 * y, 0.0)


_NSTREAM = 4


def _sc_body(qx_hbm, qy_hbm, l0_hbm, l1_hbm, tgt_hbm, out_hbm,
             qxv, qyv, l0v, l1v, tgtv, rowsv):
    wid = lax.axis_index("s") * _NC + lax.axis_index("c")
    base = wid * _RPW
    pltpu.sync_copy(qx_hbm.at[pl.ds(base, _RPW)], qxv)
    pltpu.sync_copy(qy_hbm.at[pl.ds(base, _RPW)], qyv)
    pltpu.sync_copy(l0_hbm.at[pl.ds(base, _RPW)], l0v)
    pltpu.sync_copy(l1_hbm.at[pl.ds(base, _RPW)], l1v)
    pltpu.sync_copy(tgt_hbm, tgtv)

    inf = jnp.full((_L,), jnp.inf, jnp.float32)

    def group_body(g, carry):
        goff = pl.multiple_of(g * _L, _L)
        qxg = qxv[pl.ds(goff, _L)]
        qyg = qyv[pl.ds(goff, _L)]
        l0g = l0v[pl.ds(goff, _L)]
        l1g = l1v[pl.ds(goff, _L)]

        def ch1(c, streams):
            off = pl.multiple_of(c * _L, _L)
            tx = tgtv[0, pl.ds(off, _L)]
            ty = tgtv[1, pl.ds(off, _L)]
            s2s = []
            for j in range(_L):
                dx = qxg - tx[j]
                dy = qyg - ty[j]
                s2s.append(dx * dx + dy * dy)
            nxt_streams = []
            for st in range(_NSTREAM):
                ms = streams[st * _K:(st + 1) * _K]
                for j in range(st, _L, _NSTREAM):
                    new = s2s[j]
                    nxt = []
                    for mk in ms:
                        lo = jnp.minimum(mk, new)
                        new = jnp.maximum(mk, new)
                        nxt.append(lo)
                    ms = nxt
                nxt_streams.extend(ms)
            return tuple(nxt_streams)

        streams = lax.fori_loop(0, _CH, ch1, (inf,) * (_K * _NSTREAM))

        ms = list(streams[:_K])
        for st in range(1, _NSTREAM):
            for new in streams[st * _K:(st + 1) * _K]:
                nxt = []
                for mk in ms:
                    lo = jnp.minimum(mk, new)
                    new = jnp.maximum(mk, new)
                    nxt.append(lo)
                ms = nxt

        total = jnp.zeros((_L,), jnp.float32)
        for mk in ms:
            total = total + _nr_sqrt(mk)
        delta_g = total / jnp.float32(_K)
        p0_g = 1.0 / (1.0 + jnp.exp(l1g - l0g))
        u_g = 1.0 - 2.0 * p0_g

        qxs = [qxg[j] for j in range(_L)]
        qys = [qyg[j] for j in range(_L)]
        djs = [delta_g[j] for j in range(_L)]
        p0s = [p0_g[j] for j in range(_L)]
        us = [u_g[j] for j in range(_L)]

        def ch2(c, carry2):
            off = pl.multiple_of(c * _L, _L)
            tx = tgtv[0, pl.ds(off, _L)]
            ty = tgtv[1, pl.ds(off, _L)]
            tc = tgtv[2, pl.ds(off, _L)]
            for j in range(_L):
                dx = tx - qxs[j]
                dy = ty - qys[j]
                s2 = dx * dx + dy * dy
                d = _nr_sqrt(s2)
                w = jnp.exp(s2 * (-1.0 / 50.0))
                cp = jnp.where(d < djs[j], d * w, d)
                rowsv[j, pl.ds(off, _L)] = cp - (p0s[j] + tc * us[j])
            return carry2

        lax.fori_loop(0, _CH, ch2, 0)

        pltpu.sync_copy(rowsv, out_hbm.at[pl.ds(base + goff, _L)])
        return carry

    lax.fori_loop(0, _RPW // _L, group_body, 0)


@jax.jit
def kernel(pred_logits, pred_points, tgt_points, tgt_ids):
    bs, nq, _ = pred_logits.shape
    nt = tgt_points.shape[0]
    nq_flat = bs * nq
    q = pred_points.reshape(nq_flat, 2)
    logits = pred_logits.reshape(nq_flat, 2)
    t_t = tgt_points.T
    clsf = tgt_ids.astype(jnp.float32)
    cls = clsf.reshape(1, nt)

    tgt3 = jnp.concatenate([t_t, cls], axis=0)
    mesh = plsc.VectorSubcoreMesh(core_axis_name="c", subcore_axis_name="s",
                                  num_cores=_NC, num_subcores=_NS)
    sc_out = pl.kernel(
        _sc_body,
        out_type=jax.ShapeDtypeStruct((_NSC, nt), jnp.float32),
        mesh=mesh,
        scratch_types=[
            pltpu.VMEM((_RPW,), jnp.float32),
            pltpu.VMEM((_RPW,), jnp.float32),
            pltpu.VMEM((_RPW,), jnp.float32),
            pltpu.VMEM((_RPW,), jnp.float32),
            pltpu.VMEM((3, nt), jnp.float32),
            pltpu.VMEM((_L, nt), jnp.float32),
        ],
    )(q[:_NSC, 0], q[:_NSC, 1], logits[:_NSC, 0], logits[:_NSC, 1], tgt3)

    n_tc_blocks = (nq_flat - _NSC) // _BR
    off_blocks = _NSC // _BR
    tc_out = pl.pallas_call(
        _tc_body,
        grid=(n_tc_blocks,),
        in_specs=[
            pl.BlockSpec((_BR, 2), lambda i: (i + off_blocks, 0)),
            pl.BlockSpec((_BR, 2), lambda i: (i + off_blocks, 0)),
            pl.BlockSpec((2, nt), lambda i: (0, 0)),
            pl.BlockSpec((1, nt), lambda i: (0, 0)),
        ],
        out_specs=pl.BlockSpec((_BR, nt), lambda i: (i + off_blocks, 0)),
        out_shape=jax.ShapeDtypeStruct((nq_flat, nt), jnp.float32),
    )(q, logits, t_t, cls)

    def _merge_body(_, sc_ref, o_ref):
        o_ref[:, :] = sc_ref[:, :]

    out = pl.pallas_call(
        _merge_body,
        grid=(_NSC // _BR,),
        in_specs=[
            pl.BlockSpec(memory_space=pl.ANY),
            pl.BlockSpec((_BR, nt), lambda i: (i, 0)),
        ],
        out_specs=pl.BlockSpec((_BR, nt), lambda i: (i, 0)),
        out_shape=jax.ShapeDtypeStruct((nq_flat, nt), jnp.float32),
        input_output_aliases={0: 0},
    )(tc_out, sc_out)
    return out.reshape(bs, nq, nt)

# --- scband reference (transcript-rebuilt; emitter-appended) ---
"""Pipeline reference for scband-hungarian-matcher-crowd-64415919506214 (READ-ONLY COPY).

The authoritative reference and input builder live on the scoring server;
editing this copy changes nothing except your own understanding.
"""

import jax, jax.numpy as jnp
import numpy as np

COST_CLASS = 1.0
COST_POINT = 1.0
K_NEAREST = 5


def setup_inputs(seed: int = 0) -> dict:
    key = jax.random.key(seed)
    k1, k2, k3, k4 = jax.random.split(key, 4)
    pred_logits = jax.random.normal(k1, (4, 2048, 2), dtype=jnp.float32)
    pred_points = jax.random.uniform(k2, (4, 2048, 2), dtype=jnp.float32)
    tgt_points = jax.random.uniform(k3, (2048, 2), dtype=jnp.float32)
    tgt_ids = jax.random.randint(k4, (2048,), 0, 2)
    return {
        'pred_logits': pred_logits,
        'pred_points': pred_points,
        'tgt_points': tgt_points,
        'tgt_ids': tgt_ids,
    }


def reference(pred_logits, pred_points, tgt_points, tgt_ids):
    bs, nq, nc = pred_logits.shape
    # flatten(0,1).softmax(-1)
    out_prob = jax.nn.softmax(pred_logits.reshape(bs * nq, nc), axis=-1)
    out_points = pred_points.reshape(bs * nq, 2)
    # classification cost: gather columns by target class ids
    cost_class = -jnp.take(out_prob, tgt_ids, axis=1)
    # cdist p=2
    diff = out_points[:, None, :] - tgt_points[None, :, :]
    distances = jnp.sqrt(jnp.sum(diff * diff, axis=-1))
    k = min(K_NEAREST, distances.shape[1])
    # k smallest distances per query row (topk largest=False)
    neg_nearest, _ = jax.lax.top_k(-distances, k)
    nearest_distances = -neg_nearest
    dynamic_deltas = jnp.mean(nearest_distances, axis=1, keepdims=True)
    in_neighborhood = distances < dynamic_deltas
    weights = jnp.exp(-(distances ** 2) / (2.0 * 5.0 ** 2))
    cost_point = jnp.where(in_neighborhood, distances * weights, distances)
    C = COST_POINT * cost_point + COST_CLASS * cost_class
    return C.reshape(bs, nq, -1)

if __name__ == "__main__":
    import jax
    _d = setup_inputs()
    print(jax.jit(kernel)(*tuple(_d.values())))

</pallas_src>

<mosaic_0001>
#map = affine_map<(d0, d1) -> (0)>
#map1 = affine_map<(d0, d1) -> (0, 0)>
module attributes {stable_mosaic.version = 14 : i64} {
  func.func @_sc_body(%arg0: i32, %arg1: i32, %arg2: memref<1024xf32, #tpu.memory_space<hbm>>, %arg3: memref<1024xf32, #tpu.memory_space<hbm>>, %arg4: memref<1024xf32, #tpu.memory_space<hbm>>, %arg5: memref<1024xf32, #tpu.memory_space<hbm>>, %arg6: memref<3x2048xf32, #tpu.memory_space<hbm>>, %arg7: memref<1024x2048xf32, #tpu.memory_space<hbm>>, %arg8: memref<32xf32, #tpu.memory_space<vmem>>, %arg9: memref<32xf32, #tpu.memory_space<vmem>>, %arg10: memref<32xf32, #tpu.memory_space<vmem>>, %arg11: memref<32xf32, #tpu.memory_space<vmem>>, %arg12: memref<3x2048xf32, #tpu.memory_space<vmem>>, %arg13: memref<16x2048xf32, #tpu.memory_space<vmem>>) attributes {dimension_semantics = [#tpu.dimension_semantics<core_parallel>, #tpu.dimension_semantics<subcore_parallel>], iteration_bounds = array<i64: 2, 16>, scalar_prefetch = 0 : i64, scratch_operands = 6 : i64, tpu.core_type = #tpu.core_type<sc_vector_subcore>, window_params = [{transform_indices = #map}, {transform_indices = #map}, {transform_indices = #map}, {transform_indices = #map}, {transform_indices = #map1}, {transform_indices = #map1}]} {
    %mul3A = arith.constant 2 : i32
    %mul3A_0 = arith.muli %arg1, %mul3A : i32
    %add3A = arith.addi %mul3A_0, %arg0 : i32
    %mul3A_1 = arith.constant 32 : i32
    %mul3A_2 = arith.muli %add3A, %mul3A_1 : i32
    "tpu.region"() ({
      %run_scoped3A = tpu.sem_alloc : memref<!tpu.dma_semaphore, #tpu.memory_space<semaphore_mem>>
      %dma_start3A = tpu.memref_slice %arg2[%mul3A_2] : memref<1024xf32, #tpu.memory_space<hbm>> -> memref<32xf32, #tpu.memory_space<hbm>>
      %dma_start3A_9 = tpu.memref_slice %arg2[%mul3A_2] : memref<1024xf32, #tpu.memory_space<hbm>> -> memref<32xf32, #tpu.memory_space<hbm>>
      tpu.enqueue_dma source(%dma_start3A_9 : memref<32xf32, #tpu.memory_space<hbm>>) target(%arg8 : memref<32xf32, #tpu.memory_space<vmem>>) target_semaphore(%run_scoped3A : memref<!tpu.dma_semaphore, #tpu.memory_space<semaphore_mem>>)
      %dma_wait3A = tpu.memref_slice %arg2[%mul3A_2] : memref<1024xf32, #tpu.memory_space<hbm>> -> memref<32xf32, #tpu.memory_space<hbm>>
      %dma_wait3A_10 = tpu.memref_slice %arg2[%mul3A_2] : memref<1024xf32, #tpu.memory_space<hbm>> -> memref<32xf32, #tpu.memory_space<hbm>>
      tpu.wait_dma2 semaphore(%run_scoped3A : memref<!tpu.dma_semaphore, #tpu.memory_space<semaphore_mem>>) src(%dma_wait3A_10 : memref<32xf32, #tpu.memory_space<hbm>>) dst(%arg8 : memref<32xf32, #tpu.memory_space<vmem>>)
      tpu.yield
    }) : () -> ()
    "tpu.region"() ({
      %run_scoped3A = tpu.sem_alloc : memref<!tpu.dma_semaphore, #tpu.memory_space<semaphore_mem>>
      %dma_start3A = tpu.memref_slice %arg3[%mul3A_2] : memref<1024xf32, #tpu.memory_space<hbm>> -> memref<32xf32, #tpu.memory_space<hbm>>
      %dma_start3A_9 = tpu.memref_slice %arg3[%mul3A_2] : memref<1024xf32, #tpu.memory_space<hbm>> -> memref<32xf32, #tpu.memory_space<hbm>>
      tpu.enqueue_dma source(%dma_start3A_9 : memref<32xf32, #tpu.memory_space<hbm>>) target(%arg9 : memref<32xf32, #tpu.memory_space<vmem>>) target_semaphore(%run_scoped3A : memref<!tpu.dma_semaphore, #tpu.memory_space<semaphore_mem>>)
      %dma_wait3A = tpu.memref_slice %arg3[%mul3A_2] : memref<1024xf32, #tpu.memory_space<hbm>> -> memref<32xf32, #tpu.memory_space<hbm>>
      %dma_wait3A_10 = tpu.memref_slice %arg3[%mul3A_2] : memref<1024xf32, #tpu.memory_space<hbm>> -> memref<32xf32, #tpu.memory_space<hbm>>
      tpu.wait_dma2 semaphore(%run_scoped3A : memref<!tpu.dma_semaphore, #tpu.memory_space<semaphore_mem>>) src(%dma_wait3A_10 : memref<32xf32, #tpu.memory_space<hbm>>) dst(%arg9 : memref<32xf32, #tpu.memory_space<vmem>>)
      tpu.yield
    }) : () -> ()
    "tpu.region"() ({
      %run_scoped3A = tpu.sem_alloc : memref<!tpu.dma_semaphore, #tpu.memory_space<semaphore_mem>>
      %dma_start3A = tpu.memref_slice %arg4[%mul3A_2] : memref<1024xf32, #tpu.memory_space<hbm>> -> memref<32xf32, #tpu.memory_space<hbm>>
      %dma_start3A_9 = tpu.memref_slice %arg4[%mul3A_2] : memref<1024xf32, #tpu.memory_space<hbm>> -> memref<32xf32, #tpu.memory_space<hbm>>
      tpu.enqueue_dma source(%dma_start3A_9 : memref<32xf32, #tpu.memory_space<hbm>>) target(%arg10 : memref<32xf32, #tpu.memory_space<vmem>>) target_semaphore(%run_scoped3A : memref<!tpu.dma_semaphore, #tpu.memory_space<semaphore_mem>>)
      %dma_wait3A = tpu.memref_slice %arg4[%mul3A_2] : memref<1024xf32, #tpu.memory_space<hbm>> -> memref<32xf32, #tpu.memory_space<hbm>>
      %dma_wait3A_10 = tpu.memref_slice %arg4[%mul3A_2] : memref<1024xf32, #tpu.memory_space<hbm>> -> memref<32xf32, #tpu.memory_space<hbm>>
      tpu.wait_dma2 semaphore(%run_scoped3A : memref<!tpu.dma_semaphore, #tpu.memory_space<semaphore_mem>>) src(%dma_wait3A_10 : memref<32xf32, #tpu.memory_space<hbm>>) dst(%arg10 : memref<32xf32, #tpu.memory_space<vmem>>)
      tpu.yield
    }) : () -> ()
    "tpu.region"() ({
      %run_scoped3A = tpu.sem_alloc : memref<!tpu.dma_semaphore, #tpu.memory_space<semaphore_mem>>
      %dma_start3A = tpu.memref_slice %arg5[%mul3A_2] : memref<1024xf32, #tpu.memory_space<hbm>> -> memref<32xf32, #tpu.memory_space<hbm>>
      %dma_start3A_9 = tpu.memref_slice %arg5[%mul3A_2] : memref<1024xf32, #tpu.memory_space<hbm>> -> memref<32xf32, #tpu.memory_space<hbm>>
      tpu.enqueue_dma source(%dma_start3A_9 : memref<32xf32, #tpu.memory_space<hbm>>) target(%arg11 : memref<32xf32, #tpu.memory_space<vmem>>) target_semaphore(%run_scoped3A : memref<!tpu.dma_semaphore, #tpu.memory_space<semaphore_mem>>)
      %dma_wait3A = tpu.memref_slice %arg5[%mul3A_2] : memref<1024xf32, #tpu.memory_space<hbm>> -> memref<32xf32, #tpu.memory_space<hbm>>
      %dma_wait3A_10 = tpu.memref_slice %arg5[%mul3A_2] : memref<1024xf32, #tpu.memory_space<hbm>> -> memref<32xf32, #tpu.memory_space<hbm>>
      tpu.wait_dma2 semaphore(%run_scoped3A : memref<!tpu.dma_semaphore, #tpu.memory_space<semaphore_mem>>) src(%dma_wait3A_10 : memref<32xf32, #tpu.memory_space<hbm>>) dst(%arg11 : memref<32xf32, #tpu.memory_space<vmem>>)
      tpu.yield
    }) : () -> ()
    "tpu.region"() ({
      %run_scoped3A = tpu.sem_alloc : memref<!tpu.dma_semaphore, #tpu.memory_space<semaphore_mem>>
      tpu.enqueue_dma source(%arg6 : memref<3x2048xf32, #tpu.memory_space<hbm>>) target(%arg12 : memref<3x2048xf32, #tpu.memory_space<vmem>>) target_semaphore(%run_scoped3A : memref<!tpu.dma_semaphore, #tpu.memory_space<semaphore_mem>>)
      tpu.wait_dma2 semaphore(%run_scoped3A : memref<!tpu.dma_semaphore, #tpu.memory_space<semaphore_mem>>) src(%arg6 : memref<3x2048xf32, #tpu.memory_space<hbm>>) dst(%arg12 : memref<3x2048xf32, #tpu.memory_space<vmem>>)
      tpu.yield
    }) : () -> ()
    %broadcast_in_dim3A = arith.constant 0x7F800000 : f32
    %broadcast_in_dim3A_3 = vector.broadcast %broadcast_in_dim3A : f32 to vector<16xf32>
    %scan3A = arith.constant 0 : i32
    %scan3A_4 = arith.constant 0 : i32
    %scan3A_5 = arith.constant 2 : i32
    %scan3A_6 = arith.addi %scan3A_4, %scan3A_5 : i32
    %scan3A_7 = arith.constant 1 : i32
    scf.for %scan3A_9 = %scan3A_4 to %scan3A_6 step %scan3A_7  : i32 {
      %mul3A_10 = arith.constant 16 : i32
      %mul3A_11 = arith.muli %scan3A_9, %mul3A_10 : i32
      %multiple_of3A = tpu.assume_multiple %mul3A_11, 16 : i32
      %get3A = arith.index_cast %multiple_of3A : i32 to index
      %get3A_12 = tpu.vector_load %arg8[%get3A] {strides = array<i32>} : memref<32xf32, #tpu.memory_space<vmem>>, vector<16xf32>,
      %get3A_13 = vector.shape_cast %get3A_12 : vector<16xf32> to vector<16xf32>
      %get3A_14 = arith.index_cast %multiple_of3A : i32 to index
      %get3A_15 = tpu.vector_load %arg9[%get3A_14] {strides = array<i32>} : memref<32xf32, #tpu.memory_space<vmem>>, vector<16xf32>,
      %get3A_16 = vector.shape_cast %get3A_15 : vector<16xf32> to vector<16xf32>
      %get3A_17 = arith.index_cast %multiple_of3A : i32 to index
      %get3A_18 = tpu.vector_load %arg10[%get3A_17] {strides = array<i32>} : memref<32xf32, #tpu.memory_space<vmem>>, vector<16xf32>,
      %get3A_19 = vector.shape_cast %get3A_18 : vector<16xf32> to vector<16xf32>
      %get3A_20 = arith.index_cast %multiple_of3A : i32 to index
      %get3A_21 = tpu.vector_load %arg11[%get3A_20] {strides = array<i32>} : memref<32xf32, #tpu.memory_space<vmem>>, vector<16xf32>,
      %get3A_22 = vector.shape_cast %get3A_21 : vector<16xf32> to vector<16xf32>
      %scan3A_23 = arith.constant 0 : i32
      %scan3A_24 = arith.constant 128 : i32
      %scan3A_25 = arith.addi %scan3A_23, %scan3A_24 : i32
      %scan3A_26 = arith.constant 1 : i32
      %scan3A_27:20 = scf.for %scan3A_568 = %scan3A_23 to %scan3A_25 step %scan3A_26 iter_args(%scan3A_569 = %broadcast_in_dim3A_3, %scan3A_570 = %broadcast_in_dim3A_3, %scan3A_571 = %broadcast_in_dim3A_3, %scan3A_572 = %broadcast_in_dim3A_3, %scan3A_573 = %broadcast_in_dim3A_3, %scan3A_574 = %broadcast_in_dim3A_3, %scan3A_575 = %broadcast_in_dim3A_3, %scan3A_576 = %broadcast_in_dim3A_3, %scan3A_577 = %broadcast_in_dim3A_3, %scan3A_578 = %broadcast_in_dim3A_3, %scan3A_579 = %broadcast_in_dim3A_3, %scan3A_580 = %broadcast_in_dim3A_3, %scan3A_581 = %broadcast_in_dim3A_3, %scan3A_582 = %broadcast_in_dim3A_3, %scan3A_583 = %broadcast_in_dim3A_3, %scan3A_584 = %broadcast_in_dim3A_3, %scan3A_585 = %broadcast_in_dim3A_3, %scan3A_586 = %broadcast_in_dim3A_3, %scan3A_587 = %broadcast_in_dim3A_3, %scan3A_588 = %broadcast_in_dim3A_3) -> (vector<16xf32>, vector<16xf32>, vector<16xf32>, vector<16xf32>, vector<16xf32>, vector<16xf32>, vector<16xf32>, vector<16xf32>, vector<16xf32>, vector<16xf32>, vector<16xf32>, vector<16xf32>, vector<16xf32>, vector<16xf32>, vector<16xf32>, vector<16xf32>, vector<16xf32>, vector<16xf32>, vector<16xf32>, vector<16xf32>)  : i32 {
        %mul3A_589 = arith.constant 16 : i32
        %mul3A_590 = arith.muli %scan3A_568, %mul3A_589 : i32
        %multiple_of3A_591 = tpu.assume_multiple %mul3A_590, 16 : i32
        %get3A_592 = arith.constant 0 : i32
        %get3A_593 = arith.index_cast %get3A_592 : i32 to index
        %get3A_594 = arith.index_cast %multiple_of3A_591 : i32 to index
        %get3A_595 = tpu.vector_load %arg12[%get3A_593, %get3A_594] {strides = array<i32>} : memref<3x2048xf32, #tpu.memory_space<vmem>>, vector<1x16xf32>,
        %get3A_596 = vector.shape_cast %get3A_595 : vector<1x16xf32> to vector<16xf32>
        %get3A_597 = arith.constant 1 : i32
        %get3A_598 = arith.index_cast %get3A_597 : i32 to index
        %get3A_599 = arith.index_cast %multiple_of3A_591 : i32 to index
        %get3A_600 = tpu.vector_load %arg12[%get3A_598, %get3A_599] {strides = array<i32>} : memref<3x2048xf32, #tpu.memory_space<vmem>>, vector<1x16xf32>,
        %get3A_601 = vector.shape_cast %get3A_600 : vector<1x16xf32> to vector<16xf32>
        %slice3A_602 = vector.extract_strided_slice %get3A_596 {offsets = [0], sizes = [1], strides = [1]} : vector<16xf32> to vector<1xf32>
        %squeeze3A_603 = vector.extract %slice3A_602[0] : f32 from vector<1xf32>
        %sub3A_604 = vector.broadcast %squeeze3A_603 : f32 to vector<16xf32>
        %sub3A_605 = arith.subf %get3A_13, %sub3A_604 : vector<16xf32>
        %slice3A_606 = vector.extract_strided_slice %get3A_601 {offsets = [0], sizes = [1], strides = [1]} : vector<16xf32> to vector<1xf32>
        %squeeze3A_607 = vector.extract %slice3A_606[0] : f32 from vector<1xf32>
        %sub3A_608 = vector.broadcast %squeeze3A_607 : f32 to vector<16xf32>
        %sub3A_609 = arith.subf %get3A_16, %sub3A_608 : vector<16xf32>
        %mul3A_610 = arith.mulf %sub3A_605, %sub3A_605 : vector<16xf32>
        %mul3A_611 = arith.mulf %sub3A_609, %sub3A_609 : vector<16xf32>
        %add3A_612 = arith.addf %mul3A_610, %mul3A_611 : vector<16xf32>
        %slice3A_613 = vector.extract_strided_slice %get3A_596 {offsets = [1], sizes = [1], strides = [1]} : vector<16xf32> to vector<1xf32>
        %squeeze3A_614 = vector.extract %slice3A_613[0] : f32 from vector<1xf32>
        %sub3A_615 = vector.broadcast %squeeze3A_614 : f32 to vector<16xf32>
        %sub3A_616 = arith.subf %get3A_13, %sub3A_615 : vector<16xf32>
        %slice3A_617 = vector.extract_strided_slice %get3A_601 {offsets = [1], sizes = [1], strides = [1]} : vector<16xf32> to vector<1xf32>
        %squeeze3A_618 = vector.extract %slice3A_617[0] : f32 from vector<1xf32>
        %sub3A_619 = vector.broadcast %squeeze3A_618 : f32 to vector<16xf32>
        %sub3A_620 = arith.subf %get3A_16, %sub3A_619 : vector<16xf32>
        %mul3A_621 = arith.mulf %sub3A_616, %sub3A_616 : vector<16xf32>
        %mul3A_622 = arith.mulf %sub3A_620, %sub3A_620 : vector<16xf32>
        %add3A_623 = arith.addf %mul3A_621, %mul3A_622 : vector<16xf32>
        %slice3A_624 = vector.extract_strided_slice %get3A_596 {offsets = [2], sizes = [1], strides = [1]} : vector<16xf32> to vector<1xf32>
        %squeeze3A_625 = vector.extract %slice3A_624[0] : f32 from vector<1xf32>
        %sub3A_626 = vector.broadcast %squeeze3A_625 : f32 to vector<16xf32>
        %sub3A_627 = arith.subf %get3A_13, %sub3A_626 : vector<16xf32>
        %slice3A_628 = vector.extract_strided_slice %get3A_601 {offsets = [2], sizes = [1], strides = [1]} : vector<16xf32> to vector<1xf32>
        %squeeze3A_629 = vector.extract %slice3A_628[0] : f32 from vector<1xf32>
        %sub3A_630 = vector.broadcast %squeeze3A_629 : f32 to vector<16xf32>
        %sub3A_631 = arith.subf %get3A_16, %sub3A_630 : vector<16xf32>
        %mul3A_632 = arith.mulf %sub3A_627, %sub3A_627 : vector<16xf32>
        %mul3A_633 = arith.mulf %sub3A_631, %sub3A_631 : vector<16xf32>
        %add3A_634 = arith.addf %mul3A_632, %mul3A_633 : vector<16xf32>
        %slice3A_635 = vector.extract_strided_slice %get3A_596 {offsets = [3], sizes = [1], strides = [1]} : vector<16xf32> to vector<1xf32>
        %squeeze3A_636 = vector.extract %slice3A_635[0] : f32 from vector<1xf32>
        %sub3A_637 = vector.broadcast %squeeze3A_636 : f32 to vector<16xf32>
        %sub3A_638 = arith.subf %get3A_13, %sub3A_637 : vector<16xf32>
        %slice3A_639 = vector.extract_strided_slice %get3A_601 {offsets = [3], sizes = [1], strides = [1]} : vector<16xf32> to vector<1xf32>
        %squeeze3A_640 = vector.extract %slice3A_639[0] : f32 from vector<1xf32>
        %sub3A_641 = vector.broadcast %squeeze3A_640 : f32 to vector<16xf32>
        %sub3A_642 = arith.subf %get3A_16, %sub3A_641 : vector<16xf32>
        %mul3A_643 = arith.mulf %sub3A_638, %sub3A_638 : vector<16xf32>
        %mul3A_644 = arith.mulf %sub3A_642, %sub3A_642 : vector<16xf32>
        %add3A_645 = arith.addf %mul3A_643, %mul3A_644 : vector<16xf32>
        %slice3A_646 = vector.extract_strided_slice %get3A_596 {offsets = [4], sizes = [1], strides = [1]} : vector<16xf32> to vector<1xf32>
        %squeeze3A_647 = vector.extract %slice3A_646[0] : f32 from vector<1xf32>
        %sub3A_648 = vector.broadcast %squeeze3A_647 : f32 to vector<16xf32>
        %sub3A_649 = arith.subf %get3A_13, %sub3A_648 : vector<16xf32>
        %slice3A_650 = vector.extract_strided_slice %get3A_601 {offsets = [4], sizes = [1], strides = [1]} : vector<16xf32> to vector<1xf32>
        %squeeze3A_651 = vector.extract %slice3A_650[0] : f32 from vector<1xf32>
        %sub3A_652 = vector.broadcast %squeeze3A_651 : f32 to vector<16xf32>
        %sub3A_653 = arith.subf %get3A_16, %sub3A_652 : vector<16xf32>
        %mul3A_654 = arith.mulf %sub3A_649, %sub3A_649 : vector<16xf32>
        %mul3A_655 = arith.mulf %sub3A_653, %sub3A_653 : vector<16xf32>
        %add3A_656 = arith.addf %mul3A_654, %mul3A_655 : vector<16xf32>
        %slice3A_657 = vector.extract_strided_slice %get3A_596 {offsets = [5], sizes = [1], strides = [1]} : vector<16xf32> to vector<1xf32>
        %squeeze3A_658 = vector.extract %slice3A_657[0] : f32 from vector<1xf32>
        %sub3A_659 = vector.broadcast %squeeze3A_658 : f32 to vector<16xf32>
        %sub3A_660 = arith.subf %get3A_13, %sub3A_659 : vector<16xf32>
        %slice3A_661 = vector.extract_strided_slice %get3A_601 {offsets = [5], sizes = [1], strides = [1]} : vector<16xf32> to vector<1xf32>
        %squeeze3A_662 = vector.extract %slice3A_661[0] : f32 from vector<1xf32>
        %sub3A_663 = vector.broadcast %squeeze3A_662 : f32 to vector<16xf32>
        %sub3A_664 = arith.subf %get3A_16, %sub3A_663 : vector<16xf32>
        %mul3A_665 = arith.mulf %sub3A_660, %sub3A_660 : vector<16xf32>
        %mul3A_666 = arith.mulf %sub3A_664, %sub3A_664 : vector<16xf32>
        %add3A_667 = arith.addf %mul3A_665, %mul3A_666 : vector<16xf32>
        %slice3A_668 = vector.extract_strided_slice %get3A_596 {offsets = [6], sizes = [1], strides = [1]} : vector<16xf32> to vector<1xf32>
        %squeeze3A_669 = vector.extract %slice3A_668[0] : f32 from vector<1xf32>
        %sub3A_670 = vector.broadcast %squeeze3A_669 : f32 to vector<16xf32>
        %sub3A_671 = arith.subf %get3A_13, %sub3A_670 : vector<16xf32>
        %slice3A_672 = vector.extract_strided_slice %get3A_601 {offsets = [6], sizes = [1], strides = [1]} : vector<16xf32> to vector<1xf32>
        %squeeze3A_673 = vector.extract %slice3A_672[0] : f32 from vector<1xf32>
        %sub3A_674 = vector.broadcast %squeeze3A_673 : f32 to vector<16xf32>
        %sub3A_675 = arith.subf %get3A_16, %sub3A_674 : vector<16xf32>
        %mul3A_676 = arith.mulf %sub3A_671, %sub3A_671 : vector<16xf32>
        %mul3A_677 = arith.mulf %sub3A_675, %sub3A_675 : vector<16xf32>
        %add3A_678 = arith.addf %mul3A_676, %mul3A_677 : vector<16xf32>
        %slice3A_679 = vector.extract_strided_slice %get3A_596 {offsets = [7], sizes = [1], strides = [1]} : vector<16xf32> to vector<1xf32>
        %squeeze3A_680 = vector.extract %slice3A_679[0] : f32 from vector<1xf32>
        %sub3A_681 = vector.broadcast %squeeze3A_680 : f32 to vector<16xf32>
        %sub3A_682 = arith.subf %get3A_13, %sub3A_681 : vector<16xf32>
        %slice3A_683 = vector.extract_strided_slice %get3A_601 {offsets = [7], sizes = [1], strides = [1]} : vector<16xf32> to vector<1xf32>
        %squeeze3A_684 = vector.extract %slice3A_683[0] : f32 from vector<1xf32>
        %sub3A_685 = vector.broadcast %squeeze3A_684 : f32 to vector<16xf32>
        %sub3A_686 = arith.subf %get3A_16, %sub3A_685 : vector<16xf32>
        %mul3A_687 = arith.mulf %sub3A_682, %sub3A_682 : vector<16xf32>
        %mul3A_688 = arith.mulf %sub3A_686, %sub3A_686 : vector<16xf32>
        %add3A_689 = arith.addf %mul3A_687, %mul3A_688 : vector<16xf32>
        %slice3A_690 = vector.extract_strided_slice %get3A_596 {offsets = [8], sizes = [1], strides = [1]} : vector<16xf32> to vector<1xf32>
        %squeeze3A_691 = vector.extract %slice3A_690[0] : f32 from vector<1xf32>
        %sub3A_692 = vector.broadcast %squeeze3A_691 : f32 to vector<16xf32>
        %sub3A_693 = arith.subf %get3A_13, %sub3A_692 : vector<16xf32>
        %slice3A_694 = vector.extract_strided_slice %get3A_601 {offsets = [8], sizes = [1], strides = [1]} : vector<16xf32> to vector<1xf32>
        %squeeze3A_695 = vector.extract %slice3A_694[0] : f32 from vector<1xf32>
        %sub3A_696 = vector.broadcast %squeeze3A_695 : f32 to vector<16xf32>
        %sub3A_697 = arith.subf %get3A_16, %sub3A_696 : vector<16xf32>
        %mul3A_698 = arith.mulf %sub3A_693, %sub3A_693 : vector<16xf32>
        %mul3A_699 = arith.mulf %sub3A_697, %sub3A_697 : vector<16xf32>
        %add3A_700 = arith.addf %mul3A_698, %mul3A_699 : vector<16xf32>
        %slice3A_701 = vector.extract_strided_slice %get3A_596 {offsets = [9], sizes = [1], strides = [1]} : vector<16xf32> to vector<1xf32>
        %squeeze3A_702 = vector.extract %slice3A_701[0] : f32 from vector<1xf32>
        %sub3A_703 = vector.broadcast %squeeze3A_702 : f32 to vector<16xf32>
        %sub3A_704 = arith.subf %get3A_13, %sub3A_703 : vector<16xf32>
        %slice3A_705 = vector.extract_strided_slice %get3A_601 {offsets = [9], sizes = [1], strides = [1]} : vector<16xf32> to vector<1xf32>
        %squeeze3A_706 = vector.extract %slice3A_705[0] : f32 from vector<1xf32>
        %sub3A_707 = vector.broadcast %squeeze3A_706 : f32 to vector<16xf32>
        %sub3A_708 = arith.subf %get3A_16, %sub3A_707 : vector<16xf32>
        %mul3A_709 = arith.mulf %sub3A_704, %sub3A_704 : vector<16xf32>
        %mul3A_710 = arith.mulf %sub3A_708, %sub3A_708 : vector<16xf32>
        %add3A_711 = arith.addf %mul3A_709, %mul3A_710 : vector<16xf32>
        %slice3A_712 = vector.extract_strided_slice %get3A_596 {offsets = [10], sizes = [1], strides = [1]} : vector<16xf32> to vector<1xf32>
        %squeeze3A_713 = vector.extract %slice3A_712[0] : f32 from vector<1xf32>
        %sub3A_714 = vector.broadcast %squeeze3A_713 : f32 to vector<16xf32>
        %sub3A_715 = arith.subf %get3A_13, %sub3A_714 : vector<16xf32>
        %slice3A_716 = vector.extract_strided_slice %get3A_601 {offsets = [10], sizes = [1], strides = [1]} : vector<16xf32> to vector<1xf32>
        %squeeze3A_717 = vector.extract %slice3A_716[0] : f32 from vector<1xf32>
        %sub3A_718 = vector.broadcast %squeeze3A_717 : f32 to vector<16xf32>
        %sub3A_719 = arith.subf %get3A_16, %sub3A_718 : vector<16xf32>
        %mul3A_720 = arith.mulf %sub3A_715, %sub3A_715 : vector<16xf32>
        %mul3A_721 = arith.mulf %sub3A_719, %sub3A_719 : vector<16xf32>
        %add3A_722 = arith.addf %mul3A_720, %mul3A_721 : vector<16xf32>
        %slice3A_723 = vector.extract_strided_slice %get3A_596 {offsets = [11], sizes = [1], strides = [1]} : vector<16xf32> to vector<1xf32>
        %squeeze3A_724 = vector.extract %slice3A_723[0] : f32 from vector<1xf32>
        %sub3A_725 = vector.broadcast %squeeze3A_724 : f32 to vector<16xf32>
        %sub3A_726 = arith.subf %get3A_13, %sub3A_725 : vector<16xf32>
        %slice3A_727 = vector.extract_strided_slice %get3A_601 {offsets = [11], sizes = [1], strides = [1]} : vector<16xf32> to vector<1xf32>
        %squeeze3A_728 = vector.extract %slice3A_727[0] : f32 from vector<1xf32>
        %sub3A_729 = vector.broadcast %squeeze3A_728 : f32 to vector<16xf32>
        %sub3A_730 = arith.subf %get3A_16, %sub3A_729 : vector<16xf32>
        %mul3A_731 = arith.mulf %sub3A_726, %sub3A_726 : vector<16xf32>
        %mul3A_732 = arith.mulf %sub3A_730, %sub3A_730 : vector<16xf32>
        %add3A_733 = arith.addf %mul3A_731, %mul3A_732 : vector<16xf32>
        %slice3A_734 = vector.extract_strided_slice %get3A_596 {offsets = [12], sizes = [1], strides = [1]} : vector<16xf32> to vector<1xf32>
        %squeeze3A_735 = vector.extract %slice3A_734[0] : f32 from vector<1xf32>
        %sub3A_736 = vector.broadcast %squeeze3A_735 : f32 to vector<16xf32>
        %sub3A_737 = arith.subf %get3A_13, %sub3A_736 : vector<16xf32>
        %slice3A_738 = vector.extract_strided_slice %get3A_601 {offsets = [12], sizes = [1], strides = [1]} : vector<16xf32> to vector<1xf32>
        %squeeze3A_739 = vector.extract %slice3A_738[0] : f32 from vector<1xf32>
        %sub3A_740 = vector.broadcast %squeeze3A_739 : f32 to vector<16xf32>
        %sub3A_741 = arith.subf %get3A_16, %sub3A_740 : vector<16xf32>
        %mul3A_742 = arith.mulf %sub3A_737, %sub3A_737 : vector<16xf32>
        %mul3A_743 = arith.mulf %sub3A_741, %sub3A_741 : vector<16xf32>
        %add3A_744 = arith.addf %mul3A_742, %mul3A_743 : vector<16xf32>
        %slice3A_745 = vector.extract_strided_slice %get3A_596 {offsets = [13], sizes = [1], strides = [1]} : vector<16xf32> to vector<1xf32>
        %squeeze3A_746 = vector.extract %slice3A_745[0] : f32 from vector<1xf32>
        %sub3A_747 = vector.broadcast %squeeze3A_746 : f32 to vector<16xf32>
        %sub3A_748 = arith.subf %get3A_13, %sub3A_747 : vector<16xf32>
        %slice3A_749 = vector.extract_strided_slice %get3A_601 {offsets = [13], sizes = [1], strides = [1]} : vector<16xf32> to vector<1xf32>
        %squeeze3A_750 = vector.extract %slice3A_749[0] : f32 from vector<1xf32>
        %sub3A_751 = vector.broadcast %squeeze3A_750 : f32 to vector<16xf32>
        %sub3A_752 = arith.subf %get3A_16, %sub3A_751 : vector<16xf32>
        %mul3A_753 = arith.mulf %sub3A_748, %sub3A_748 : vector<16xf32>
        %mul3A_754 = arith.mulf %sub3A_752, %sub3A_752 : vector<16xf32>
        %add3A_755 = arith.addf %mul3A_753, %mul3A_754 : vector<16xf32>
        %slice3A_756 = vector.extract_strided_slice %get3A_596 {offsets = [14], sizes = [1], strides = [1]} : vector<16xf32> to vector<1xf32>
        %squeeze3A_757 = vector.extract %slice3A_756[0] : f32 from vector<1xf32>
        %sub3A_758 = vector.broadcast %squeeze3A_757 : f32 to vector<16xf32>
        %sub3A_759 = arith.subf %get3A_13, %sub3A_758 : vector<16xf32>
        %slice3A_760 = vector.extract_strided_slice %get3A_601 {offsets = [14], sizes = [1], strides = [1]} : vector<16xf32> to vector<1xf32>
        %squeeze3A_761 = vector.extract %slice3A_760[0] : f32 from vector<1xf32>
        %sub3A_762 = vector.broadcast %squeeze3A_761 : f32 to vector<16xf32>
        %sub3A_763 = arith.subf %get3A_16, %sub3A_762 : vector<16xf32>
        %mul3A_764 = arith.mulf %sub3A_759, %sub3A_759 : vector<16xf32>
        %mul3A_765 = arith.mulf %sub3A_763, %sub3A_763 : vector<16xf32>
        %add3A_766 = arith.addf %mul3A_764, %mul3A_765 : vector<16xf32>
        %slice3A_767 = vector.extract_strided_slice %get3A_596 {offsets = [15], sizes = [1], strides = [1]} : vector<16xf32> to vector<1xf32>
        %squeeze3A_768 = vector.extract %slice3A_767[0] : f32 from vector<1xf32>
        %sub3A_769 = vector.broadcast %squeeze3A_768 : f32 to vector<16xf32>
        %sub3A_770 = arith.subf %get3A_13, %sub3A_769 : vector<16xf32>
        %slice3A_771 = vector.extract_strided_slice %get3A_601 {offsets = [15], sizes = [1], strides = [1]} : vector<16xf32> to vector<1xf32>
        %squeeze3A_772 = vector.extract %slice3A_771[0] : f32 from vector<1xf32>
        %sub3A_773 = vector.broadcast %squeeze3A_772 : f32 to vector<16xf32>
        %sub3A_774 = arith.subf %get3A_16, %sub3A_773 : vector<16xf32>
        %mul3A_775 = arith.mulf %sub3A_770, %sub3A_770 : vector<16xf32>
        %mul3A_776 = arith.mulf %sub3A_774, %sub3A_774 : vector<16xf32>
        %add3A_777 = arith.addf %mul3A_775, %mul3A_776 : vector<16xf32>
        %min3A_778 = arith.minimumf %scan3A_569, %add3A_612 : vector<16xf32>
        %max3A_779 = arith.maximumf %scan3A_569, %add3A_612 : vector<16xf32>
        %min3A_780 = arith.minimumf %scan3A_570, %max3A_779 : vector<16xf32>
        %max3A_781 = arith.maximumf %scan3A_570, %max3A_779 : vector<16xf32>
        %min3A_782 = arith.minimumf %scan3A_571, %max3A_781 : vector<16xf32>
        %max3A_783 = arith.maximumf %scan3A_571, %max3A_781 : vector<16xf32>
        %min3A_784 = arith.minimumf %scan3A_572, %max3A_783 : vector<16xf32>
        %max3A_785 = arith.maximumf %scan3A_572, %max3A_783 : vector<16xf32>
        %min3A_786 = arith.minimumf %scan3A_573, %max3A_785 : vector<16xf32>
        %max3A_787 = arith.maximumf %scan3A_573, %max3A_785 : vector<16xf32>
        %min3A_788 = arith.minimumf %min3A_778, %add3A_656 : vector<16xf32>
        %max3A_789 = arith.maximumf %min3A_778, %add3A_656 : vector<16xf32>
        %min3A_790 = arith.minimumf %min3A_780, %max3A_789 : vector<16xf32>
        %max3A_791 = arith.maximumf %min3A_780, %max3A_789 : vector<16xf32>
        %min3A_792 = arith.minimumf %min3A_782, %max3A_791 : vector<16xf32>
        %max3A_793 = arith.maximumf %min3A_782, %max3A_791 : vector<16xf32>
        %min3A_794 = arith.minimumf %min3A_784, %max3A_793 : vector<16xf32>
        %max3A_795 = arith.maximumf %min3A_784, %max3A_793 : vector<16xf32>
        %min3A_796 = arith.minimumf %min3A_786, %max3A_795 : vector<16xf32>
        %max3A_797 = arith.maximumf %min3A_786, %max3A_795 : vector<16xf32>
        %min3A_798 = arith.minimumf %min3A_788, %add3A_700 : vector<16xf32>
        %max3A_799 = arith.maximumf %min3A_788, %add3A_700 : vector<16xf32>
        %min3A_800 = arith.minimumf %min3A_790, %max3A_799 : vector<16xf32>
        %max3A_801 = arith.maximumf %min3A_790, %max3A_799 : vector<16xf32>
        %min3A_802 = arith.minimumf %min3A_792, %max3A_801 : vector<16xf32>
        %max3A_803 = arith.maximumf %min3A_792, %max3A_801 : vector<16xf32>
        %min3A_804 = arith.minimumf %min3A_794, %max3A_803 : vector<16xf32>
        %max3A_805 = arith.maximumf %min3A_794, %max3A_803 : vector<16xf32>
        %min3A_806 = arith.minimumf %min3A_796, %max3A_805 : vector<16xf32>
        %max3A_807 = arith.maximumf %min3A_796, %max3A_805 : vector<16xf32>
        %min3A_808 = arith.minimumf %min3A_798, %add3A_744 : vector<16xf32>
        %max3A_809 = arith.maximumf %min3A_798, %add3A_744 : vector<16xf32>
        %min3A_810 = arith.minimumf %min3A_800, %max3A_809 : vector<16xf32>
        %max3A_811 = arith.maximumf %min3A_800, %max3A_809 : vector<16xf32>
        %min3A_812 = arith.minimumf %min3A_802, %max3A_811 : vector<16xf32>
        %max3A_813 = arith.maximumf %min3A_802, %max3A_811 : vector<16xf32>
        %min3A_814 = arith.minimumf %min3A_804, %max3A_813 : vector<16xf32>
        %max3A_815 = arith.maximumf %min3A_804, %max3A_813 : vector<16xf32>
        %min3A_816 = arith.minimumf %min3A_806, %max3A_815 : vector<16xf32>
        %max3A_817 = arith.maximumf %min3A_806, %max3A_815 : vector<16xf32>
        %min3A_818 = arith.minimumf %scan3A_574, %add3A_623 : vector<16xf32>
        %max3A_819 = arith.maximumf %scan3A_574, %add3A_623 : vector<16xf32>
        %min3A_820 = arith.minimumf %scan3A_575, %max3A_819 : vector<16xf32>
        %max3A_821 = arith.maximumf %scan3A_575, %max3A_819 : vector<16xf32>
        %min3A_822 = arith.minimumf %scan3A_576, %max3A_821 : vector<16xf32>
        %max3A_823 = arith.maximumf %scan3A_576, %max3A_821 : vector<16xf32>
        %min3A_824 = arith.minimumf %scan3A_577, %max3A_823 : vector<16xf32>
        %max3A_825 = arith.maximumf %scan3A_577, %max3A_823 : vector<16xf32>
        %min3A_826 = arith.minimumf %scan3A_578, %max3A_825 : vector<16xf32>
        %max3A_827 = arith.maximumf %scan3A_578, %max3A_825 : vector<16xf32>
        %min3A_828 = arith.minimumf %min3A_818, %add3A_667 : vector<16xf32>
        %max3A_829 = arith.maximumf %min3A_818, %add3A_667 : vector<16xf32>
        %min3A_830 = arith.minimumf %min3A_820, %max3A_829 : vector<16xf32>
        %max3A_831 = arith.maximumf %min3A_820, %max3A_829 : vector<16xf32>
        %min3A_832 = arith.minimumf %min3A_822, %max3A_831 : vector<16xf32>
        %max3A_833 = arith.maximumf %min3A_822, %max3A_831 : vector<16xf32>
        %min3A_834 = arith.minimumf %min3A_824, %max3A_833 : vector<16xf32>
        %max3A_835 = arith.maximumf %min3A_824, %max3A_833 : vector<16xf32>
        %min3A_836 = arith.minimumf %min3A_826, %max3A_835 : vector<16xf32>
        %max3A_837 = arith.maximumf %min3A_826, %max3A_835 : vector<16xf32>
        %min3A_838 = arith.minimumf %min3A_828, %add3A_711 : vector<16xf32>
        %max3A_839 = arith.maximumf %min3A_828, %add3A_711 : vector<16xf32>
        %min3A_840 = arith.minimumf %min3A_830, %max3A_839 : vector<16xf32>
        %max3A_841 = arith.maximumf %min3A_830, %max3A_839 : vector<16xf32>
        %min3A_842 = arith.minimumf %min3A_832, %max3A_841 : vector<16xf32>
        %max3A_843 = arith.maximumf %min3A_832, %max3A_841 : vector<16xf32>
        %min3A_844 = arith.minimumf %min3A_834, %max3A_843 : vector<16xf32>
        %max3A_845 = arith.maximumf %min3A_834, %max3A_843 : vector<16xf32>
        %min3A_846 = arith.minimumf %min3A_836, %max3A_845 : vector<16xf32>
        %max3A_847 = arith.maximumf %min3A_836, %max3A_845 : vector<16xf32>
        %min3A_848 = arith.minimumf %min3A_838, %add3A_755 : vector<16xf32>
        %max3A_849 = arith.maximumf %min3A_838, %add3A_755 : vector<16xf32>
        %min3A_850 = arith.minimumf %min3A_840, %max3A_849 : vector<16xf32>
        %max3A_851 = arith.maximumf %min3A_840, %max3A_849 : vector<16xf32>
        %min3A_852 = arith.minimumf %min3A_842, %max3A_851 : vector<16xf32>
        %max3A_853 = arith.maximumf %min3A_842, %max3A_851 : vector<16xf32>
        %min3A_854 = arith.minimumf %min3A_844, %max3A_853 : vector<16xf32>
        %max3A_855 = arith.maximumf %min3A_844, %max3A_853 : vector<16xf32>
        %min3A_856 = arith.minimumf %min3A_846, %max3A_855 : vector<16xf32>
        %max3A_857 = arith.maximumf %min3A_846, %max3A_855 : vector<16xf32>
        %min3A_858 = arith.minimumf %scan3A_579, %add3A_634 : vector<16xf32>
        %max3A_859 = arith.maximumf %scan3A_579, %add3A_634 : vector<16xf32>
        %min3A_860 = arith.minimumf %scan3A_580, %max3A_859 : vector<16xf32>
        %max3A_861 = arith.maximumf %scan3A_580, %max3A_859 : vector<16xf32>
        %min3A_862 = arith.minimumf %scan3A_581, %max3A_861 : vector<16xf32>
        %max3A_863 = arith.maximumf %scan3A_581, %max3A_861 : vector<16xf32>
        %min3A_864 = arith.minimumf %scan3A_582, %max3A_863 : vector<16xf32>
        %max3A_865 = arith.maximumf %scan3A_582, %max3A_863 : vector<16xf32>
        %min3A_866 = arith.minimumf %scan3A_583, %max3A_865 : vector<16xf32>
        %max3A_867 = arith.maximumf %scan3A_583, %max3A_865 : vector<16xf32>
        %min3A_868 = arith.minimumf %min3A_858, %add3A_678 : vector<16xf32>
        %max3A_869 = arith.maximumf %min3A_858, %add3A_678 : vector<16xf32>
        %min3A_870 = arith.minimumf %min3A_860, %max3A_869 : vector<16xf32>
        %max3A_871 = arith.maximumf %min3A_860, %max3A_869 : vector<16xf32>
        %min3A_872 = arith.minimumf %min3A_862, %max3A_871 : vector<16xf32>
        %max3A_873 = arith.maximumf %min3A_862, %max3A_871 : vector<16xf32>
        %min3A_874 = arith.minimumf %min3A_864, %max3A_873 : vector<16xf32>
        %max3A_875 = arith.maximumf %min3A_864, %max3A_873 : vector<16xf32>
        %min3A_876 = arith.minimumf %min3A_866, %max3A_875 : vector<16xf32>
        %max3A_877 = arith.maximumf %min3A_866, %max3A_875 : vector<16xf32>
        %min3A_878 = arith.minimumf %min3A_868, %add3A_722 : vector<16xf32>
        %max3A_879 = arith.maximumf %min3A_868, %add3A_722 : vector<16xf32>
        %min3A_880 = arith.minimumf %min3A_870, %max3A_879 : vector<16xf32>
        %max3A_881 = arith.maximumf %min3A_870, %max3A_879 : vector<16xf32>
        %min3A_882 = arith.minimumf %min3A_872, %max3A_881 : vector<16xf32>
        %max3A_883 = arith.maximumf %min3A_872, %max3A_881 : vector<16xf32>
        %min3A_884 = arith.minimumf %min3A_874, %max3A_883 : vector<16xf32>
        %max3A_885 = arith.maximumf %min3A_874, %max3A_883 : vector<16xf32>
        %min3A_886 = arith.minimumf %min3A_876, %max3A_885 : vector<16xf32>
        %max3A_887 = arith.maximumf %min3A_876, %max3A_885 : vector<16xf32>
        %min3A_888 = arith.minimumf %min3A_878, %add3A_766 : vector<16xf32>
        %max3A_889 = arith.maximumf %min3A_878, %add3A_766 : vector<16xf32>
        %min3A_890 = arith.minimumf %min3A_880, %max3A_889 : vector<16xf32>
        %max3A_891 = arith.maximumf %min3A_880, %max3A_889 : vector<16xf32>
        %min3A_892 = arith.minimumf %min3A_882, %max3A_891 : vector<16xf32>
        %max3A_893 = arith.maximumf %min3A_882, %max3A_891 : vector<16xf32>
        %min3A_894 = arith.minimumf %min3A_884, %max3A_893 : vector<16xf32>
        %max3A_895 = arith.maximumf %min3A_884, %max3A_893 : vector<16xf32>
        %min3A_896 = arith.minimumf %min3A_886, %max3A_895 : vector<16xf32>
        %max3A_897 = arith.maximumf %min3A_886, %max3A_895 : vector<16xf32>
        %min3A_898 = arith.minimumf %scan3A_584, %add3A_645 : vector<16xf32>
        %max3A_899 = arith.maximumf %scan3A_584, %add3A_645 : vector<16xf32>
        %min3A_900 = arith.minimumf %scan3A_585, %max3A_899 : vector<16xf32>
        %max3A_901 = arith.maximumf %scan3A_585, %max3A_899 : vector<16xf32>
        %min3A_902 = arith.minimumf %scan3A_586, %max3A_901 : vector<16xf32>
        %max3A_903 = arith.maximumf %scan3A_586, %max3A_901 : vector<16xf32>
        %min3A_904 = arith.minimumf %scan3A_587, %max3A_903 : vector<16xf32>
        %max3A_905 = arith.maximumf %scan3A_587, %max3A_903 : vector<16xf32>
        %min3A_906 = arith.minimumf %scan3A_588, %max3A_905 : vector<16xf32>
        %max3A_907 = arith.maximumf %scan3A_588, %max3A_905 : vector<16xf32>
        %min3A_908 = arith.minimumf %min3A_898, %add3A_689 : vector<16xf32>
        %max3A_909 = arith.maximumf %min3A_898, %add3A_689 : vector<16xf32>
        %min3A_910 = arith.minimumf %min3A_900, %max3A_909 : vector<16xf32>
        %max3A_911 = arith.maximumf %min3A_900, %max3A_909 : vector<16xf32>
        %min3A_912 = arith.minimumf %min3A_902, %max3A_911 : vector<16xf32>
        %max3A_913 = arith.maximumf %min3A_902, %max3A_911 : vector<16xf32>
        %min3A_914 = arith.minimumf %min3A_904, %max3A_913 : vector<16xf32>
        %max3A_915 = arith.maximumf %min3A_904, %max3A_913 : vector<16xf32>
        %min3A_916 = arith.minimumf %min3A_906, %max3A_915 : vector<16xf32>
        %max3A_917 = arith.maximumf %min3A_906, %max3A_915 : vector<16xf32>
        %min3A_918 = arith.minimumf %min3A_908, %add3A_733 : vector<16xf32>
        %max3A_919 = arith.maximumf %min3A_908, %add3A_733 : vector<16xf32>
        %min3A_920 = arith.minimumf %min3A_910, %max3A_919 : vector<16xf32>
        %max3A_921 = arith.maximumf %min3A_910, %max3A_919 : vector<16xf32>
        %min3A_922 = arith.minimumf %min3A_912, %max3A_921 : vector<16xf32>
        %max3A_923 = arith.maximumf %min3A_912, %max3A_921 : vector<16xf32>
        %min3A_924 = arith.minimumf %min3A_914, %max3A_923 : vector<16xf32>
        %max3A_925 = arith.maximumf %min3A_914, %max3A_923 : vector<16xf32>
        %min3A_926 = arith.minimumf %min3A_916, %max3A_925 : vector<16xf32>
        %max3A_927 = arith.maximumf %min3A_916, %max3A_925 : vector<16xf32>
        %min3A_928 = arith.minimumf %min3A_918, %add3A_777 : vector<16xf32>
        %max3A_929 = arith.maximumf %min3A_918, %add3A_777 : vector<16xf32>
        %min3A_930 = arith.minimumf %min3A_920, %max3A_929 : vector<16xf32>
        %max3A_931 = arith.maximumf %min3A_920, %max3A_929 : vector<16xf32>
        %min3A_932 = arith.minimumf %min3A_922, %max3A_931 : vector<16xf32>
        %max3A_933 = arith.maximumf %min3A_922, %max3A_931 : vector<16xf32>
        %min3A_934 = arith.minimumf %min3A_924, %max3A_933 : vector<16xf32>
        %max3A_935 = arith.maximumf %min3A_924, %max3A_933 : vector<16xf32>
        %min3A_936 = arith.minimumf %min3A_926, %max3A_935 : vector<16xf32>
        %max3A_937 = arith.maximumf %min3A_926, %max3A_935 : vector<16xf32>
        scf.yield %min3A_808, %min3A_810, %min3A_812, %min3A_814, %min3A_816, %min3A_848, %min3A_850, %min3A_852, %min3A_854, %min3A_856, %min3A_888, %min3A_890, %min3A_892, %min3A_894, %min3A_896, %min3A_928, %min3A_930, %min3A_932, %min3A_934, %min3A_936 : vector<16xf32>, vector<16xf32>, vector<16xf32>, vector<16xf32>, vector<16xf32>, vector<16xf32>, vector<16xf32>, vector<16xf32>, vector<16xf32>, vector<16xf32>, vector<16xf32>, vector<16xf32>, vector<16xf32>, vector<16xf32>, vector<16xf32>, vector<16xf32>, vector<16xf32>, vector<16xf32>, vector<16xf32>, vector<16xf32>
      }
      %scan3A_28 = arith.constant 128 : i32
      %min3A = arith.minimumf %scan3A_27#0, %scan3A_27#5 : vector<16xf32>
      %max3A = arith.maximumf %scan3A_27#0, %scan3A_27#5 : vector<16xf32>
      %min3A_29 = arith.minimumf %scan3A_27#1, %max3A : vector<16xf32>
      %max3A_30 = arith.maximumf %scan3A_27#1, %max3A : vector<16xf32>
      %min3A_31 = arith.minimumf %scan3A_27#2, %max3A_30 : vector<16xf32>
      %max3A_32 = arith.maximumf %scan3A_27#2, %max3A_30 : vector<16xf32>
      %min3A_33 = arith.minimumf %scan3A_27#3, %max3A_32 : vector<16xf32>
      %max3A_34 = arith.maximumf %scan3A_27#3, %max3A_32 : vector<16xf32>
      %min3A_35 = arith.minimumf %scan3A_27#4, %max3A_34 : vector<16xf32>
      %max3A_36 = arith.maximumf %scan3A_27#4, %max3A_34 : vector<16xf32>
      %min3A_37 = arith.minimumf %min3A, %scan3A_27#6 : vector<16xf32>
      %max3A_38 = arith.maximumf %min3A, %scan3A_27#6 : vector<16xf32>
      %min3A_39 = arith.minimumf %min3A_29, %max3A_38 : vector<16xf32>
      %max3A_40 = arith.maximumf %min3A_29, %max3A_38 : vector<16xf32>
      %min3A_41 = arith.minimumf %min3A_31, %max3A_40 : vector<16xf32>
      %max3A_42 = arith.maximumf %min3A_31, %max3A_40 : vector<16xf32>
      %min3A_43 = arith.minimumf %min3A_33, %max3A_42 : vector<16xf32>
      %max3A_44 = arith.maximumf %min3A_33, %max3A_42 : vector<16xf32>
      %min3A_45 = arith.minimumf %min3A_35, %max3A_44 : vector<16xf32>
      %max3A_46 = arith.maximumf %min3A_35, %max3A_44 : vector<16xf32>
      %min3A_47 = arith.minimumf %min3A_37, %scan3A_27#7 : vector<16xf32>
      %max3A_48 = arith.maximumf %min3A_37, %scan3A_27#7 : vector<16xf32>
      %min3A_49 = arith.minimumf %min3A_39, %max3A_48 : vector<16xf32>
      %max3A_50 = arith.maximumf %min3A_39, %max3A_48 : vector<16xf32>
      %min3A_51 = arith.minimumf %min3A_41, %max3A_50 : vector<16xf32>
      %max3A_52 = arith.maximumf %min3A_41, %max3A_50 : vector<16xf32>
      %min3A_53 = arith.minimumf %min3A_43, %max3A_52 : vector<16xf32>
      %max3A_54 = arith.maximumf %min3A_43, %max3A_52 : vector<16xf32>
      %min3A_55 = arith.minimumf %min3A_45, %max3A_54 : vector<16xf32>
      %max3A_56 = arith.maximumf %min3A_45, %max3A_54 : vector<16xf32>
      %min3A_57 = arith.minimumf %min3A_47, %scan3A_27#8 : vector<16xf32>
      %max3A_58 = arith.maximumf %min3A_47, %scan3A_27#8 : vector<16xf32>
      %min3A_59 = arith.minimumf %min3A_49, %max3A_58 : vector<16xf32>
      %max3A_60 = arith.maximumf %min3A_49, %max3A_58 : vector<16xf32>
      %min3A_61 = arith.minimumf %min3A_51, %max3A_60 : vector<16xf32>
      %max3A_62 = arith.maximumf %min3A_51, %max3A_60 : vector<16xf32>
      %min3A_63 = arith.minimumf %min3A_53, %max3A_62 : vector<16xf32>
      %max3A_64 = arith.maximumf %min3A_53, %max3A_62 : vector<16xf32>
      %min3A_65 = arith.minimumf %min3A_55, %max3A_64 : vector<16xf32>
      %max3A_66 = arith.maximumf %min3A_55, %max3A_64 : vector<16xf32>
      %min3A_67 = arith.minimumf %min3A_57, %scan3A_27#9 : vector<16xf32>
      %max3A_68 = arith.maximumf %min3A_57, %scan3A_27#9 : vector<16xf32>
      %min3A_69 = arith.minimumf %min3A_59, %max3A_68 : vector<16xf32>
      %max3A_70 = arith.maximumf %min3A_59, %max3A_68 : vector<16xf32>
      %min3A_71 = arith.minimumf %min3A_61, %max3A_70 : vector<16xf32>
      %max3A_72 = arith.maximumf %min3A_61, %max3A_70 : vector<16xf32>
      %min3A_73 = arith.minimumf %min3A_63, %max3A_72 : vector<16xf32>
      %max3A_74 = arith.maximumf %min3A_63, %max3A_72 : vector<16xf32>
      %min3A_75 = arith.minimumf %min3A_65, %max3A_74 : vector<16xf32>
      %max3A_76 = arith.maximumf %min3A_65, %max3A_74 : vector<16xf32>
      %min3A_77 = arith.minimumf %min3A_67, %scan3A_27#10 : vector<16xf32>
      %max3A_78 = arith.maximumf %min3A_67, %scan3A_27#10 : vector<16xf32>
      %min3A_79 = arith.minimumf %min3A_69, %max3A_78 : vector<16xf32>
      %max3A_80 = arith.maximumf %min3A_69, %max3A_78 : vector<16xf32>
      %min3A_81 = arith.minimumf %min3A_71, %max3A_80 : vector<16xf32>
      %max3A_82 = arith.maximumf %min3A_71, %max3A_80 : vector<16xf32>
      %min3A_83 = arith.minimumf %min3A_73, %max3A_82 : vector<16xf32>
      %max3A_84 = arith.maximumf %min3A_73, %max3A_82 : vector<16xf32>
      %min3A_85 = arith.minimumf %min3A_75, %max3A_84 : vector<16xf32>
      %max3A_86 = arith.maximumf %min3A_75, %max3A_84 : vector<16xf32>
      %min3A_87 = arith.minimumf %min3A_77, %scan3A_27#11 : vector<16xf32>
      %max3A_88 = arith.maximumf %min3A_77, %scan3A_27#11 : vector<16xf32>
      %min3A_89 = arith.minimumf %min3A_79, %max3A_88 : vector<16xf32>
      %max3A_90 = arith.maximumf %min3A_79, %max3A_88 : vector<16xf32>
      %min3A_91 = arith.minimumf %min3A_81, %max3A_90 : vector<16xf32>
      %max3A_92 = arith.maximumf %min3A_81, %max3A_90 : vector<16xf32>
      %min3A_93 = arith.minimumf %min3A_83, %max3A_92 : vector<16xf32>
      %max3A_94 = arith.maximumf %min3A_83, %max3A_92 : vector<16xf32>
      %min3A_95 = arith.minimumf %min3A_85, %max3A_94 : vector<16xf32>
      %max3A_96 = arith.maximumf %min3A_85, %max3A_94 : vector<16xf32>
      %min3A_97 = arith.minimumf %min3A_87, %scan3A_27#12 : vector<16xf32>
      %max3A_98 = arith.maximumf %min3A_87, %scan3A_27#12 : vector<16xf32>
      %min3A_99 = arith.minimumf %min3A_89, %max3A_98 : vector<16xf32>
      %max3A_100 = arith.maximumf %min3A_89, %max3A_98 : vector<16xf32>
      %min3A_101 = arith.minimumf %min3A_91, %max3A_100 : vector<16xf32>
      %max3A_102 = arith.maximumf %min3A_91, %max3A_100 : vector<16xf32>
      %min3A_103 = arith.minimumf %min3A_93, %max3A_102 : vector<16xf32>
      %max3A_104 = arith.maximumf %min3A_93, %max3A_102 : vector<16xf32>
      %min3A_105 = arith.minimumf %min3A_95, %max3A_104 : vector<16xf32>
      %max3A_106 = arith.maximumf %min3A_95, %max3A_104 : vector<16xf32>
      %min3A_107 = arith.minimumf %min3A_97, %scan3A_27#13 : vector<16xf32>
      %max3A_108 = arith.maximumf %min3A_97, %scan3A_27#13 : vector<16xf32>
      %min3A_109 = arith.minimumf %min3A_99, %max3A_108 : vector<16xf32>
      %max3A_110 = arith.maximumf %min3A_99, %max3A_108 : vector<16xf32>
      %min3A_111 = arith.minimumf %min3A_101, %max3A_110 : vector<16xf32>
      %max3A_112 = arith.maximumf %min3A_101, %max3A_110 : vector<16xf32>
      %min3A_113 = arith.minimumf %min3A_103, %max3A_112 : vector<16xf32>
      %max3A_114 = arith.maximumf %min3A_103, %max3A_112 : vector<16xf32>
      %min3A_115 = arith.minimumf %min3A_105, %max3A_114 : vector<16xf32>
      %max3A_116 = arith.maximumf %min3A_105, %max3A_114 : vector<16xf32>
      %min3A_117 = arith.minimumf %min3A_107, %scan3A_27#14 : vector<16xf32>
      %max3A_118 = arith.maximumf %min3A_107, %scan3A_27#14 : vector<16xf32>
      %min3A_119 = arith.minimumf %min3A_109, %max3A_118 : vector<16xf32>
      %max3A_120 = arith.maximumf %min3A_109, %max3A_118 : vector<16xf32>
      %min3A_121 = arith.minimumf %min3A_111, %max3A_120 : vector<16xf32>
      %max3A_122 = arith.maximumf %min3A_111, %max3A_120 : vector<16xf32>
      %min3A_123 = arith.minimumf %min3A_113, %max3A_122 : vector<16xf32>
      %max3A_124 = arith.maximumf %min3A_113, %max3A_122 : vector<16xf32>
      %min3A_125 = arith.minimumf %min3A_115, %max3A_124 : vector<16xf32>
      %max3A_126 = arith.maximumf %min3A_115, %max3A_124 : vector<16xf32>
      %min3A_127 = arith.minimumf %min3A_117, %scan3A_27#15 : vector<16xf32>
      %max3A_128 = arith.maximumf %min3A_117, %scan3A_27#15 : vector<16xf32>
      %min3A_129 = arith.minimumf %min3A_119, %max3A_128 : vector<16xf32>
      %max3A_130 = arith.maximumf %min3A_119, %max3A_128 : vector<16xf32>
      %min3A_131 = arith.minimumf %min3A_121, %max3A_130 : vector<16xf32>
      %max3A_132 = arith.maximumf %min3A_121, %max3A_130 : vector<16xf32>
      %min3A_133 = arith.minimumf %min3A_123, %max3A_132 : vector<16xf32>
      %max3A_134 = arith.maximumf %min3A_123, %max3A_132 : vector<16xf32>
      %min3A_135 = arith.minimumf %min3A_125, %max3A_134 : vector<16xf32>
      %max3A_136 = arith.maximumf %min3A_125, %max3A_134 : vector<16xf32>
      %min3A_137 = arith.minimumf %min3A_127, %scan3A_27#16 : vector<16xf32>
      %max3A_138 = arith.maximumf %min3A_127, %scan3A_27#16 : vector<16xf32>
      %min3A_139 = arith.minimumf %min3A_129, %max3A_138 : vector<16xf32>
      %max3A_140 = arith.maximumf %min3A_129, %max3A_138 : vector<16xf32>
      %min3A_141 = arith.minimumf %min3A_131, %max3A_140 : vector<16xf32>
      %max3A_142 = arith.maximumf %min3A_131, %max3A_140 : vector<16xf32>
      %min3A_143 = arith.minimumf %min3A_133, %max3A_142 : vector<16xf32>
      %max3A_144 = arith.maximumf %min3A_133, %max3A_142 : vector<16xf32>
      %min3A_145 = arith.minimumf %min3A_135, %max3A_144 : vector<16xf32>
      %max3A_146 = arith.maximumf %min3A_135, %max3A_144 : vector<16xf32>
      %min3A_147 = arith.minimumf %min3A_137, %scan3A_27#17 : vector<16xf32>
      %max3A_148 = arith.maximumf %min3A_137, %scan3A_27#17 : vector<16xf32>
      %min3A_149 = arith.minimumf %min3A_139, %max3A_148 : vector<16xf32>
      %max3A_150 = arith.maximumf %min3A_139, %max3A_148 : vector<16xf32>
      %min3A_151 = arith.minimumf %min3A_141, %max3A_150 : vector<16xf32>
      %max3A_152 = arith.maximumf %min3A_141, %max3A_150 : vector<16xf32>
      %min3A_153 = arith.minimumf %min3A_143, %max3A_152 : vector<16xf32>
      %max3A_154 = arith.maximumf %min3A_143, %max3A_152 : vector<16xf32>
      %min3A_155 = arith.minimumf %min3A_145, %max3A_154 : vector<16xf32>
      %max3A_156 = arith.maximumf %min3A_145, %max3A_154 : vector<16xf32>
      %min3A_157 = arith.minimumf %min3A_147, %scan3A_27#18 : vector<16xf32>
      %max3A_158 = arith.maximumf %min3A_147, %scan3A_27#18 : vector<16xf32>
      %min3A_159 = arith.minimumf %min3A_149, %max3A_158 : vector<16xf32>
      %max3A_160 = arith.maximumf %min3A_149, %max3A_158 : vector<16xf32>
      %min3A_161 = arith.minimumf %min3A_151, %max3A_160 : vector<16xf32>
      %max3A_162 = arith.maximumf %min3A_151, %max3A_160 : vector<16xf32>
      %min3A_163 = arith.minimumf %min3A_153, %max3A_162 : vector<16xf32>
      %max3A_164 = arith.maximumf %min3A_153, %max3A_162 : vector<16xf32>
      %min3A_165 = arith.minimumf %min3A_155, %max3A_164 : vector<16xf32>
      %max3A_166 = arith.maximumf %min3A_155, %max3A_164 : vector<16xf32>
      %min3A_167 = arith.minimumf %min3A_157, %scan3A_27#19 : vector<16xf32>
      %max3A_168 = arith.maximumf %min3A_157, %scan3A_27#19 : vector<16xf32>
      %min3A_169 = arith.minimumf %min3A_159, %max3A_168 : vector<16xf32>
      %max3A_170 = arith.maximumf %min3A_159, %max3A_168 : vector<16xf32>
      %min3A_171 = arith.minimumf %min3A_161, %max3A_170 : vector<16xf32>
      %max3A_172 = arith.maximumf %min3A_161, %max3A_170 : vector<16xf32>
      %min3A_173 = arith.minimumf %min3A_163, %max3A_172 : vector<16xf32>
      %max3A_174 = arith.maximumf %min3A_163, %max3A_172 : vector<16xf32>
      %min3A_175 = arith.minimumf %min3A_165, %max3A_174 : vector<16xf32>
      %max3A_176 = arith.maximumf %min3A_165, %max3A_174 : vector<16xf32>
      %broadcast_in_dim3A_177 = arith.constant 0.000000e+00 : f32
      %broadcast_in_dim3A_178 = vector.broadcast %broadcast_in_dim3A_177 : f32 to vector<16xf32>
      %bitcast_convert_type3A = tpu.bitcast %min3A_167 : vector<16xf32> -> vector<16xi32>
      %shift_right_arithmetic3A = arith.constant 1 : i32
      %shift_right_arithmetic3A_179 = vector.broadcast %shift_right_arithmetic3A : i32 to vector<16xi32>
      %shift_right_arithmetic3A_180 = arith.shrsi %bitcast_convert_type3A, %shift_right_arithmetic3A_179 : vector<16xi32>
      %sub3A = arith.constant 1597463007 : i32
      %sub3A_181 = vector.broadcast %sub3A : i32 to vector<16xi32>
      %sub3A_182 = arith.subi %sub3A_181, %shift_right_arithmetic3A_180 : vector<16xi32>
      %bitcast_convert_type3A_183 = tpu.bitcast %sub3A_182 : vector<16xi32> -> vector<16xf32>
      %mul3A_184 = arith.constant 5.000000e-01 : f32
      %mul3A_185 = vector.broadcast %mul3A_184 : f32 to vector<16xf32>
      %mul3A_186 = arith.mulf %mul3A_185, %min3A_167 : vector<16xf32>
      %mul3A_187 = arith.mulf %mul3A_186, %bitcast_convert_type3A_183 : vector<16xf32>
      %mul3A_188 = arith.mulf %mul3A_187, %bitcast_convert_type3A_183 : vector<16xf32>
      %sub3A_189 = arith.constant 1.500000e+00 : f32
      %sub3A_190 = vector.broadcast %sub3A_189 : f32 to vector<16xf32>
      %sub3A_191 = arith.subf %sub3A_190, %mul3A_188 : vector<16xf32>
      %mul3A_192 = arith.mulf %bitcast_convert_type3A_183, %sub3A_191 : vector<16xf32>
      %mul3A_193 = arith.constant 5.000000e-01 : f32
      %mul3A_194 = vector.broadcast %mul3A_193 : f32 to vector<16xf32>
      %mul3A_195 = arith.mulf %mul3A_194, %min3A_167 : vector<16xf32>
      %mul3A_196 = arith.mulf %mul3A_195, %mul3A_192 : vector<16xf32>
      %mul3A_197 = arith.mulf %mul3A_196, %mul3A_192 : vector<16xf32>
      %sub3A_198 = arith.constant 1.500000e+00 : f32
      %sub3A_199 = vector.broadcast %sub3A_198 : f32 to vector<16xf32>
      %sub3A_200 = arith.subf %sub3A_199, %mul3A_197 : vector<16xf32>
      %mul3A_201 = arith.mulf %mul3A_192, %sub3A_200 : vector<16xf32>
      %mul3A_202 = arith.constant 5.000000e-01 : f32
      %mul3A_203 = vector.broadcast %mul3A_202 : f32 to vector<16xf32>
      %mul3A_204 = arith.mulf %mul3A_203, %min3A_167 : vector<16xf32>
      %mul3A_205 = arith.mulf %mul3A_204, %mul3A_201 : vector<16xf32>
      %mul3A_206 = arith.mulf %mul3A_205, %mul3A_201 : vector<16xf32>
      %sub3A_207 = arith.constant 1.500000e+00 : f32
      %sub3A_208 = vector.broadcast %sub3A_207 : f32 to vector<16xf32>
      %sub3A_209 = arith.subf %sub3A_208, %mul3A_206 : vector<16xf32>
      %mul3A_210 = arith.mulf %mul3A_201, %sub3A_209 : vector<16xf32>
      %gt3A = arith.constant 0.000000e+00 : f32
      %gt3A_211 = vector.broadcast %gt3A : f32 to vector<16xf32>
      %gt3A_212 = arith.cmpf ogt, %min3A_167, %gt3A_211 : vector<16xf32>
      %mul3A_213 = arith.mulf %min3A_167, %mul3A_210 : vector<16xf32>
      %jit3A = arith.constant 0.000000e+00 : f32
      %broadcast_in_dim3A_214 = vector.broadcast %jit3A : f32 to vector<16xf32>
      %select_n3A = arith.select %gt3A_212, %mul3A_213, %broadcast_in_dim3A_214 : vector<16xi1>, vector<16xf32>
      %add3A_215 = arith.addf %broadcast_in_dim3A_178, %select_n3A : vector<16xf32>
      %bitcast_convert_type3A_216 = tpu.bitcast %min3A_169 : vector<16xf32> -> vector<16xi32>
      %shift_right_arithmetic3A_217 = arith.constant 1 : i32
      %shift_right_arithmetic3A_218 = vector.broadcast %shift_right_arithmetic3A_217 : i32 to vector<16xi32>
      %shift_right_arithmetic3A_219 = arith.shrsi %bitcast_convert_type3A_216, %shift_right_arithmetic3A_218 : vector<16xi32>
      %sub3A_220 = arith.constant 1597463007 : i32
      %sub3A_221 = vector.broadcast %sub3A_220 : i32 to vector<16xi32>
      %sub3A_222 = arith.subi %sub3A_221, %shift_right_arithmetic3A_219 : vector<16xi32>
      %bitcast_convert_type3A_223 = tpu.bitcast %sub3A_222 : vector<16xi32> -> vector<16xf32>
      %mul3A_224 = arith.constant 5.000000e-01 : f32
      %mul3A_225 = vector.broadcast %mul3A_224 : f32 to vector<16xf32>
      %mul3A_226 = arith.mulf %mul3A_225, %min3A_169 : vector<16xf32>
      %mul3A_227 = arith.mulf %mul3A_226, %bitcast_convert_type3A_223 : vector<16xf32>
      %mul3A_228 = arith.mulf %mul3A_227, %bitcast_convert_type3A_223 : vector<16xf32>
      %sub3A_229 = arith.constant 1.500000e+00 : f32
      %sub3A_230 = vector.broadcast %sub3A_229 : f32 to vector<16xf32>
      %sub3A_231 = arith.subf %sub3A_230, %mul3A_228 : vector<16xf32>
      %mul3A_232 = arith.mulf %bitcast_convert_type3A_223, %sub3A_231 : vector<16xf32>
      %mul3A_233 = arith.constant 5.000000e-01 : f32
      %mul3A_234 = vector.broadcast %mul3A_233 : f32 to vector<16xf32>
      %mul3A_235 = arith.mulf %mul3A_234, %min3A_169 : vector<16xf32>
      %mul3A_236 = arith.mulf %mul3A_235, %mul3A_232 : vector<16xf32>
      %mul3A_237 = arith.mulf %mul3A_236, %mul3A_232 : vector<16xf32>
      %sub3A_238 = arith.constant 1.500000e+00 : f32
      %sub3A_239 = vector.broadcast %sub3A_238 : f32 to vector<16xf32>
      %sub3A_240 = arith.subf %sub3A_239, %mul3A_237 : vector<16xf32>
      %mul3A_241 = arith.mulf %mul3A_232, %sub3A_240 : vector<16xf32>
      %mul3A_242 = arith.constant 5.000000e-01 : f32
      %mul3A_243 = vector.broadcast %mul3A_242 : f32 to vector<16xf32>
      %mul3A_244 = arith.mulf %mul3A_243, %min3A_169 : vector<16xf32>
      %mul3A_245 = arith.mulf %mul3A_244, %mul3A_241 : vector<16xf32>
      %mul3A_246 = arith.mulf %mul3A_245, %mul3A_241 : vector<16xf32>
      %sub3A_247 = arith.constant 1.500000e+00 : f32
      %sub3A_248 = vector.broadcast %sub3A_247 : f32 to vector<16xf32>
      %sub3A_249 = arith.subf %sub3A_248, %mul3A_246 : vector<16xf32>
      %mul3A_250 = arith.mulf %mul3A_241, %sub3A_249 : vector<16xf32>
      %gt3A_251 = arith.constant 0.000000e+00 : f32
      %gt3A_252 = vector.broadcast %gt3A_251 : f32 to vector<16xf32>
      %gt3A_253 = arith.cmpf ogt, %min3A_169, %gt3A_252 : vector<16xf32>
      %mul3A_254 = arith.mulf %min3A_169, %mul3A_250 : vector<16xf32>
      %jit3A_255 = arith.constant 0.000000e+00 : f32
      %broadcast_in_dim3A_256 = vector.broadcast %jit3A_255 : f32 to vector<16xf32>
      %select_n3A_257 = arith.select %gt3A_253, %mul3A_254, %broadcast_in_dim3A_256 : vector<16xi1>, vector<16xf32>
      %add3A_258 = arith.addf %add3A_215, %select_n3A_257 : vector<16xf32>
      %bitcast_convert_type3A_259 = tpu.bitcast %min3A_171 : vector<16xf32> -> vector<16xi32>
      %shift_right_arithmetic3A_260 = arith.constant 1 : i32
      %shift_right_arithmetic3A_261 = vector.broadcast %shift_right_arithmetic3A_260 : i32 to vector<16xi32>
      %shift_right_arithmetic3A_262 = arith.shrsi %bitcast_convert_type3A_259, %shift_right_arithmetic3A_261 : vector<16xi32>
      %sub3A_263 = arith.constant 1597463007 : i32
      %sub3A_264 = vector.broadcast %sub3A_263 : i32 to vector<16xi32>
      %sub3A_265 = arith.subi %sub3A_264, %shift_right_arithmetic3A_262 : vector<16xi32>
      %bitcast_convert_type3A_266 = tpu.bitcast %sub3A_265 : vector<16xi32> -> vector<16xf32>
      %mul3A_267 = arith.constant 5.000000e-01 : f32
      %mul3A_268 = vector.broadcast %mul3A_267 : f32 to vector<16xf32>
      %mul3A_269 = arith.mulf %mul3A_268, %min3A_171 : vector<16xf32>
      %mul3A_270 = arith.mulf %mul3A_269, %bitcast_convert_type3A_266 : vector<16xf32>
      %mul3A_271 = arith.mulf %mul3A_270, %bitcast_convert_type3A_266 : vector<16xf32>
      %sub3A_272 = arith.constant 1.500000e+00 : f32
      %sub3A_273 = vector.broadcast %sub3A_272 : f32 to vector<16xf32>
      %sub3A_274 = arith.subf %sub3A_273, %mul3A_271 : vector<16xf32>
      %mul3A_275 = arith.mulf %bitcast_convert_type3A_266, %sub3A_274 : vector<16xf32>
      %mul3A_276 = arith.constant 5.000000e-01 : f32
      %mul3A_277 = vector.broadcast %mul3A_276 : f32 to vector<16xf32>
      %mul3A_278 = arith.mulf %mul3A_277, %min3A_171 : vector<16xf32>
      %mul3A_279 = arith.mulf %mul3A_278, %mul3A_275 : vector<16xf32>
      %mul3A_280 = arith.mulf %mul3A_279, %mul3A_275 : vector<16xf32>
      %sub3A_281 = arith.constant 1.500000e+00 : f32
      %sub3A_282 = vector.broadcast %sub3A_281 : f32 to vector<16xf32>
      %sub3A_283 = arith.subf %sub3A_282, %mul3A_280 : vector<16xf32>
      %mul3A_284 = arith.mulf %mul3A_275, %sub3A_283 : vector<16xf32>
      %mul3A_285 = arith.constant 5.000000e-01 : f32
      %mul3A_286 = vector.broadcast %mul3A_285 : f32 to vector<16xf32>
      %mul3A_287 = arith.mulf %mul3A_286, %min3A_171 : vector<16xf32>
      %mul3A_288 = arith.mulf %mul3A_287, %mul3A_284 : vector<16xf32>
      %mul3A_289 = arith.mulf %mul3A_288, %mul3A_284 : vector<16xf32>
      %sub3A_290 = arith.constant 1.500000e+00 : f32
      %sub3A_291 = vector.broadcast %sub3A_290 : f32 to vector<16xf32>
      %sub3A_292 = arith.subf %sub3A_291, %mul3A_289 : vector<16xf32>
      %mul3A_293 = arith.mulf %mul3A_284, %sub3A_292 : vector<16xf32>
      %gt3A_294 = arith.constant 0.000000e+00 : f32
      %gt3A_295 = vector.broadcast %gt3A_294 : f32 to vector<16xf32>
      %gt3A_296 = arith.cmpf ogt, %min3A_171, %gt3A_295 : vector<16xf32>
      %mul3A_297 = arith.mulf %min3A_171, %mul3A_293 : vector<16xf32>
      %jit3A_298 = arith.constant 0.000000e+00 : f32
      %broadcast_in_dim3A_299 = vector.broadcast %jit3A_298 : f32 to vector<16xf32>
      %select_n3A_300 = arith.select %gt3A_296, %mul3A_297, %broadcast_in_dim3A_299 : vector<16xi1>, vector<16xf32>
      %add3A_301 = arith.addf %add3A_258, %select_n3A_300 : vector<16xf32>
      %bitcast_convert_type3A_302 = tpu.bitcast %min3A_173 : vector<16xf32> -> vector<16xi32>
      %shift_right_arithmetic3A_303 = arith.constant 1 : i32
      %shift_right_arithmetic3A_304 = vector.broadcast %shift_right_arithmetic3A_303 : i32 to vector<16xi32>
      %shift_right_arithmetic3A_305 = arith.shrsi %bitcast_convert_type3A_302, %shift_right_arithmetic3A_304 : vector<16xi32>
      %sub3A_306 = arith.constant 1597463007 : i32
      %sub3A_307 = vector.broadcast %sub3A_306 : i32 to vector<16xi32>
      %sub3A_308 = arith.subi %sub3A_307, %shift_right_arithmetic3A_305 : vector<16xi32>
      %bitcast_convert_type3A_309 = tpu.bitcast %sub3A_308 : vector<16xi32> -> vector<16xf32>
      %mul3A_310 = arith.constant 5.000000e-01 : f32
      %mul3A_311 = vector.broadcast %mul3A_310 : f32 to vector<16xf32>
      %mul3A_312 = arith.mulf %mul3A_311, %min3A_173 : vector<16xf32>
      %mul3A_313 = arith.mulf %mul3A_312, %bitcast_convert_type3A_309 : vector<16xf32>
      %mul3A_314 = arith.mulf %mul3A_313, %bitcast_convert_type3A_309 : vector<16xf32>
      %sub3A_315 = arith.constant 1.500000e+00 : f32
      %sub3A_316 = vector.broadcast %sub3A_315 : f32 to vector<16xf32>
      %sub3A_317 = arith.subf %sub3A_316, %mul3A_314 : vector<16xf32>
      %mul3A_318 = arith.mulf %bitcast_convert_type3A_309, %sub3A_317 : vector<16xf32>
      %mul3A_319 = arith.constant 5.000000e-01 : f32
      %mul3A_320 = vector.broadcast %mul3A_319 : f32 to vector<16xf32>
      %mul3A_321 = arith.mulf %mul3A_320, %min3A_173 : vector<16xf32>
      %mul3A_322 = arith.mulf %mul3A_321, %mul3A_318 : vector<16xf32>
      %mul3A_323 = arith.mulf %mul3A_322, %mul3A_318 : vector<16xf32>
      %sub3A_324 = arith.constant 1.500000e+00 : f32
      %sub3A_325 = vector.broadcast %sub3A_324 : f32 to vector<16xf32>
      %sub3A_326 = arith.subf %sub3A_325, %mul3A_323 : vector<16xf32>
      %mul3A_327 = arith.mulf %mul3A_318, %sub3A_326 : vector<16xf32>
      %mul3A_328 = arith.constant 5.000000e-01 : f32
      %mul3A_329 = vector.broadcast %mul3A_328 : f32 to vector<16xf32>
      %mul3A_330 = arith.mulf %mul3A_329, %min3A_173 : vector<16xf32>
      %mul3A_331 = arith.mulf %mul3A_330, %mul3A_327 : vector<16xf32>
      %mul3A_332 = arith.mulf %mul3A_331, %mul3A_327 : vector<16xf32>
      %sub3A_333 = arith.constant 1.500000e+00 : f32
      %sub3A_334 = vector.broadcast %sub3A_333 : f32 to vector<16xf32>
      %sub3A_335 = arith.subf %sub3A_334, %mul3A_332 : vector<16xf32>
      %mul3A_336 = arith.mulf %mul3A_327, %sub3A_335 : vector<16xf32>
      %gt3A_337 = arith.constant 0.000000e+00 : f32
      %gt3A_338 = vector.broadcast %gt3A_337 : f32 to vector<16xf32>
      %gt3A_339 = arith.cmpf ogt, %min3A_173, %gt3A_338 : vector<16xf32>
      %mul3A_340 = arith.mulf %min3A_173, %mul3A_336 : vector<16xf32>
      %jit3A_341 = arith.constant 0.000000e+00 : f32
      %broadcast_in_dim3A_342 = vector.broadcast %jit3A_341 : f32 to vector<16xf32>
      %select_n3A_343 = arith.select %gt3A_339, %mul3A_340, %broadcast_in_dim3A_342 : vector<16xi1>, vector<16xf32>
      %add3A_344 = arith.addf %add3A_301, %select_n3A_343 : vector<16xf32>
      %bitcast_convert_type3A_345 = tpu.bitcast %min3A_175 : vector<16xf32> -> vector<16xi32>
      %shift_right_arithmetic3A_346 = arith.constant 1 : i32
      %shift_right_arithmetic3A_347 = vector.broadcast %shift_right_arithmetic3A_346 : i32 to vector<16xi32>
      %shift_right_arithmetic3A_348 = arith.shrsi %bitcast_convert_type3A_345, %shift_right_arithmetic3A_347 : vector<16xi32>
      %sub3A_349 = arith.constant 1597463007 : i32
      %sub3A_350 = vector.broadcast %sub3A_349 : i32 to vector<16xi32>
      %sub3A_351 = arith.subi %sub3A_350, %shift_right_arithmetic3A_348 : vector<16xi32>
      %bitcast_convert_type3A_352 = tpu.bitcast %sub3A_351 : vector<16xi32> -> vector<16xf32>
      %mul3A_353 = arith.constant 5.000000e-01 : f32
      %mul3A_354 = vector.broadcast %mul3A_353 : f32 to vector<16xf32>
      %mul3A_355 = arith.mulf %mul3A_354, %min3A_175 : vector<16xf32>
      %mul3A_356 = arith.mulf %mul3A_355, %bitcast_convert_type3A_352 : vector<16xf32>
      %mul3A_357 = arith.mulf %mul3A_356, %bitcast_convert_type3A_352 : vector<16xf32>
      %sub3A_358 = arith.constant 1.500000e+00 : f32
      %sub3A_359 = vector.broadcast %sub3A_358 : f32 to vector<16xf32>
      %sub3A_360 = arith.subf %sub3A_359, %mul3A_357 : vector<16xf32>
      %mul3A_361 = arith.mulf %bitcast_convert_type3A_352, %sub3A_360 : vector<16xf32>
      %mul3A_362 = arith.constant 5.000000e-01 : f32
      %mul3A_363 = vector.broadcast %mul3A_362 : f32 to vector<16xf32>
      %mul3A_364 = arith.mulf %mul3A_363, %min3A_175 : vector<16xf32>
      %mul3A_365 = arith.mulf %mul3A_364, %mul3A_361 : vector<16xf32>
      %mul3A_366 = arith.mulf %mul3A_365, %mul3A_361 : vector<16xf32>
      %sub3A_367 = arith.constant 1.500000e+00 : f32
      %sub3A_368 = vector.broadcast %sub3A_367 : f32 to vector<16xf32>
      %sub3A_369 = arith.subf %sub3A_368, %mul3A_366 : vector<16xf32>
      %mul3A_370 = arith.mulf %mul3A_361, %sub3A_369 : vector<16xf32>
      %mul3A_371 = arith.constant 5.000000e-01 : f32
      %mul3A_372 = vector.broadcast %mul3A_371 : f32 to vector<16xf32>
      %mul3A_373 = arith.mulf %mul3A_372, %min3A_175 : vector<16xf32>
      %mul3A_374 = arith.mulf %mul3A_373, %mul3A_370 : vector<16xf32>
      %mul3A_375 = arith.mulf %mul3A_374, %mul3A_370 : vector<16xf32>
      %sub3A_376 = arith.constant 1.500000e+00 : f32
      %sub3A_377 = vector.broadcast %sub3A_376 : f32 to vector<16xf32>
      %sub3A_378 = arith.subf %sub3A_377, %mul3A_375 : vector<16xf32>
      %mul3A_379 = arith.mulf %mul3A_370, %sub3A_378 : vector<16xf32>
      %gt3A_380 = arith.constant 0.000000e+00 : f32
      %gt3A_381 = vector.broadcast %gt3A_380 : f32 to vector<16xf32>
      %gt3A_382 = arith.cmpf ogt, %min3A_175, %gt3A_381 : vector<16xf32>
      %mul3A_383 = arith.mulf %min3A_175, %mul3A_379 : vector<16xf32>
      %jit3A_384 = arith.constant 0.000000e+00 : f32
      %broadcast_in_dim3A_385 = vector.broadcast %jit3A_384 : f32 to vector<16xf32>
      %select_n3A_386 = arith.select %gt3A_382, %mul3A_383, %broadcast_in_dim3A_385 : vector<16xi1>, vector<16xf32>
      %add3A_387 = arith.addf %add3A_344, %select_n3A_386 : vector<16xf32>
      %div3A = arith.constant 5.000000e+00 : f32
      %div3A_388 = vector.broadcast %div3A : f32 to vector<16xf32>
      %div3A_389 = arith.divf %add3A_387, %div3A_388 : vector<16xf32>
      %sub3A_390 = arith.subf %get3A_22, %get3A_19 : vector<16xf32>
      %exp3A = math.exp %sub3A_390 : vector<16xf32>
      %add3A_391 = arith.constant 1.000000e+00 : f32
      %add3A_392 = vector.broadcast %add3A_391 : f32 to vector<16xf32>
      %add3A_393 = arith.addf %add3A_392, %exp3A : vector<16xf32>
      %div3A_394 = arith.constant 1.000000e+00 : f32
      %div3A_395 = vector.broadcast %div3A_394 : f32 to vector<16xf32>
      %div3A_396 = arith.divf %div3A_395, %add3A_393 : vector<16xf32>
      %mul3A_397 = arith.constant 2.000000e+00 : f32
      %mul3A_398 = vector.broadcast %mul3A_397 : f32 to vector<16xf32>
      %mul3A_399 = arith.mulf %mul3A_398, %div3A_396 : vector<16xf32>
      %sub3A_400 = arith.constant 1.000000e+00 : f32
      %sub3A_401 = vector.broadcast %sub3A_400 : f32 to vector<16xf32>
      %sub3A_402 = arith.subf %sub3A_401, %mul3A_399 : vector<16xf32>
      %slice3A = vector.extract_strided_slice %get3A_13 {offsets = [0], sizes = [1], strides = [1]} : vector<16xf32> to vector<1xf32>
      %squeeze3A = vector.extract %slice3A[0] : f32 from vector<1xf32>
      %slice3A_403 = vector.extract_strided_slice %get3A_13 {offsets = [1], sizes = [1], strides = [1]} : vector<16xf32> to vector<1xf32>
      %squeeze3A_404 = vector.extract %slice3A_403[0] : f32 from vector<1xf32>
      %slice3A_405 = vector.extract_strided_slice %get3A_13 {offsets = [2], sizes = [1], strides = [1]} : vector<16xf32> to vector<1xf32>
      %squeeze3A_406 = vector.extract %slice3A_405[0] : f32 from vector<1xf32>
      %slice3A_407 = vector.extract_strided_slice %get3A_13 {offsets = [3], sizes = [1], strides = [1]} : vector<16xf32> to vector<1xf32>
      %squeeze3A_408 = vector.extract %slice3A_407[0] : f32 from vector<1xf32>
      %slice3A_409 = vector.extract_strided_slice %get3A_13 {offsets = [4], sizes = [1], strides = [1]} : vector<16xf32> to vector<1xf32>
      %squeeze3A_410 = vector.extract %slice3A_409[0] : f32 from vector<1xf32>
      %slice3A_411 = vector.extract_strided_slice %get3A_13 {offsets = [5], sizes = [1], strides = [1]} : vector<16xf32> to vector<1xf32>
      %squeeze3A_412 = vector.extract %slice3A_411[0] : f32 from vector<1xf32>
      %slice3A_413 = vector.extract_strided_slice %get3A_13 {offsets = [6], sizes = [1], strides = [1]} : vector<16xf32> to vector<1xf32>
      %squeeze3A_414 = vector.extract %slice3A_413[0] : f32 from vector<1xf32>
      %slice3A_415 = vector.extract_strided_slice %get3A_13 {offsets = [7], sizes = [1], strides = [1]} : vector<16xf32> to vector<1xf32>
      %squeeze3A_416 = vector.extract %slice3A_415[0] : f32 from vector<1xf32>
      %slice3A_417 = vector.extract_strided_slice %get3A_13 {offsets = [8], sizes = [1], strides = [1]} : vector<16xf32> to vector<1xf32>
      %squeeze3A_418 = vector.extract %slice3A_417[0] : f32 from vector<1xf32>
      %slice3A_419 = vector.extract_strided_slice %get3A_13 {offsets = [9], sizes = [1], strides = [1]} : vector<16xf32> to vector<1xf32>
      %squeeze3A_420 = vector.extract %slice3A_419[0] : f32 from vector<1xf32>
      %slice3A_421 = vector.extract_strided_slice %get3A_13 {offsets = [10], sizes = [1], strides = [1]} : vector<16xf32> to vector<1xf32>
      %squeeze3A_422 = vector.extract %slice3A_421[0] : f32 from vector<1xf32>
      %slice3A_423 = vector.extract_strided_slice %get3A_13 {offsets = [11], sizes = [1], strides = [1]} : vector<16xf32> to vector<1xf32>
      %squeeze3A_424 = vector.extract %slice3A_423[0] : f32 from vector<1xf32>
      %slice3A_425 = vector.extract_strided_slice %get3A_13 {offsets = [12], sizes = [1], strides = [1]} : vector<16xf32> to vector<1xf32>
      %squeeze3A_426 = vector.extract %slice3A_425[0] : f32 from vector<1xf32>
      %slice3A_427 = vector.extract_strided_slice %get3A_13 {offsets = [13], sizes = [1], strides = [1]} : vector<16xf32> to vector<1xf32>
      %squeeze3A_428 = vector.extract %slice3A_427[0] : f32 from vector<1xf32>
      %slice3A_429 = vector.extract_strided_slice %get3A_13 {offsets = [14], sizes = [1], strides = [1]} : vector<16xf32> to vector<1xf32>
      %squeeze3A_430 = vector.extract %slice3A_429[0] : f32 from vector<1xf32>
      %slice3A_431 = vector.extract_strided_slice %get3A_13 {offsets = [15], sizes = [1], strides = [1]} : vector<16xf32> to vector<1xf32>
      %squeeze3A_432 = vector.extract %slice3A_431[0] : f32 from vector<1xf32>
      %slice3A_433 = vector.extract_strided_slice %get3A_16 {offsets = [0], sizes = [1], strides = [1]} : vector<16xf32> to vector<1xf32>
      %squeeze3A_434 = vector.extract %slice3A_433[0] : f32 from vector<1xf32>
      %slice3A_435 = vector.extract_strided_slice %get3A_16 {offsets = [1], sizes = [1], strides = [1]} : vector<16xf32> to vector<1xf32>
      %squeeze3A_436 = vector.extract %slice3A_435[0] : f32 from vector<1xf32>
      %slice3A_437 = vector.extract_strided_slice %get3A_16 {offsets = [2], sizes = [1], strides = [1]} : vector<16xf32> to vector<1xf32>
      %squeeze3A_438 = vector.extract %slice3A_437[0] : f32 from vector<1xf32>
      %slice3A_439 = vector.extract_strided_slice %get3A_16 {offsets = [3], sizes = [1], strides = [1]} : vector<16xf32> to vector<1xf32>
      %squeeze3A_440 = vector.extract %slice3A_439[0] : f32 from vector<1xf32>
      %slice3A_441 = vector.extract_strided_slice %get3A_16 {offsets = [4], sizes = [1], strides = [1]} : vector<16xf32> to vector<1xf32>
      %squeeze3A_442 = vector.extract %slice3A_441[0] : f32 from vector<1xf32>
      %slice3A_443 = vector.extract_strided_slice %get3A_16 {offsets = [5], sizes = [1], strides = [1]} : vector<16xf32> to vector<1xf32>
      %squeeze3A_444 = vector.extract %slice3A_443[0] : f32 from vector<1xf32>
      %slice3A_445 = vector.extract_strided_slice %get3A_16 {offsets = [6], sizes = [1], strides = [1]} : vector<16xf32> to vector<1xf32>
      %squeeze3A_446 = vector.extract %slice3A_445[0] : f32 from vector<1xf32>
      %slice3A_447 = vector.extract_strided_slice %get3A_16 {offsets = [7], sizes = [1], strides = [1]} : vector<16xf32> to vector<1xf32>
      %squeeze3A_448 = vector.extract %slice3A_447[0] : f32 from vector<1xf32>
      %slice3A_449 = vector.extract_strided_slice %get3A_16 {offsets = [8], sizes = [1], strides = [1]} : vector<16xf32> to vector<1xf32>
      %squeeze3A_450 = vector.extract %slice3A_449[0] : f32 from vector<1xf32>
      %slice3A_451 = vector.extract_strided_slice %get3A_16 {offsets = [9], sizes = [1], strides = [1]} : vector<16xf32> to vector<1xf32>
      %squeeze3A_452 = vector.extract %slice3A_451[0] : f32 from vector<1xf32>
      %slice3A_453 = vector.extract_strided_slice %get3A_16 {offsets = [10], sizes = [1], strides = [1]} : vector<16xf32> to vector<1xf32>
      %squeeze3A_454 = vector.extract %slice3A_453[0] : f32 from vector<1xf32>
      %slice3A_455 = vector.extract_strided_slice %get3A_16 {offsets = [11], sizes = [1], strides = [1]} : vector<16xf32> to vector<1xf32>
      %squeeze3A_456 = vector.extract %slice3A_455[0] : f32 from vector<1xf32>
      %slice3A_457 = vector.extract_strided_slice %get3A_16 {offsets = [12], sizes = [1], strides = [1]} : vector<16xf32> to vector<1xf32>
      %squeeze3A_458 = vector.extract %slice3A_457[0] : f32 from vector<1xf32>
      %slice3A_459 = vector.extract_strided_slice %get3A_16 {offsets = [13], sizes = [1], strides = [1]} : vector<16xf32> to vector<1xf32>
      %squeeze3A_460 = vector.extract %slice3A_459[0] : f32 from vector<1xf32>
      %slice3A_461 = vector.extract_strided_slice %get3A_16 {offsets = [14], sizes = [1], strides = [1]} : vector<16xf32> to vector<1xf32>
      %squeeze3A_462 = vector.extract %slice3A_461[0] : f32 from vector<1xf32>
      %slice3A_463 = vector.extract_strided_slice %get3A_16 {offsets = [15], sizes = [1], strides = [1]} : vector<16xf32> to vector<1xf32>
      %squeeze3A_464 = vector.extract %slice3A_463[0] : f32 from vector<1xf32>
      %slice3A_465 = vector.extract_strided_slice %div3A_389 {offsets = [0], sizes = [1], strides = [1]} : vector<16xf32> to vector<1xf32>
      %squeeze3A_466 = vector.extract %slice3A_465[0] : f32 from vector<1xf32>
      %slice3A_467 = vector.extract_strided_slice %div3A_389 {offsets = [1], sizes = [1], strides = [1]} : vector<16xf32> to vector<1xf32>
      %squeeze3A_468 = vector.extract %slice3A_467[0] : f32 from vector<1xf32>
      %slice3A_469 = vector.extract_strided_slice %div3A_389 {offsets = [2], sizes = [1], strides = [1]} : vector<16xf32> to vector<1xf32>
      %squeeze3A_470 = vector.extract %slice3A_469[0] : f32 from vector<1xf32>
      %slice3A_471 = vector.extract_strided_slice %div3A_389 {offsets = [3], sizes = [1], strides = [1]} : vector<16xf32> to vector<1xf32>
      %squeeze3A_472 = vector.extract %slice3A_471[0] : f32 from vector<1xf32>
      %slice3A_473 = vector.extract_strided_slice %div3A_389 {offsets = [4], sizes = [1], strides = [1]} : vector<16xf32> to vector<1xf32>
      %squeeze3A_474 = vector.extract %slice3A_473[0] : f32 from vector<1xf32>
      %slice3A_475 = vector.extract_strided_slice %div3A_389 {offsets = [5], sizes = [1], strides = [1]} : vector<16xf32> to vector<1xf32>
      %squeeze3A_476 = vector.extract %slice3A_475[0] : f32 from vector<1xf32>
      %slice3A_477 = vector.extract_strided_slice %div3A_389 {offsets = [6], sizes = [1], strides = [1]} : vector<16xf32> to vector<1xf32>
      %squeeze3A_478 = vector.extract %slice3A_477[0] : f32 from vector<1xf32>
      %slice3A_479 = vector.extract_strided_slice %div3A_389 {offsets = [7], sizes = [1], strides = [1]} : vector<16xf32> to vector<1xf32>
      %squeeze3A_480 = vector.extract %slice3A_479[0] : f32 from vector<1xf32>
      %slice3A_481 = vector.extract_strided_slice %div3A_389 {offsets = [8], sizes = [1], strides = [1]} : vector<16xf32> to vector<1xf32>
      %squeeze3A_482 = vector.extract %slice3A_481[0] : f32 from vector<1xf32>
      %slice3A_483 = vector.extract_strided_slice %div3A_389 {offsets = [9], sizes = [1], strides = [1]} : vector<16xf32> to vector<1xf32>
      %squeeze3A_484 = vector.extract %slice3A_483[0] : f32 from vector<1xf32>
      %slice3A_485 = vector.extract_strided_slice %div3A_389 {offsets = [10], sizes = [1], strides = [1]} : vector<16xf32> to vector<1xf32>
      %squeeze3A_486 = vector.extract %slice3A_485[0] : f32 from vector<1xf32>
      %slice3A_487 = vector.extract_strided_slice %div3A_389 {offsets = [11], sizes = [1], strides = [1]} : vector<16xf32> to vector<1xf32>
      %squeeze3A_488 = vector.extract %slice3A_487[0] : f32 from vector<1xf32>
      %slice3A_489 = vector.extract_strided_slice %div3A_389 {offsets = [12], sizes = [1], strides = [1]} : vector<16xf32> to vector<1xf32>
      %squeeze3A_490 = vector.extract %slice3A_489[0] : f32 from vector<1xf32>
      %slice3A_491 = vector.extract_strided_slice %div3A_389 {offsets = [13], sizes = [1], strides = [1]} : vector<16xf32> to vector<1xf32>
      %squeeze3A_492 = vector.extract %slice3A_491[0] : f32 from vector<1xf32>
      %slice3A_493 = vector.extract_strided_slice %div3A_389 {offsets = [14], sizes = [1], strides = [1]} : vector<16xf32> to vector<1xf32>
      %squeeze3A_494 = vector.extract %slice3A_493[0] : f32 from vector<1xf32>
      %slice3A_495 = vector.extract_strided_slice %div3A_389 {offsets = [15], sizes = [1], strides = [1]} : vector<16xf32> to vector<1xf32>
      %squeeze3A_496 = vector.extract %slice3A_495[0] : f32 from vector<1xf32>
      %slice3A_497 = vector.extract_strided_slice %div3A_396 {offsets = [0], sizes = [1], strides = [1]} : vector<16xf32> to vector<1xf32>
      %squeeze3A_498 = vector.extract %slice3A_497[0] : f32 from vector<1xf32>
      %slice3A_499 = vector.extract_strided_slice %div3A_396 {offsets = [1], sizes = [1], strides = [1]} : vector<16xf32> to vector<1xf32>
      %squeeze3A_500 = vector.extract %slice3A_499[0] : f32 from vector<1xf32>
      %slice3A_501 = vector.extract_strided_slice %div3A_396 {offsets = [2], sizes = [1], strides = [1]} : vector<16xf32> to vector<1xf32>
      %squeeze3A_502 = vector.extract %slice3A_501[0] : f32 from vector<1xf32>
      %slice3A_503 = vector.extract_strided_slice %div3A_396 {offsets = [3], sizes = [1], strides = [1]} : vector<16xf32> to vector<1xf32>
      %squeeze3A_504 = vector.extract %slice3A_503[0] : f32 from vector<1xf32>
      %slice3A_505 = vector.extract_strided_slice %div3A_396 {offsets = [4], sizes = [1], strides = [1]} : vector<16xf32> to vector<1xf32>
      %squeeze3A_506 = vector.extract %slice3A_505[0] : f32 from vector<1xf32>
      %slice3A_507 = vector.extract_strided_slice %div3A_396 {offsets = [5], sizes = [1], strides = [1]} : vector<16xf32> to vector<1xf32>
      %squeeze3A_508 = vector.extract %slice3A_507[0] : f32 from vector<1xf32>
      %slice3A_509 = vector.extract_strided_slice %div3A_396 {offsets = [6], sizes = [1], strides = [1]} : vector<16xf32> to vector<1xf32>
      %squeeze3A_510 = vector.extract %slice3A_509[0] : f32 from vector<1xf32>
      %slice3A_511 = vector.extract_strided_slice %div3A_396 {offsets = [7], sizes = [1], strides = [1]} : vector<16xf32> to vector<1xf32>
      %squeeze3A_512 = vector.extract %slice3A_511[0] : f32 from vector<1xf32>
      %slice3A_513 = vector.extract_strided_slice %div3A_396 {offsets = [8], sizes = [1], strides = [1]} : vector<16xf32> to vector<1xf32>
      %squeeze3A_514 = vector.extract %slice3A_513[0] : f32 from vector<1xf32>
      %slice3A_515 = vector.extract_strided_slice %div3A_396 {offsets = [9], sizes = [1], strides = [1]} : vector<16xf32> to vector<1xf32>
      %squeeze3A_516 = vector.extract %slice3A_515[0] : f32 from vector<1xf32>
      %slice3A_517 = vector.extract_strided_slice %div3A_396 {offsets = [10], sizes = [1], strides = [1]} : vector<16xf32> to vector<1xf32>
      %squeeze3A_518 = vector.extract %slice3A_517[0] : f32 from vector<1xf32>
      %slice3A_519 = vector.extract_strided_slice %div3A_396 {offsets = [11], sizes = [1], strides = [1]} : vector<16xf32> to vector<1xf32>
      %squeeze3A_520 = vector.extract %slice3A_519[0] : f32 from vector<1xf32>
      %slice3A_521 = vector.extract_strided_slice %div3A_396 {offsets = [12], sizes = [1], strides = [1]} : vector<16xf32> to vector<1xf32>
      %squeeze3A_522 = vector.extract %slice3A_521[0] : f32 from vector<1xf32>
      %slice3A_523 = vector.extract_strided_slice %div3A_396 {offsets = [13], sizes = [1], strides = [1]} : vector<16xf32> to vector<1xf32>
      %squeeze3A_524 = vector.extract %slice3A_523[0] : f32 from vector<1xf32>
      %slice3A_525 = vector.extract_strided_slice %div3A_396 {offsets = [14], sizes = [1], strides = [1]} : vector<16xf32> to vector<1xf32>
      %squeeze3A_526 = vector.extract %slice3A_525[0] : f32 from vector<1xf32>
      %slice3A_527 = vector.extract_strided_slice %div3A_396 {offsets = [15], sizes = [1], strides = [1]} : vector<16xf32> to vector<1xf32>
      %squeeze3A_528 = vector.extract %slice3A_527[0] : f32 from vector<1xf32>
      %slice3A_529 = vector.extract_strided_slice %sub3A_402 {offsets = [0], sizes = [1], strides = [1]} : vector<16xf32> to vector<1xf32>
      %squeeze3A_530 = vector.extract %slice3A_529[0] : f32 from vector<1xf32>
      %slice3A_531 = vector.extract_strided_slice %sub3A_402 {offsets = [1], sizes = [1], strides = [1]} : vector<16xf32> to vector<1xf32>
      %squeeze3A_532 = vector.extract %slice3A_531[0] : f32 from vector<1xf32>
      %slice3A_533 = vector.extract_strided_slice %sub3A_402 {offsets = [2], sizes = [1], strides = [1]} : vector<16xf32> to vector<1xf32>
      %squeeze3A_534 = vector.extract %slice3A_533[0] : f32 from vector<1xf32>
      %slice3A_535 = vector.extract_strided_slice %sub3A_402 {offsets = [3], sizes = [1], strides = [1]} : vector<16xf32> to vector<1xf32>
      %squeeze3A_536 = vector.extract %slice3A_535[0] : f32 from vector<1xf32>
      %slice3A_537 = vector.extract_strided_slice %sub3A_402 {offsets = [4], sizes = [1], strides = [1]} : vector<16xf32> to vector<1xf32>
      %squeeze3A_538 = vector.extract %slice3A_537[0] : f32 from vector<1xf32>
      %slice3A_539 = vector.extract_strided_slice %sub3A_402 {offsets = [5], sizes = [1], strides = [1]} : vector<16xf32> to vector<1xf32>
      %squeeze3A_540 = vector.extract %slice3A_539[0] : f32 from vector<1xf32>
      %slice3A_541 = vector.extract_strided_slice %sub3A_402 {offsets = [6], sizes = [1], strides = [1]} : vector<16xf32> to vector<1xf32>
      %squeeze3A_542 = vector.extract %slice3A_541[0] : f32 from vector<1xf32>
      %slice3A_543 = vector.extract_strided_slice %sub3A_402 {offsets = [7], sizes = [1], strides = [1]} : vector<16xf32> to vector<1xf32>
      %squeeze3A_544 = vector.extract %slice3A_543[0] : f32 from vector<1xf32>
      %slice3A_545 = vector.extract_strided_slice %sub3A_402 {offsets = [8], sizes = [1], strides = [1]} : vector<16xf32> to vector<1xf32>
      %squeeze3A_546 = vector.extract %slice3A_545[0] : f32 from vector<1xf32>
      %slice3A_547 = vector.extract_strided_slice %sub3A_402 {offsets = [9], sizes = [1], strides = [1]} : vector<16xf32> to vector<1xf32>
      %squeeze3A_548 = vector.extract %slice3A_547[0] : f32 from vector<1xf32>
      %slice3A_549 = vector.extract_strided_slice %sub3A_402 {offsets = [10], sizes = [1], strides = [1]} : vector<16xf32> to vector<1xf32>
      %squeeze3A_550 = vector.extract %slice3A_549[0] : f32 from vector<1xf32>
      %slice3A_551 = vector.extract_strided_slice %sub3A_402 {offsets = [11], sizes = [1], strides = [1]} : vector<16xf32> to vector<1xf32>
      %squeeze3A_552 = vector.extract %slice3A_551[0] : f32 from vector<1xf32>
      %slice3A_553 = vector.extract_strided_slice %sub3A_402 {offsets = [12], sizes = [1], strides = [1]} : vector<16xf32> to vector<1xf32>
      %squeeze3A_554 = vector.extract %slice3A_553[0] : f32 from vector<1xf32>
      %slice3A_555 = vector.extract_strided_slice %sub3A_402 {offsets = [13], sizes = [1], strides = [1]} : vector<16xf32> to vector<1xf32>
      %squeeze3A_556 = vector.extract %slice3A_555[0] : f32 from vector<1xf32>
      %slice3A_557 = vector.extract_strided_slice %sub3A_402 {offsets = [14], sizes = [1], strides = [1]} : vector<16xf32> to vector<1xf32>
      %squeeze3A_558 = vector.extract %slice3A_557[0] : f32 from vector<1xf32>
      %slice3A_559 = vector.extract_strided_slice %sub3A_402 {offsets = [15], sizes = [1], strides = [1]} : vector<16xf32> to vector<1xf32>
      %squeeze3A_560 = vector.extract %slice3A_559[0] : f32 from vector<1xf32>
      %scan3A_561 = arith.constant 0 : i32
      %scan3A_562 = arith.constant 0 : i32
      %scan3A_563 = arith.constant 128 : i32
      %scan3A_564 = arith.addi %scan3A_562, %scan3A_563 : i32
      %scan3A_565 = arith.constant 1 : i32
      scf.for %scan3A_568 = %scan3A_562 to %scan3A_564 step %scan3A_565  : i32 {
        %mul3A_569 = arith.constant 16 : i32
        %mul3A_570 = arith.muli %scan3A_568, %mul3A_569 : i32
        %multiple_of3A_571 = tpu.assume_multiple %mul3A_570, 16 : i32
        %get3A_572 = arith.constant 0 : i32
        %get3A_573 = arith.index_cast %get3A_572 : i32 to index
        %get3A_574 = arith.index_cast %multiple_of3A_571 : i32 to index
        %get3A_575 = tpu.vector_load %arg12[%get3A_573, %get3A_574] {strides = array<i32>} : memref<3x2048xf32, #tpu.memory_space<vmem>>, vector<1x16xf32>,
        %get3A_576 = vector.shape_cast %get3A_575 : vector<1x16xf32> to vector<16xf32>
        %get3A_577 = arith.constant 1 : i32
        %get3A_578 = arith.index_cast %get3A_577 : i32 to index
        %get3A_579 = arith.index_cast %multiple_of3A_571 : i32 to index
        %get3A_580 = tpu.vector_load %arg12[%get3A_578, %get3A_579] {strides = array<i32>} : memref<3x2048xf32, #tpu.memory_space<vmem>>, vector<1x16xf32>,
        %get3A_581 = vector.shape_cast %get3A_580 : vector<1x16xf32> to vector<16xf32>
        %get3A_582 = arith.constant 2 : i32
        %get3A_583 = arith.index_cast %get3A_582 : i32 to index
        %get3A_584 = arith.index_cast %multiple_of3A_571 : i32 to index
        %get3A_585 = tpu.vector_load %arg12[%get3A_583, %get3A_584] {strides = array<i32>} : memref<3x2048xf32, #tpu.memory_space<vmem>>, vector<1x16xf32>,
        %get3A_586 = vector.shape_cast %get3A_585 : vector<1x16xf32> to vector<16xf32>
        %sub3A_587 = vector.broadcast %squeeze3A : f32 to vector<16xf32>
        %sub3A_588 = arith.subf %get3A_576, %sub3A_587 : vector<16xf32>
        %sub3A_589 = vector.broadcast %squeeze3A_434 : f32 to vector<16xf32>
        %sub3A_590 = arith.subf %get3A_581, %sub3A_589 : vector<16xf32>
        %mul3A_591 = arith.mulf %sub3A_588, %sub3A_588 : vector<16xf32>
        %mul3A_592 = arith.mulf %sub3A_590, %sub3A_590 : vector<16xf32>
        %add3A_593 = arith.addf %mul3A_591, %mul3A_592 : vector<16xf32>
        %bitcast_convert_type3A_594 = tpu.bitcast %add3A_593 : vector<16xf32> -> vector<16xi32>
        %shift_right_arithmetic3A_595 = arith.constant 1 : i32
        %shift_right_arithmetic3A_596 = vector.broadcast %shift_right_arithmetic3A_595 : i32 to vector<16xi32>
        %shift_right_arithmetic3A_597 = arith.shrsi %bitcast_convert_type3A_594, %shift_right_arithmetic3A_596 : vector<16xi32>
        %sub3A_598 = arith.constant 1597463007 : i32
        %sub3A_599 = vector.broadcast %sub3A_598 : i32 to vector<16xi32>
        %sub3A_600 = arith.subi %sub3A_599, %shift_right_arithmetic3A_597 : vector<16xi32>
        %bitcast_convert_type3A_601 = tpu.bitcast %sub3A_600 : vector<16xi32> -> vector<16xf32>
        %mul3A_602 = arith.constant 5.000000e-01 : f32
        %mul3A_603 = vector.broadcast %mul3A_602 : f32 to vector<16xf32>
        %mul3A_604 = arith.mulf %mul3A_603, %add3A_593 : vector<16xf32>
        %mul3A_605 = arith.mulf %mul3A_604, %bitcast_convert_type3A_601 : vector<16xf32>
        %mul3A_606 = arith.mulf %mul3A_605, %bitcast_convert_type3A_601 : vector<16xf32>
        %sub3A_607 = arith.constant 1.500000e+00 : f32
        %sub3A_608 = vector.broadcast %sub3A_607 : f32 to vector<16xf32>
        %sub3A_609 = arith.subf %sub3A_608, %mul3A_606 : vector<16xf32>
        %mul3A_610 = arith.mulf %bitcast_convert_type3A_601, %sub3A_609 : vector<16xf32>
        %mul3A_611 = arith.constant 5.000000e-01 : f32
        %mul3A_612 = vector.broadcast %mul3A_611 : f32 to vector<16xf32>
        %mul3A_613 = arith.mulf %mul3A_612, %add3A_593 : vector<16xf32>
        %mul3A_614 = arith.mulf %mul3A_613, %mul3A_610 : vector<16xf32>
        %mul3A_615 = arith.mulf %mul3A_614, %mul3A_610 : vector<16xf32>
        %sub3A_616 = arith.constant 1.500000e+00 : f32
        %sub3A_617 = vector.broadcast %sub3A_616 : f32 to vector<16xf32>
        %sub3A_618 = arith.subf %sub3A_617, %mul3A_615 : vector<16xf32>
        %mul3A_619 = arith.mulf %mul3A_610, %sub3A_618 : vector<16xf32>
        %mul3A_620 = arith.constant 5.000000e-01 : f32
        %mul3A_621 = vector.broadcast %mul3A_620 : f32 to vector<16xf32>
        %mul3A_622 = arith.mulf %mul3A_621, %add3A_593 : vector<16xf32>
        %mul3A_623 = arith.mulf %mul3A_622, %mul3A_619 : vector<16xf32>
        %mul3A_624 = arith.mulf %mul3A_623, %mul3A_619 : vector<16xf32>
        %sub3A_625 = arith.constant 1.500000e+00 : f32
        %sub3A_626 = vector.broadcast %sub3A_625 : f32 to vector<16xf32>
        %sub3A_627 = arith.subf %sub3A_626, %mul3A_624 : vector<16xf32>
        %mul3A_628 = arith.mulf %mul3A_619, %sub3A_627 : vector<16xf32>
        %gt3A_629 = arith.constant 0.000000e+00 : f32
        %gt3A_630 = vector.broadcast %gt3A_629 : f32 to vector<16xf32>
        %gt3A_631 = arith.cmpf ogt, %add3A_593, %gt3A_630 : vector<16xf32>
        %mul3A_632 = arith.mulf %add3A_593, %mul3A_628 : vector<16xf32>
        %jit3A_633 = arith.constant 0.000000e+00 : f32
        %broadcast_in_dim3A_634 = vector.broadcast %jit3A_633 : f32 to vector<16xf32>
        %select_n3A_635 = arith.select %gt3A_631, %mul3A_632, %broadcast_in_dim3A_634 : vector<16xi1>, vector<16xf32>
        %mul3A_636 = arith.constant -2.000000e-02 : f32
        %mul3A_637 = vector.broadcast %mul3A_636 : f32 to vector<16xf32>
        %mul3A_638 = arith.mulf %add3A_593, %mul3A_637 : vector<16xf32>
        %exp3A_639 = math.exp %mul3A_638 : vector<16xf32>
        %lt3A = vector.broadcast %squeeze3A_466 : f32 to vector<16xf32>
        %lt3A_640 = arith.cmpf olt, %select_n3A_635, %lt3A : vector<16xf32>
        %mul3A_641 = arith.mulf %select_n3A_635, %exp3A_639 : vector<16xf32>
        %select_n3A_642 = arith.select %lt3A_640, %mul3A_641, %select_n3A_635 : vector<16xi1>, vector<16xf32>
        %mul3A_643 = vector.broadcast %squeeze3A_530 : f32 to vector<16xf32>
        %mul3A_644 = arith.mulf %get3A_586, %mul3A_643 : vector<16xf32>
        %add3A_645 = vector.broadcast %squeeze3A_498 : f32 to vector<16xf32>
        %add3A_646 = arith.addf %add3A_645, %mul3A_644 : vector<16xf32>
        %sub3A_647 = arith.subf %select_n3A_642, %add3A_646 : vector<16xf32>
        %swap3A = arith.constant 0 : i32
        %swap3A_648 = arith.index_cast %swap3A : i32 to index
        %swap3A_649 = arith.index_cast %multiple_of3A_571 : i32 to index
        %swap3A_650 = tpu.vector_load %arg13[%swap3A_648, %swap3A_649] {strides = array<i32>} : memref<16x2048xf32, #tpu.memory_space<vmem>>, vector<1x16xf32>,
        %swap3A_651 = vector.shape_cast %swap3A_650 : vector<1x16xf32> to vector<16xf32>
        %swap3A_652 = vector.shape_cast %sub3A_647 : vector<16xf32> to vector<1x16xf32>
        tpu.vector_store %arg13[%swap3A_648, %swap3A_649], %swap3A_652 {strides = array<i32>} : memref<16x2048xf32, #tpu.memory_space<vmem>>, vector<1x16xf32>,
        %sub3A_653 = vector.broadcast %squeeze3A_404 : f32 to vector<16xf32>
        %sub3A_654 = arith.subf %get3A_576, %sub3A_653 : vector<16xf32>
        %sub3A_655 = vector.broadcast %squeeze3A_436 : f32 to vector<16xf32>
        %sub3A_656 = arith.subf %get3A_581, %sub3A_655 : vector<16xf32>
        %mul3A_657 = arith.mulf %sub3A_654, %sub3A_654 : vector<16xf32>
        %mul3A_658 = arith.mulf %sub3A_656, %sub3A_656 : vector<16xf32>
        %add3A_659 = arith.addf %mul3A_657, %mul3A_658 : vector<16xf32>
        %bitcast_convert_type3A_660 = tpu.bitcast %add3A_659 : vector<16xf32> -> vector<16xi32>
        %shift_right_arithmetic3A_661 = arith.constant 1 : i32
        %shift_right_arithmetic3A_662 = vector.broadcast %shift_right_arithmetic3A_661 : i32 to vector<16xi32>
        %shift_right_arithmetic3A_663 = arith.shrsi %bitcast_convert_type3A_660, %shift_right_arithmetic3A_662 : vector<16xi32>
        %sub3A_664 = arith.constant 1597463007 : i32
        %sub3A_665 = vector.broadcast %sub3A_664 : i32 to vector<16xi32>
        %sub3A_666 = arith.subi %sub3A_665, %shift_right_arithmetic3A_663 : vector<16xi32>
        %bitcast_convert_type3A_667 = tpu.bitcast %sub3A_666 : vector<16xi32> -> vector<16xf32>
        %mul3A_668 = arith.constant 5.000000e-01 : f32
        %mul3A_669 = vector.broadcast %mul3A_668 : f32 to vector<16xf32>
        %mul3A_670 = arith.mulf %mul3A_669, %add3A_659 : vector<16xf32>
        %mul3A_671 = arith.mulf %mul3A_670, %bitcast_convert_type3A_667 : vector<16xf32>
        %mul3A_672 = arith.mulf %mul3A_671, %bitcast_convert_type3A_667 : vector<16xf32>
        %sub3A_673 = arith.constant 1.500000e+00 : f32
        %sub3A_674 = vector.broadcast %sub3A_673 : f32 to vector<16xf32>
        %sub3A_675 = arith.subf %sub3A_674, %mul3A_672 : vector<16xf32>
        %mul3A_676 = arith.mulf %bitcast_convert_type3A_667, %sub3A_675 : vector<16xf32>
        %mul3A_677 = arith.constant 5.000000e-01 : f32
        %mul3A_678 = vector.broadcast %mul3A_677 : f32 to vector<16xf32>
        %mul3A_679 = arith.mulf %mul3A_678, %add3A_659 : vector<16xf32>
        %mul3A_680 = arith.mulf %mul3A_679, %mul3A_676 : vector<16xf32>
        %mul3A_681 = arith.mulf %mul3A_680, %mul3A_676 : vector<16xf32>
        %sub3A_682 = arith.constant 1.500000e+00 : f32
        %sub3A_683 = vector.broadcast %sub3A_682 : f32 to vector<16xf32>
        %sub3A_684 = arith.subf %sub3A_683, %mul3A_681 : vector<16xf32>
        %mul3A_685 = arith.mulf %mul3A_676, %sub3A_684 : vector<16xf32>
        %mul3A_686 = arith.constant 5.000000e-01 : f32
        %mul3A_687 = vector.broadcast %mul3A_686 : f32 to vector<16xf32>
        %mul3A_688 = arith.mulf %mul3A_687, %add3A_659 : vector<16xf32>
        %mul3A_689 = arith.mulf %mul3A_688, %mul3A_685 : vector<16xf32>
        %mul3A_690 = arith.mulf %mul3A_689, %mul3A_685 : vector<16xf32>
        %sub3A_691 = arith.constant 1.500000e+00 : f32
        %sub3A_692 = vector.broadcast %sub3A_691 : f32 to vector<16xf32>
        %sub3A_693 = arith.subf %sub3A_692, %mul3A_690 : vector<16xf32>
        %mul3A_694 = arith.mulf %mul3A_685, %sub3A_693 : vector<16xf32>
        %gt3A_695 = arith.constant 0.000000e+00 : f32
        %gt3A_696 = vector.broadcast %gt3A_695 : f32 to vector<16xf32>
        %gt3A_697 = arith.cmpf ogt, %add3A_659, %gt3A_696 : vector<16xf32>
        %mul3A_698 = arith.mulf %add3A_659, %mul3A_694 : vector<16xf32>
        %jit3A_699 = arith.constant 0.000000e+00 : f32
        %broadcast_in_dim3A_700 = vector.broadcast %jit3A_699 : f32 to vector<16xf32>
        %select_n3A_701 = arith.select %gt3A_697, %mul3A_698, %broadcast_in_dim3A_700 : vector<16xi1>, vector<16xf32>
        %mul3A_702 = arith.constant -2.000000e-02 : f32
        %mul3A_703 = vector.broadcast %mul3A_702 : f32 to vector<16xf32>
        %mul3A_704 = arith.mulf %add3A_659, %mul3A_703 : vector<16xf32>
        %exp3A_705 = math.exp %mul3A_704 : vector<16xf32>
        %lt3A_706 = vector.broadcast %squeeze3A_468 : f32 to vector<16xf32>
        %lt3A_707 = arith.cmpf olt, %select_n3A_701, %lt3A_706 : vector<16xf32>
        %mul3A_708 = arith.mulf %select_n3A_701, %exp3A_705 : vector<16xf32>
        %select_n3A_709 = arith.select %lt3A_707, %mul3A_708, %select_n3A_701 : vector<16xi1>, vector<16xf32>
        %mul3A_710 = vector.broadcast %squeeze3A_532 : f32 to vector<16xf32>
        %mul3A_711 = arith.mulf %get3A_586, %mul3A_710 : vector<16xf32>
        %add3A_712 = vector.broadcast %squeeze3A_500 : f32 to vector<16xf32>
        %add3A_713 = arith.addf %add3A_712, %mul3A_711 : vector<16xf32>
        %sub3A_714 = arith.subf %select_n3A_709, %add3A_713 : vector<16xf32>
        %swap3A_715 = arith.constant 1 : i32
        %swap3A_716 = arith.index_cast %swap3A_715 : i32 to index
        %swap3A_717 = arith.index_cast %multiple_of3A_571 : i32 to index
        %swap3A_718 = tpu.vector_load %arg13[%swap3A_716, %swap3A_717] {strides = array<i32>} : memref<16x2048xf32, #tpu.memory_space<vmem>>, vector<1x16xf32>,
        %swap3A_719 = vector.shape_cast %swap3A_718 : vector<1x16xf32> to vector<16xf32>
        %swap3A_720 = vector.shape_cast %sub3A_714 : vector<16xf32> to vector<1x16xf32>
        tpu.vector_store %arg13[%swap3A_716, %swap3A_717], %swap3A_720 {strides = array<i32>} : memref<16x2048xf32, #tpu.memory_space<vmem>>, vector<1x16xf32>,
        %sub3A_721 = vector.broadcast %squeeze3A_406 : f32 to vector<16xf32>
        %sub3A_722 = arith.subf %get3A_576, %sub3A_721 : vector<16xf32>
        %sub3A_723 = vector.broadcast %squeeze3A_438 : f32 to vector<16xf32>
        %sub3A_724 = arith.subf %get3A_581, %sub3A_723 : vector<16xf32>
        %mul3A_725 = arith.mulf %sub3A_722, %sub3A_722 : vector<16xf32>
        %mul3A_726 = arith.mulf %sub3A_724, %sub3A_724 : vector<16xf32>
        %add3A_727 = arith.addf %mul3A_725, %mul3A_726 : vector<16xf32>
        %bitcast_convert_type3A_728 = tpu.bitcast %add3A_727 : vector<16xf32> -> vector<16xi32>
        %shift_right_arithmetic3A_729 = arith.constant 1 : i32
        %shift_right_arithmetic3A_730 = vector.broadcast %shift_right_arithmetic3A_729 : i32 to vector<16xi32>
        %shift_right_arithmetic3A_731 = arith.shrsi %bitcast_convert_type3A_728, %shift_right_arithmetic3A_730 : vector<16xi32>
        %sub3A_732 = arith.constant 1597463007 : i32
        %sub3A_733 = vector.broadcast %sub3A_732 : i32 to vector<16xi32>
        %sub3A_734 = arith.subi %sub3A_733, %shift_right_arithmetic3A_731 : vector<16xi32>
        %bitcast_convert_type3A_735 = tpu.bitcast %sub3A_734 : vector<16xi32> -> vector<16xf32>
        %mul3A_736 = arith.constant 5.000000e-01 : f32
        %mul3A_737 = vector.broadcast %mul3A_736 : f32 to vector<16xf32>
        %mul3A_738 = arith.mulf %mul3A_737, %add3A_727 : vector<16xf32>
        %mul3A_739 = arith.mulf %mul3A_738, %bitcast_convert_type3A_735 : vector<16xf32>
        %mul3A_740 = arith.mulf %mul3A_739, %bitcast_convert_type3A_735 : vector<16xf32>
        %sub3A_741 = arith.constant 1.500000e+00 : f32
        %sub3A_742 = vector.broadcast %sub3A_741 : f32 to vector<16xf32>
        %sub3A_743 = arith.subf %sub3A_742, %mul3A_740 : vector<16xf32>
        %mul3A_744 = arith.mulf %bitcast_convert_type3A_735, %sub3A_743 : vector<16xf32>
        %mul3A_745 = arith.constant 5.000000e-01 : f32
        %mul3A_746 = vector.broadcast %mul3A_745 : f32 to vector<16xf32>
        %mul3A_747 = arith.mulf %mul3A_746, %add3A_727 : vector<16xf32>
        %mul3A_748 = arith.mulf %mul3A_747, %mul3A_744 : vector<16xf32>
        %mul3A_749 = arith.mulf %mul3A_748, %mul3A_744 : vector<16xf32>
        %sub3A_750 = arith.constant 1.500000e+00 : f32
        %sub3A_751 = vector.broadcast %sub3A_750 : f32 to vector<16xf32>
        %sub3A_752 = arith.subf %sub3A_751, %mul3A_749 : vector<16xf32>
        %mul3A_753 = arith.mulf %mul3A_744, %sub3A_752 : vector<16xf32>
        %mul3A_754 = arith.constant 5.000000e-01 : f32
        %mul3A_755 = vector.broadcast %mul3A_754 : f32 to vector<16xf32>
        %mul3A_756 = arith.mulf %mul3A_755, %add3A_727 : vector<16xf32>
        %mul3A_757 = arith.mulf %mul3A_756, %mul3A_753 : vector<16xf32>
        %mul3A_758 = arith.mulf %mul3A_757, %mul3A_753 : vector<16xf32>
        %sub3A_759 = arith.constant 1.500000e+00 : f32
        %sub3A_760 = vector.broadcast %sub3A_759 : f32 to vector<16xf32>
        %sub3A_761 = arith.subf %sub3A_760, %mul3A_758 : vector<16xf32>
        %mul3A_762 = arith.mulf %mul3A_753, %sub3A_761 : vector<16xf32>
        %gt3A_763 = arith.constant 0.000000e+00 : f32
        %gt3A_764 = vector.broadcast %gt3A_763 : f32 to vector<16xf32>
        %gt3A_765 = arith.cmpf ogt, %add3A_727, %gt3A_764 : vector<16xf32>
        %mul3A_766 = arith.mulf %add3A_727, %mul3A_762 : vector<16xf32>
        %jit3A_767 = arith.constant 0.000000e+00 : f32
        %broadcast_in_dim3A_768 = vector.broadcast %jit3A_767 : f32 to vector<16xf32>
        %select_n3A_769 = arith.select %gt3A_765, %mul3A_766, %broadcast_in_dim3A_768 : vector<16xi1>, vector<16xf32>
        %mul3A_770 = arith.constant -2.000000e-02 : f32
        %mul3A_771 = vector.broadcast %mul3A_770 : f32 to vector<16xf32>
        %mul3A_772 = arith.mulf %add3A_727, %mul3A_771 : vector<16xf32>
        %exp3A_773 = math.exp %mul3A_772 : vector<16xf32>
        %lt3A_774 = vector.broadcast %squeeze3A_470 : f32 to vector<16xf32>
        %lt3A_775 = arith.cmpf olt, %select_n3A_769, %lt3A_774 : vector<16xf32>
        %mul3A_776 = arith.mulf %select_n3A_769, %exp3A_773 : vector<16xf32>
        %select_n3A_777 = arith.select %lt3A_775, %mul3A_776, %select_n3A_769 : vector<16xi1>, vector<16xf32>
        %mul3A_778 = vector.broadcast %squeeze3A_534 : f32 to vector<16xf32>
        %mul3A_779 = arith.mulf %get3A_586, %mul3A_778 : vector<16xf32>
        %add3A_780 = vector.broadcast %squeeze3A_502 : f32 to vector<16xf32>
        %add3A_781 = arith.addf %add3A_780, %mul3A_779 : vector<16xf32>
        %sub3A_782 = arith.subf %select_n3A_777, %add3A_781 : vector<16xf32>
        %swap3A_783 = arith.constant 2 : i32
        %swap3A_784 = arith.index_cast %swap3A_783 : i32 to index
        %swap3A_785 = arith.index_cast %multiple_of3A_571 : i32 to index
        %swap3A_786 = tpu.vector_load %arg13[%swap3A_784, %swap3A_785] {strides = array<i32>} : memref<16x2048xf32, #tpu.memory_space<vmem>>, vector<1x16xf32>,
        %swap3A_787 = vector.shape_cast %swap3A_786 : vector<1x16xf32> to vector<16xf32>
        %swap3A_788 = vector.shape_cast %sub3A_782 : vector<16xf32> to vector<1x16xf32>
        tpu.vector_store %arg13[%swap3A_784, %swap3A_785], %swap3A_788 {strides = array<i32>} : memref<16x2048xf32, #tpu.memory_space<vmem>>, vector<1x16xf32>,
        %sub3A_789 = vector.broadcast %squeeze3A_408 : f32 to vector<16xf32>
        %sub3A_790 = arith.subf %get3A_576, %sub3A_789 : vector<16xf32>
        %sub3A_791 = vector.broadcast %squeeze3A_440 : f32 to vector<16xf32>
        %sub3A_792 = arith.subf %get3A_581, %sub3A_791 : vector<16xf32>
        %mul3A_793 = arith.mulf %sub3A_790, %sub3A_790 : vector<16xf32>
        %mul3A_794 = arith.mulf %sub3A_792, %sub3A_792 : vector<16xf32>
        %add3A_795 = arith.addf %mul3A_793, %mul3A_794 : vector<16xf32>
        %bitcast_convert_type3A_796 = tpu.bitcast %add3A_795 : vector<16xf32> -> vector<16xi32>
        %shift_right_arithmetic3A_797 = arith.constant 1 : i32
        %shift_right_arithmetic3A_798 = vector.broadcast %shift_right_arithmetic3A_797 : i32 to vector<16xi32>
        %shift_right_arithmetic3A_799 = arith.shrsi %bitcast_convert_type3A_796, %shift_right_arithmetic3A_798 : vector<16xi32>
        %sub3A_800 = arith.constant 1597463007 : i32
        %sub3A_801 = vector.broadcast %sub3A_800 : i32 to vector<16xi32>
        %sub3A_802 = arith.subi %sub3A_801, %shift_right_arithmetic3A_799 : vector<16xi32>
        %bitcast_convert_type3A_803 = tpu.bitcast %sub3A_802 : vector<16xi32> -> vector<16xf32>
        %mul3A_804 = arith.constant 5.000000e-01 : f32
        %mul3A_805 = vector.broadcast %mul3A_804 : f32 to vector<16xf32>
        %mul3A_806 = arith.mulf %mul3A_805, %add3A_795 : vector<16xf32>
        %mul3A_807 = arith.mulf %mul3A_806, %bitcast_convert_type3A_803 : vector<16xf32>
        %mul3A_808 = arith.mulf %mul3A_807, %bitcast_convert_type3A_803 : vector<16xf32>
        %sub3A_809 = arith.constant 1.500000e+00 : f32
        %sub3A_810 = vector.broadcast %sub3A_809 : f32 to vector<16xf32>
        %sub3A_811 = arith.subf %sub3A_810, %mul3A_808 : vector<16xf32>
        %mul3A_812 = arith.mulf %bitcast_convert_type3A_803, %sub3A_811 : vector<16xf32>
        %mul3A_813 = arith.constant 5.000000e-01 : f32
        %mul3A_814 = vector.broadcast %mul3A_813 : f32 to vector<16xf32>
        %mul3A_815 = arith.mulf %mul3A_814, %add3A_795 : vector<16xf32>
        %mul3A_816 = arith.mulf %mul3A_815, %mul3A_812 : vector<16xf32>
        %mul3A_817 = arith.mulf %mul3A_816, %mul3A_812 : vector<16xf32>
        %sub3A_818 = arith.constant 1.500000e+00 : f32
        %sub3A_819 = vector.broadcast %sub3A_818 : f32 to vector<16xf32>
        %sub3A_820 = arith.subf %sub3A_819, %mul3A_817 : vector<16xf32>
        %mul3A_821 = arith.mulf %mul3A_812, %sub3A_820 : vector<16xf32>
        %mul3A_822 = arith.constant 5.000000e-01 : f32
        %mul3A_823 = vector.broadcast %mul3A_822 : f32 to vector<16xf32>
        %mul3A_824 = arith.mulf %mul3A_823, %add3A_795 : vector<16xf32>
        %mul3A_825 = arith.mulf %mul3A_824, %mul3A_821 : vector<16xf32>
        %mul3A_826 = arith.mulf %mul3A_825, %mul3A_821 : vector<16xf32>
        %sub3A_827 = arith.constant 1.500000e+00 : f32
        %sub3A_828 = vector.broadcast %sub3A_827 : f32 to vector<16xf32>
        %sub3A_829 = arith.subf %sub3A_828, %mul3A_826 : vector<16xf32>
        %mul3A_830 = arith.mulf %mul3A_821, %sub3A_829 : vector<16xf32>
        %gt3A_831 = arith.constant 0.000000e+00 : f32
        %gt3A_832 = vector.broadcast %gt3A_831 : f32 to vector<16xf32>
        %gt3A_833 = arith.cmpf ogt, %add3A_795, %gt3A_832 : vector<16xf32>
        %mul3A_834 = arith.mulf %add3A_795, %mul3A_830 : vector<16xf32>
        %jit3A_835 = arith.constant 0.000000e+00 : f32
        %broadcast_in_dim3A_836 = vector.broadcast %jit3A_835 : f32 to vector<16xf32>
        %select_n3A_837 = arith.select %gt3A_833, %mul3A_834, %broadcast_in_dim3A_836 : vector<16xi1>, vector<16xf32>
        %mul3A_838 = arith.constant -2.000000e-02 : f32
        %mul3A_839 = vector.broadcast %mul3A_838 : f32 to vector<16xf32>
        %mul3A_840 = arith.mulf %add3A_795, %mul3A_839 : vector<16xf32>
        %exp3A_841 = math.exp %mul3A_840 : vector<16xf32>
        %lt3A_842 = vector.broadcast %squeeze3A_472 : f32 to vector<16xf32>
        %lt3A_843 = arith.cmpf olt, %select_n3A_837, %lt3A_842 : vector<16xf32>
        %mul3A_844 = arith.mulf %select_n3A_837, %exp3A_841 : vector<16xf32>
        %select_n3A_845 = arith.select %lt3A_843, %mul3A_844, %select_n3A_837 : vector<16xi1>, vector<16xf32>
        %mul3A_846 = vector.broadcast %squeeze3A_536 : f32 to vector<16xf32>
        %mul3A_847 = arith.mulf %get3A_586, %mul3A_846 : vector<16xf32>
        %add3A_848 = vector.broadcast %squeeze3A_504 : f32 to vector<16xf32>
        %add3A_849 = arith.addf %add3A_848, %mul3A_847 : vector<16xf32>
        %sub3A_850 = arith.subf %select_n3A_845, %add3A_849 : vector<16xf32>
        %swap3A_851 = arith.constant 3 : i32
        %swap3A_852 = arith.index_cast %swap3A_851 : i32 to index
        %swap3A_853 = arith.index_cast %multiple_of3A_571 : i32 to index
        %swap3A_854 = tpu.vector_load %arg13[%swap3A_852, %swap3A_853] {strides = array<i32>} : memref<16x2048xf32, #tpu.memory_space<vmem>>, vector<1x16xf32>,
        %swap3A_855 = vector.shape_cast %swap3A_854 : vector<1x16xf32> to vector<16xf32>
        %swap3A_856 = vector.shape_cast %sub3A_850 : vector<16xf32> to vector<1x16xf32>
        tpu.vector_store %arg13[%swap3A_852, %swap3A_853], %swap3A_856 {strides = array<i32>} : memref<16x2048xf32, #tpu.memory_space<vmem>>, vector<1x16xf32>,
        %sub3A_857 = vector.broadcast %squeeze3A_410 : f32 to vector<16xf32>
        %sub3A_858 = arith.subf %get3A_576, %sub3A_857 : vector<16xf32>
        %sub3A_859 = vector.broadcast %squeeze3A_442 : f32 to vector<16xf32>
        %sub3A_860 = arith.subf %get3A_581, %sub3A_859 : vector<16xf32>
        %mul3A_861 = arith.mulf %sub3A_858, %sub3A_858 : vector<16xf32>
        %mul3A_862 = arith.mulf %sub3A_860, %sub3A_860 : vector<16xf32>
        %add3A_863 = arith.addf %mul3A_861, %mul3A_862 : vector<16xf32>
        %bitcast_convert_type3A_864 = tpu.bitcast %add3A_863 : vector<16xf32> -> vector<16xi32>
        %shift_right_arithmetic3A_865 = arith.constant 1 : i32
        %shift_right_arithmetic3A_866 = vector.broadcast %shift_right_arithmetic3A_865 : i32 to vector<16xi32>
        %shift_right_arithmetic3A_867 = arith.shrsi %bitcast_convert_type3A_864, %shift_right_arithmetic3A_866 : vector<16xi32>
        %sub3A_868 = arith.constant 1597463007 : i32
        %sub3A_869 = vector.broadcast %sub3A_868 : i32 to vector<16xi32>
        %sub3A_870 = arith.subi %sub3A_869, %shift_right_arithmetic3A_867 : vector<16xi32>
        %bitcast_convert_type3A_871 = tpu.bitcast %sub3A_870 : vector<16xi32> -> vector<16xf32>
        %mul3A_872 = arith.constant 5.000000e-01 : f32
        %mul3A_873 = vector.broadcast %mul3A_872 : f32 to vector<16xf32>
        %mul3A_874 = arith.mulf %mul3A_873, %add3A_863 : vector<16xf32>
        %mul3A_875 = arith.mulf %mul3A_874, %bitcast_convert_type3A_871 : vector<16xf32>
        %mul3A_876 = arith.mulf %mul3A_875, %bitcast_convert_type3A_871 : vector<16xf32>
        %sub3A_877 = arith.constant 1.500000e+00 : f32
        %sub3A_878 = vector.broadcast %sub3A_877 : f32 to vector<16xf32>
        %sub3A_879 = arith.subf %sub3A_878, %mul3A_876 : vector<16xf32>
        %mul3A_880 = arith.mulf %bitcast_convert_type3A_871, %sub3A_879 : vector<16xf32>
        %mul3A_881 = arith.constant 5.000000e-01 : f32
        %mul3A_882 = vector.broadcast %mul3A_881 : f32 to vector<16xf32>
        %mul3A_883 = arith.mulf %mul3A_882, %add3A_863 : vector<16xf32>
        %mul3A_884 = arith.mulf %mul3A_883, %mul3A_880 : vector<16xf32>
        %mul3A_885 = arith.mulf %mul3A_884, %mul3A_880 : vector<16xf32>
        %sub3A_886 = arith.constant 1.500000e+00 : f32
        %sub3A_887 = vector.broadcast %sub3A_886 : f32 to vector<16xf32>
        %sub3A_888 = arith.subf %sub3A_887, %mul3A_885 : vector<16xf32>
        %mul3A_889 = arith.mulf %mul3A_880, %sub3A_888 : vector<16xf32>
        %mul3A_890 = arith.constant 5.000000e-01 : f32
        %mul3A_891 = vector.broadcast %mul3A_890 : f32 to vector<16xf32>
        %mul3A_892 = arith.mulf %mul3A_891, %add3A_863 : vector<16xf32>
        %mul3A_893 = arith.mulf %mul3A_892, %mul3A_889 : vector<16xf32>
        %mul3A_894 = arith.mulf %mul3A_893, %mul3A_889 : vector<16xf32>
        %sub3A_895 = arith.constant 1.500000e+00 : f32
        %sub3A_896 = vector.broadcast %sub3A_895 : f32 to vector<16xf32>
        %sub3A_897 = arith.subf %sub3A_896, %mul3A_894 : vector<16xf32>
        %mul3A_898 = arith.mulf %mul3A_889, %sub3A_897 : vector<16xf32>
        %gt3A_899 = arith.constant 0.000000e+00 : f32
        %gt3A_900 = vector.broadcast %gt3A_899 : f32 to vector<16xf32>
        %gt3A_901 = arith.cmpf ogt, %add3A_863, %gt3A_900 : vector<16xf32>
        %mul3A_902 = arith.mulf %add3A_863, %mul3A_898 : vector<16xf32>
        %jit3A_903 = arith.constant 0.000000e+00 : f32
        %broadcast_in_dim3A_904 = vector.broadcast %jit3A_903 : f32 to vector<16xf32>
        %select_n3A_905 = arith.select %gt3A_901, %mul3A_902, %broadcast_in_dim3A_904 : vector<16xi1>, vector<16xf32>
        %mul3A_906 = arith.constant -2.000000e-02 : f32
        %mul3A_907 = vector.broadcast %mul3A_906 : f32 to vector<16xf32>
        %mul3A_908 = arith.mulf %add3A_863, %mul3A_907 : vector<16xf32>
        %exp3A_909 = math.exp %mul3A_908 : vector<16xf32>
        %lt3A_910 = vector.broadcast %squeeze3A_474 : f32 to vector<16xf32>
        %lt3A_911 = arith.cmpf olt, %select_n3A_905, %lt3A_910 : vector<16xf32>
        %mul3A_912 = arith.mulf %select_n3A_905, %exp3A_909 : vector<16xf32>
        %select_n3A_913 = arith.select %lt3A_911, %mul3A_912, %select_n3A_905 : vector<16xi1>, vector<16xf32>
        %mul3A_914 = vector.broadcast %squeeze3A_538 : f32 to vector<16xf32>
        %mul3A_915 = arith.mulf %get3A_586, %mul3A_914 : vector<16xf32>
        %add3A_916 = vector.broadcast %squeeze3A_506 : f32 to vector<16xf32>
        %add3A_917 = arith.addf %add3A_916, %mul3A_915 : vector<16xf32>
        %sub3A_918 = arith.subf %select_n3A_913, %add3A_917 : vector<16xf32>
        %swap3A_919 = arith.constant 4 : i32
        %swap3A_920 = arith.index_cast %swap3A_919 : i32 to index
        %swap3A_921 = arith.index_cast %multiple_of3A_571 : i32 to index
        %swap3A_922 = tpu.vector_load %arg13[%swap3A_920, %swap3A_921] {strides = array<i32>} : memref<16x2048xf32, #tpu.memory_space<vmem>>, vector<1x16xf32>,
        %swap3A_923 = vector.shape_cast %swap3A_922 : vector<1x16xf32> to vector<16xf32>
        %swap3A_924 = vector.shape_cast %sub3A_918 : vector<16xf32> to vector<1x16xf32>
        tpu.vector_store %arg13[%swap3A_920, %swap3A_921], %swap3A_924 {strides = array<i32>} : memref<16x2048xf32, #tpu.memory_space<vmem>>, vector<1x16xf32>,
        %sub3A_925 = vector.broadcast %squeeze3A_412 : f32 to vector<16xf32>
        %sub3A_926 = arith.subf %get3A_576, %sub3A_925 : vector<16xf32>
        %sub3A_927 = vector.broadcast %squeeze3A_444 : f32 to vector<16xf32>
        %sub3A_928 = arith.subf %get3A_581, %sub3A_927 : vector<16xf32>
        %mul3A_929 = arith.mulf %sub3A_926, %sub3A_926 : vector<16xf32>
        %mul3A_930 = arith.mulf %sub3A_928, %sub3A_928 : vector<16xf32>
        %add3A_931 = arith.addf %mul3A_929, %mul3A_930 : vector<16xf32>
        %bitcast_convert_type3A_932 = tpu.bitcast %add3A_931 : vector<16xf32> -> vector<16xi32>
        %shift_right_arithmetic3A_933 = arith.constant 1 : i32
        %shift_right_arithmetic3A_934 = vector.broadcast %shift_right_arithmetic3A_933 : i32 to vector<16xi32>
        %shift_right_arithmetic3A_935 = arith.shrsi %bitcast_convert_type3A_932, %shift_right_arithmetic3A_934 : vector<16xi32>
        %sub3A_936 = arith.constant 1597463007 : i32
        %sub3A_937 = vector.broadcast %sub3A_936 : i32 to vector<16xi32>
        %sub3A_938 = arith.subi %sub3A_937, %shift_right_arithmetic3A_935 : vector<16xi32>
        %bitcast_convert_type3A_939 = tpu.bitcast %sub3A_938 : vector<16xi32> -> vector<16xf32>
        %mul3A_940 = arith.constant 5.000000e-01 : f32
        %mul3A_941 = vector.broadcast %mul3A_940 : f32 to vector<16xf32>
        %mul3A_942 = arith.mulf %mul3A_941, %add3A_931 : vector<16xf32>
        %mul3A_943 = arith.mulf %mul3A_942, %bitcast_convert_type3A_939 : vector<16xf32>
        %mul3A_944 = arith.mulf %mul3A_943, %bitcast_convert_type3A_939 : vector<16xf32>
        %sub3A_945 = arith.constant 1.500000e+00 : f32
        %sub3A_946 = vector.broadcast %sub3A_945 : f32 to vector<16xf32>
        %sub3A_947 = arith.subf %sub3A_946, %mul3A_944 : vector<16xf32>
        %mul3A_948 = arith.mulf %bitcast_convert_type3A_939, %sub3A_947 : vector<16xf32>
        %mul3A_949 = arith.constant 5.000000e-01 : f32
        %mul3A_950 = vector.broadcast %mul3A_949 : f32 to vector<16xf32>
        %mul3A_951 = arith.mulf %mul3A_950, %add3A_931 : vector<16xf32>
        %mul3A_952 = arith.mulf %mul3A_951, %mul3A_948 : vector<16xf32>
        %mul3A_953 = arith.mulf %mul3A_952, %mul3A_948 : vector<16xf32>
        %sub3A_954 = arith.constant 1.500000e+00 : f32
        %sub3A_955 = vector.broadcast %sub3A_954 : f32 to vector<16xf32>
        %sub3A_956 = arith.subf %sub3A_955, %mul3A_953 : vector<16xf32>
        %mul3A_957 = arith.mulf %mul3A_948, %sub3A_956 : vector<16xf32>
        %mul3A_958 = arith.constant 5.000000e-01 : f32
        %mul3A_959 = vector.broadcast %mul3A_958 : f32 to vector<16xf32>
        %mul3A_960 = arith.mulf %mul3A_959, %add3A_931 : vector<16xf32>
        %mul3A_961 = arith.mulf %mul3A_960, %mul3A_957 : vector<16xf32>
        %mul3A_962 = arith.mulf %mul3A_961, %mul3A_957 : vector<16xf32>
        %sub3A_963 = arith.constant 1.500000e+00 : f32
        %sub3A_964 = vector.broadcast %sub3A_963 : f32 to vector<16xf32>
        %sub3A_965 = arith.subf %sub3A_964, %mul3A_962 : vector<16xf32>
        %mul3A_966 = arith.mulf %mul3A_957, %sub3A_965 : vector<16xf32>
        %gt3A_967 = arith.constant 0.000000e+00 : f32
        %gt3A_968 = vector.broadcast %gt3A_967 : f32 to vector<16xf32>
        %gt3A_969 = arith.cmpf ogt, %add3A_931, %gt3A_968 : vector<16xf32>
        %mul3A_970 = arith.mulf %add3A_931, %mul3A_966 : vector<16xf32>
        %jit3A_971 = arith.constant 0.000000e+00 : f32
        %broadcast_in_dim3A_972 = vector.broadcast %jit3A_971 : f32 to vector<16xf32>
        %select_n3A_973 = arith.select %gt3A_969, %mul3A_970, %broadcast_in_dim3A_972 : vector<16xi1>, vector<16xf32>
        %mul3A_974 = arith.constant -2.000000e-02 : f32
        %mul3A_975 = vector.broadcast %mul3A_974 : f32 to vector<16xf32>
        %mul3A_976 = arith.mulf %add3A_931, %mul3A_975 : vector<16xf32>
        %exp3A_977 = math.exp %mul3A_976 : vector<16xf32>
        %lt3A_978 = vector.broadcast %squeeze3A_476 : f32 to vector<16xf32>
        %lt3A_979 = arith.cmpf olt, %select_n3A_973, %lt3A_978 : vector<16xf32>
        %mul3A_980 = arith.mulf %select_n3A_973, %exp3A_977 : vector<16xf32>
        %select_n3A_981 = arith.select %lt3A_979, %mul3A_980, %select_n3A_973 : vector<16xi1>, vector<16xf32>
        %mul3A_982 = vector.broadcast %squeeze3A_540 : f32 to vector<16xf32>
        %mul3A_983 = arith.mulf %get3A_586, %mul3A_982 : vector<16xf32>
        %add3A_984 = vector.broadcast %squeeze3A_508 : f32 to vector<16xf32>
        %add3A_985 = arith.addf %add3A_984, %mul3A_983 : vector<16xf32>
        %sub3A_986 = arith.subf %select_n3A_981, %add3A_985 : vector<16xf32>
        %swap3A_987 = arith.constant 5 : i32
        %swap3A_988 = arith.index_cast %swap3A_987 : i32 to index
        %swap3A_989 = arith.index_cast %multiple_of3A_571 : i32 to index
        %swap3A_990 = tpu.vector_load %arg13[%swap3A_988, %swap3A_989] {strides = array<i32>} : memref<16x2048xf32, #tpu.memory_space<vmem>>, vector<1x16xf32>,
        %swap3A_991 = vector.shape_cast %swap3A_990 : vector<1x16xf32> to vector<16xf32>
        %swap3A_992 = vector.shape_cast %sub3A_986 : vector<16xf32> to vector<1x16xf32>
        tpu.vector_store %arg13[%swap3A_988, %swap3A_989], %swap3A_992 {strides = array<i32>} : memref<16x2048xf32, #tpu.memory_space<vmem>>, vector<1x16xf32>,
        %sub3A_993 = vector.broadcast %squeeze3A_414 : f32 to vector<16xf32>
        %sub3A_994 = arith.subf %get3A_576, %sub3A_993 : vector<16xf32>
        %sub3A_995 = vector.broadcast %squeeze3A_446 : f32 to vector<16xf32>
        %sub3A_996 = arith.subf %get3A_581, %sub3A_995 : vector<16xf32>
        %mul3A_997 = arith.mulf %sub3A_994, %sub3A_994 : vector<16xf32>
        %mul3A_998 = arith.mulf %sub3A_996, %sub3A_996 : vector<16xf32>
        %add3A_999 = arith.addf %mul3A_997, %mul3A_998 : vector<16xf32>
        %bitcast_convert_type3A_1000 = tpu.bitcast %add3A_999 : vector<16xf32> -> vector<16xi32>
        %shift_right_arithmetic3A_1001 = arith.constant 1 : i32
        %shift_right_arithmetic3A_1002 = vector.broadcast %shift_right_arithmetic3A_1001 : i32 to vector<16xi32>
        %shift_right_arithmetic3A_1003 = arith.shrsi %bitcast_convert_type3A_1000, %shift_right_arithmetic3A_1002 : vector<16xi32>
        %sub3A_1004 = arith.constant 1597463007 : i32
        %sub3A_1005 = vector.broadcast %sub3A_1004 : i32 to vector<16xi32>
        %sub3A_1006 = arith.subi %sub3A_1005, %shift_right_arithmetic3A_1003 : vector<16xi32>
        %bitcast_convert_type3A_1007 = tpu.bitcast %sub3A_1006 : vector<16xi32> -> vector<16xf32>
        %mul3A_1008 = arith.constant 5.000000e-01 : f32
        %mul3A_1009 = vector.broadcast %mul3A_1008 : f32 to vector<16xf32>
        %mul3A_1010 = arith.mulf %mul3A_1009, %add3A_999 : vector<16xf32>
        %mul3A_1011 = arith.mulf %mul3A_1010, %bitcast_convert_type3A_1007 : vector<16xf32>
        %mul3A_1012 = arith.mulf %mul3A_1011, %bitcast_convert_type3A_1007 : vector<16xf32>
        %sub3A_1013 = arith.constant 1.500000e+00 : f32
        %sub3A_1014 = vector.broadcast %sub3A_1013 : f32 to vector<16xf32>
        %sub3A_1015 = arith.subf %sub3A_1014, %mul3A_1012 : vector<16xf32>
        %mul3A_1016 = arith.mulf %bitcast_convert_type3A_1007, %sub3A_1015 : vector<16xf32>
        %mul3A_1017 = arith.constant 5.000000e-01 : f32
        %mul3A_1018 = vector.broadcast %mul3A_1017 : f32 to vector<16xf32>
        %mul3A_1019 = arith.mulf %mul3A_1018, %add3A_999 : vector<16xf32>
        %mul3A_1020 = arith.mulf %mul3A_1019, %mul3A_1016 : vector<16xf32>
        %mul3A_1021 = arith.mulf %mul3A_1020, %mul3A_1016 : vector<16xf32>
        %sub3A_1022 = arith.constant 1.500000e+00 : f32
        %sub3A_1023 = vector.broadcast %sub3A_1022 : f32 to vector<16xf32>
        %sub3A_1024 = arith.subf %sub3A_1023, %mul3A_1021 : vector<16xf32>
        %mul3A_1025 = arith.mulf %mul3A_1016, %sub3A_1024 : vector<16xf32>
        %mul3A_1026 = arith.constant 5.000000e-01 : f32
        %mul3A_1027 = vector.broadcast %mul3A_1026 : f32 to vector<16xf32>
        %mul3A_1028 = arith.mulf %mul3A_1027, %add3A_999 : vector<16xf32>
        %mul3A_1029 = arith.mulf %mul3A_1028, %mul3A_1025 : vector<16xf32>
        %mul3A_1030 = arith.mulf %mul3A_1029, %mul3A_1025 : vector<16xf32>
        %sub3A_1031 = arith.constant 1.500000e+00 : f32
        %sub3A_1032 = vector.broadcast %sub3A_1031 : f32 to vector<16xf32>
        %sub3A_1033 = arith.subf %sub3A_1032, %mul3A_1030 : vector<16xf32>
        %mul3A_1034 = arith.mulf %mul3A_1025, %sub3A_1033 : vector<16xf32>
        %gt3A_1035 = arith.constant 0.000000e+00 : f32
        %gt3A_1036 = vector.broadcast %gt3A_1035 : f32 to vector<16xf32>
        %gt3A_1037 = arith.cmpf ogt, %add3A_999, %gt3A_1036 : vector<16xf32>
        %mul3A_1038 = arith.mulf %add3A_999, %mul3A_1034 : vector<16xf32>
        %jit3A_1039 = arith.constant 0.000000e+00 : f32
        %broadcast_in_dim3A_1040 = vector.broadcast %jit3A_1039 : f32 to vector<16xf32>
        %select_n3A_1041 = arith.select %gt3A_1037, %mul3A_1038, %broadcast_in_dim3A_1040 : vector<16xi1>, vector<16xf32>
        %mul3A_1042 = arith.constant -2.000000e-02 : f32
        %mul3A_1043 = vector.broadcast %mul3A_1042 : f32 to vector<16xf32>
        %mul3A_1044 = arith.mulf %add3A_999, %mul3A_1043 : vector<16xf32>
        %exp3A_1045 = math.exp %mul3A_1044 : vector<16xf32>
        %lt3A_1046 = vector.broadcast %squeeze3A_478 : f32 to vector<16xf32>
        %lt3A_1047 = arith.cmpf olt, %select_n3A_1041, %lt3A_1046 : vector<16xf32>
        %mul3A_1048 = arith.mulf %select_n3A_1041, %exp3A_1045 : vector<16xf32>
        %select_n3A_1049 = arith.select %lt3A_1047, %mul3A_1048, %select_n3A_1041 : vector<16xi1>, vector<16xf32>
        %mul3A_1050 = vector.broadcast %squeeze3A_542 : f32 to vector<16xf32>
        %mul3A_1051 = arith.mulf %get3A_586, %mul3A_1050 : vector<16xf32>
        %add3A_1052 = vector.broadcast %squeeze3A_510 : f32 to vector<16xf32>
        %add3A_1053 = arith.addf %add3A_1052, %mul3A_1051 : vector<16xf32>
        %sub3A_1054 = arith.subf %select_n3A_1049, %add3A_1053 : vector<16xf32>
        %swap3A_1055 = arith.constant 6 : i32
        %swap3A_1056 = arith.index_cast %swap3A_1055 : i32 to index
        %swap3A_1057 = arith.index_cast %multiple_of3A_571 : i32 to index
        %swap3A_1058 = tpu.vector_load %arg13[%swap3A_1056, %swap3A_1057] {strides = array<i32>} : memref<16x2048xf32, #tpu.memory_space<vmem>>, vector<1x16xf32>,
        %swap3A_1059 = vector.shape_cast %swap3A_1058 : vector<1x16xf32> to vector<16xf32>
        %swap3A_1060 = vector.shape_cast %sub3A_1054 : vector<16xf32> to vector<1x16xf32>
        tpu.vector_store %arg13[%swap3A_1056, %swap3A_1057], %swap3A_1060 {strides = array<i32>} : memref<16x2048xf32, #tpu.memory_space<vmem>>, vector<1x16xf32>,
        %sub3A_1061 = vector.broadcast %squeeze3A_416 : f32 to vector<16xf32>
        %sub3A_1062 = arith.subf %get3A_576, %sub3A_1061 : vector<16xf32>
        %sub3A_1063 = vector.broadcast %squeeze3A_448 : f32 to vector<16xf32>
        %sub3A_1064 = arith.subf %get3A_581, %sub3A_1063 : vector<16xf32>
        %mul3A_1065 = arith.mulf %sub3A_1062, %sub3A_1062 : vector<16xf32>
        %mul3A_1066 = arith.mulf %sub3A_1064, %sub3A_1064 : vector<16xf32>
        %add3A_1067 = arith.addf %mul3A_1065, %mul3A_1066 : vector<16xf32>
        %bitcast_convert_type3A_1068 = tpu.bitcast %add3A_1067 : vector<16xf32> -> vector<16xi32>
        %shift_right_arithmetic3A_1069 = arith.constant 1 : i32
        %shift_right_arithmetic3A_1070 = vector.broadcast %shift_right_arithmetic3A_1069 : i32 to vector<16xi32>
        %shift_right_arithmetic3A_1071 = arith.shrsi %bitcast_convert_type3A_1068, %shift_right_arithmetic3A_1070 : vector<16xi32>
        %sub3A_1072 = arith.constant 1597463007 : i32
        %sub3A_1073 = vector.broadcast %sub3A_1072 : i32 to vector<16xi32>
        %sub3A_1074 = arith.subi %sub3A_1073, %shift_right_arithmetic3A_1071 : vector<16xi32>
        %bitcast_convert_type3A_1075 = tpu.bitcast %sub3A_1074 : vector<16xi32> -> vector<16xf32>
        %mul3A_1076 = arith.constant 5.000000e-01 : f32
        %mul3A_1077 = vector.broadcast %mul3A_1076 : f32 to vector<16xf32>
        %mul3A_1078 = arith.mulf %mul3A_1077, %add3A_1067 : vector<16xf32>
        %mul3A_1079 = arith.mulf %mul3A_1078, %bitcast_convert_type3A_1075 : vector<16xf32>
        %mul3A_1080 = arith.mulf %mul3A_1079, %bitcast_convert_type3A_1075 : vector<16xf32>
        %sub3A_1081 = arith.constant 1.500000e+00 : f32
        %sub3A_1082 = vector.broadcast %sub3A_1081 : f32 to vector<16xf32>
        %sub3A_1083 = arith.subf %sub3A_1082, %mul3A_1080 : vector<16xf32>
        %mul3A_1084 = arith.mulf %bitcast_convert_type3A_1075, %sub3A_1083 : vector<16xf32>
        %mul3A_1085 = arith.constant 5.000000e-01 : f32
        %mul3A_1086 = vector.broadcast %mul3A_1085 : f32 to vector<16xf32>
        %mul3A_1087 = arith.mulf %mul3A_1086, %add3A_1067 : vector<16xf32>
        %mul3A_1088 = arith.mulf %mul3A_1087, %mul3A_1084 : vector<16xf32>
        %mul3A_1089 = arith.mulf %mul3A_1088, %mul3A_1084 : vector<16xf32>
        %sub3A_1090 = arith.constant 1.500000e+00 : f32
        %sub3A_1091 = vector.broadcast %sub3A_1090 : f32 to vector<16xf32>
        %sub3A_1092 = arith.subf %sub3A_1091, %mul3A_1089 : vector<16xf32>
        %mul3A_1093 = arith.mulf %mul3A_1084, %sub3A_1092 : vector<16xf32>
        %mul3A_1094 = arith.constant 5.000000e-01 : f32
        %mul3A_1095 = vector.broadcast %mul3A_1094 : f32 to vector<16xf32>
        %mul3A_1096 = arith.mulf %mul3A_1095, %add3A_1067 : vector<16xf32>
        %mul3A_1097 = arith.mulf %mul3A_1096, %mul3A_1093 : vector<16xf32>
        %mul3A_1098 = arith.mulf %mul3A_1097, %mul3A_1093 : vector<16xf32>
        %sub3A_1099 = arith.constant 1.500000e+00 : f32
        %sub3A_1100 = vector.broadcast %sub3A_1099 : f32 to vector<16xf32>
        %sub3A_1101 = arith.subf %sub3A_1100, %mul3A_1098 : vector<16xf32>
        %mul3A_1102 = arith.mulf %mul3A_1093, %sub3A_1101 : vector<16xf32>
        %gt3A_1103 = arith.constant 0.000000e+00 : f32
        %gt3A_1104 = vector.broadcast %gt3A_1103 : f32 to vector<16xf32>
        %gt3A_1105 = arith.cmpf ogt, %add3A_1067, %gt3A_1104 : vector<16xf32>
        %mul3A_1106 = arith.mulf %add3A_1067, %mul3A_1102 : vector<16xf32>
        %jit3A_1107 = arith.constant 0.000000e+00 : f32
        %broadcast_in_dim3A_1108 = vector.broadcast %jit3A_1107 : f32 to vector<16xf32>
        %select_n3A_1109 = arith.select %gt3A_1105, %mul3A_1106, %broadcast_in_dim3A_1108 : vector<16xi1>, vector<16xf32>
        %mul3A_1110 = arith.constant -2.000000e-02 : f32
        %mul3A_1111 = vector.broadcast %mul3A_1110 : f32 to vector<16xf32>
        %mul3A_1112 = arith.mulf %add3A_1067, %mul3A_1111 : vector<16xf32>
        %exp3A_1113 = math.exp %mul3A_1112 : vector<16xf32>
        %lt3A_1114 = vector.broadcast %squeeze3A_480 : f32 to vector<16xf32>
        %lt3A_1115 = arith.cmpf olt, %select_n3A_1109, %lt3A_1114 : vector<16xf32>
        %mul3A_1116 = arith.mulf %select_n3A_1109, %exp3A_1113 : vector<16xf32>
        %select_n3A_1117 = arith.select %lt3A_1115, %mul3A_1116, %select_n3A_1109 : vector<16xi1>, vector<16xf32>
        %mul3A_1118 = vector.broadcast %squeeze3A_544 : f32 to vector<16xf32>
        %mul3A_1119 = arith.mulf %get3A_586, %mul3A_1118 : vector<16xf32>
        %add3A_1120 = vector.broadcast %squeeze3A_512 : f32 to vector<16xf32>
        %add3A_1121 = arith.addf %add3A_1120, %mul3A_1119 : vector<16xf32>
        %sub3A_1122 = arith.subf %select_n3A_1117, %add3A_1121 : vector<16xf32>
        %swap3A_1123 = arith.constant 7 : i32
        %swap3A_1124 = arith.index_cast %swap3A_1123 : i32 to index
        %swap3A_1125 = arith.index_cast %multiple_of3A_571 : i32 to index
        %swap3A_1126 = tpu.vector_load %arg13[%swap3A_1124, %swap3A_1125] {strides = array<i32>} : memref<16x2048xf32, #tpu.memory_space<vmem>>, vector<1x16xf32>,
        %swap3A_1127 = vector.shape_cast %swap3A_1126 : vector<1x16xf32> to vector<16xf32>
        %swap3A_1128 = vector.shape_cast %sub3A_1122 : vector<16xf32> to vector<1x16xf32>
        tpu.vector_store %arg13[%swap3A_1124, %swap3A_1125], %swap3A_1128 {strides = array<i32>} : memref<16x2048xf32, #tpu.memory_space<vmem>>, vector<1x16xf32>,
        %sub3A_1129 = vector.broadcast %squeeze3A_418 : f32 to vector<16xf32>
        %sub3A_1130 = arith.subf %get3A_576, %sub3A_1129 : vector<16xf32>
        %sub3A_1131 = vector.broadcast %squeeze3A_450 : f32 to vector<16xf32>
        %sub3A_1132 = arith.subf %get3A_581, %sub3A_1131 : vector<16xf32>
        %mul3A_1133 = arith.mulf %sub3A_1130, %sub3A_1130 : vector<16xf32>
        %mul3A_1134 = arith.mulf %sub3A_1132, %sub3A_1132 : vector<16xf32>
        %add3A_1135 = arith.addf %mul3A_1133, %mul3A_1134 : vector<16xf32>
        %bitcast_convert_type3A_1136 = tpu.bitcast %add3A_1135 : vector<16xf32> -> vector<16xi32>
        %shift_right_arithmetic3A_1137 = arith.constant 1 : i32
        %shift_right_arithmetic3A_1138 = vector.broadcast %shift_right_arithmetic3A_1137 : i32 to vector<16xi32>
        %shift_right_arithmetic3A_1139 = arith.shrsi %bitcast_convert_type3A_1136, %shift_right_arithmetic3A_1138 : vector<16xi32>
        %sub3A_1140 = arith.constant 1597463007 : i32
        %sub3A_1141 = vector.broadcast %sub3A_1140 : i32 to vector<16xi32>
        %sub3A_1142 = arith.subi %sub3A_1141, %shift_right_arithmetic3A_1139 : vector<16xi32>
        %bitcast_convert_type3A_1143 = tpu.bitcast %sub3A_1142 : vector<16xi32> -> vector<16xf32>
        %mul3A_1144 = arith.constant 5.000000e-01 : f32
        %mul3A_1145 = vector.broadcast %mul3A_1144 : f32 to vector<16xf32>
        %mul3A_1146 = arith.mulf %mul3A_1145, %add3A_1135 : vector<16xf32>
        %mul3A_1147 = arith.mulf %mul3A_1146, %bitcast_convert_type3A_1143 : vector<16xf32>
        %mul3A_1148 = arith.mulf %mul3A_1147, %bitcast_convert_type3A_1143 : vector<16xf32>
        %sub3A_1149 = arith.constant 1.500000e+00 : f32
        %sub3A_1150 = vector.broadcast %sub3A_1149 : f32 to vector<16xf32>
        %sub3A_1151 = arith.subf %sub3A_1150, %mul3A_1148 : vector<16xf32>
        %mul3A_1152 = arith.mulf %bitcast_convert_type3A_1143, %sub3A_1151 : vector<16xf32>
        %mul3A_1153 = arith.constant 5.000000e-01 : f32
        %mul3A_1154 = vector.broadcast %mul3A_1153 : f32 to vector<16xf32>
        %mul3A_1155 = arith.mulf %mul3A_1154, %add3A_1135 : vector<16xf32>
        %mul3A_1156 = arith.mulf %mul3A_1155, %mul3A_1152 : vector<16xf32>
        %mul3A_1157 = arith.mulf %mul3A_1156, %mul3A_1152 : vector<16xf32>
        %sub3A_1158 = arith.constant 1.500000e+00 : f32
        %sub3A_1159 = vector.broadcast %sub3A_1158 : f32 to vector<16xf32>
        %sub3A_1160 = arith.subf %sub3A_1159, %mul3A_1157 : vector<16xf32>
        %mul3A_1161 = arith.mulf %mul3A_1152, %sub3A_1160 : vector<16xf32>
        %mul3A_1162 = arith.constant 5.000000e-01 : f32
        %mul3A_1163 = vector.broadcast %mul3A_1162 : f32 to vector<16xf32>
        %mul3A_1164 = arith.mulf %mul3A_1163, %add3A_1135 : vector<16xf32>
        %mul3A_1165 = arith.mulf %mul3A_1164, %mul3A_1161 : vector<16xf32>
        %mul3A_1166 = arith.mulf %mul3A_1165, %mul3A_1161 : vector<16xf32>
        %sub3A_1167 = arith.constant 1.500000e+00 : f32
        %sub3A_1168 = vector.broadcast %sub3A_1167 : f32 to vector<16xf32>
        %sub3A_1169 = arith.subf %sub3A_1168, %mul3A_1166 : vector<16xf32>
        %mul3A_1170 = arith.mulf %mul3A_1161, %sub3A_1169 : vector<16xf32>
        %gt3A_1171 = arith.constant 0.000000e+00 : f32
        %gt3A_1172 = vector.broadcast %gt3A_1171 : f32 to vector<16xf32>
        %gt3A_1173 = arith.cmpf ogt, %add3A_1135, %gt3A_1172 : vector<16xf32>
        %mul3A_1174 = arith.mulf %add3A_1135, %mul3A_1170 : vector<16xf32>
        %jit3A_1175 = arith.constant 0.000000e+00 : f32
        %broadcast_in_dim3A_1176 = vector.broadcast %jit3A_1175 : f32 to vector<16xf32>
        %select_n3A_1177 = arith.select %gt3A_1173, %mul3A_1174, %broadcast_in_dim3A_1176 : vector<16xi1>, vector<16xf32>
        %mul3A_1178 = arith.constant -2.000000e-02 : f32
        %mul3A_1179 = vector.broadcast %mul3A_1178 : f32 to vector<16xf32>
        %mul3A_1180 = arith.mulf %add3A_1135, %mul3A_1179 : vector<16xf32>
        %exp3A_1181 = math.exp %mul3A_1180 : vector<16xf32>
        %lt3A_1182 = vector.broadcast %squeeze3A_482 : f32 to vector<16xf32>
        %lt3A_1183 = arith.cmpf olt, %select_n3A_1177, %lt3A_1182 : vector<16xf32>
        %mul3A_1184 = arith.mulf %select_n3A_1177, %exp3A_1181 : vector<16xf32>
        %select_n3A_1185 = arith.select %lt3A_1183, %mul3A_1184, %select_n3A_1177 : vector<16xi1>, vector<16xf32>
        %mul3A_1186 = vector.broadcast %squeeze3A_546 : f32 to vector<16xf32>
        %mul3A_1187 = arith.mulf %get3A_586, %mul3A_1186 : vector<16xf32>
        %add3A_1188 = vector.broadcast %squeeze3A_514 : f32 to vector<16xf32>
        %add3A_1189 = arith.addf %add3A_1188, %mul3A_1187 : vector<16xf32>
        %sub3A_1190 = arith.subf %select_n3A_1185, %add3A_1189 : vector<16xf32>
        %swap3A_1191 = arith.constant 8 : i32
        %swap3A_1192 = arith.index_cast %swap3A_1191 : i32 to index
        %swap3A_1193 = arith.index_cast %multiple_of3A_571 : i32 to index
        %swap3A_1194 = tpu.vector_load %arg13[%swap3A_1192, %swap3A_1193] {strides = array<i32>} : memref<16x2048xf32, #tpu.memory_space<vmem>>, vector<1x16xf32>,
        %swap3A_1195 = vector.shape_cast %swap3A_1194 : vector<1x16xf32> to vector<16xf32>
        %swap3A_1196 = vector.shape_cast %sub3A_1190 : vector<16xf32> to vector<1x16xf32>
        tpu.vector_store %arg13[%swap3A_1192, %swap3A_1193], %swap3A_1196 {strides = array<i32>} : memref<16x2048xf32, #tpu.memory_space<vmem>>, vector<1x16xf32>,
        %sub3A_1197 = vector.broadcast %squeeze3A_420 : f32 to vector<16xf32>
        %sub3A_1198 = arith.subf %get3A_576, %sub3A_1197 : vector<16xf32>
        %sub3A_1199 = vector.broadcast %squeeze3A_452 : f32 to vector<16xf32>
        %sub3A_1200 = arith.subf %get3A_581, %sub3A_1199 : vector<16xf32>
        %mul3A_1201 = arith.mulf %sub3A_1198, %sub3A_1198 : vector<16xf32>
        %mul3A_1202 = arith.mulf %sub3A_1200, %sub3A_1200 : vector<16xf32>
        %add3A_1203 = arith.addf %mul3A_1201, %mul3A_1202 : vector<16xf32>
        %bitcast_convert_type3A_1204 = tpu.bitcast %add3A_1203 : vector<16xf32> -> vector<16xi32>
        %shift_right_arithmetic3A_1205 = arith.constant 1 : i32
        %shift_right_arithmetic3A_1206 = vector.broadcast %shift_right_arithmetic3A_1205 : i32 to vector<16xi32>
        %shift_right_arithmetic3A_1207 = arith.shrsi %bitcast_convert_type3A_1204, %shift_right_arithmetic3A_1206 : vector<16xi32>
        %sub3A_1208 = arith.constant 1597463007 : i32
        %sub3A_1209 = vector.broadcast %sub3A_1208 : i32 to vector<16xi32>
        %sub3A_1210 = arith.subi %sub3A_1209, %shift_right_arithmetic3A_1207 : vector<16xi32>
        %bitcast_convert_type3A_1211 = tpu.bitcast %sub3A_1210 : vector<16xi32> -> vector<16xf32>
        %mul3A_1212 = arith.constant 5.000000e-01 : f32
        %mul3A_1213 = vector.broadcast %mul3A_1212 : f32 to vector<16xf32>
        %mul3A_1214 = arith.mulf %mul3A_1213, %add3A_1203 : vector<16xf32>
        %mul3A_1215 = arith.mulf %mul3A_1214, %bitcast_convert_type3A_1211 : vector<16xf32>
        %mul3A_1216 = arith.mulf %mul3A_1215, %bitcast_convert_type3A_1211 : vector<16xf32>
        %sub3A_1217 = arith.constant 1.500000e+00 : f32
        %sub3A_1218 = vector.broadcast %sub3A_1217 : f32 to vector<16xf32>
        %sub3A_1219 = arith.subf %sub3A_1218, %mul3A_1216 : vector<16xf32>
        %mul3A_1220 = arith.mulf %bitcast_convert_type3A_1211, %sub3A_1219 : vector<16xf32>
        %mul3A_1221 = arith.constant 5.000000e-01 : f32
        %mul3A_1222 = vector.broadcast %mul3A_1221 : f32 to vector<16xf32>
        %mul3A_1223 = arith.mulf %mul3A_1222, %add3A_1203 : vector<16xf32>
        %mul3A_1224 = arith.mulf %mul3A_1223, %mul3A_1220 : vector<16xf32>
        %mul3A_1225 = arith.mulf %mul3A_1224, %mul3A_1220 : vector<16xf32>
        %sub3A_1226 = arith.constant 1.500000e+00 : f32
        %sub3A_1227 = vector.broadcast %sub3A_1226 : f32 to vector<16xf32>
        %sub3A_1228 = arith.subf %sub3A_1227, %mul3A_1225 : vector<16xf32>
        %mul3A_1229 = arith.mulf %mul3A_1220, %sub3A_1228 : vector<16xf32>
        %mul3A_1230 = arith.constant 5.000000e-01 : f32
        %mul3A_1231 = vector.broadcast %mul3A_1230 : f32 to vector<16xf32>
        %mul3A_1232 = arith.mulf %mul3A_1231, %add3A_1203 : vector<16xf32>
        %mul3A_1233 = arith.mulf %mul3A_1232, %mul3A_1229 : vector<16xf32>
        %mul3A_1234 = arith.mulf %mul3A_1233, %mul3A_1229 : vector<16xf32>
        %sub3A_1235 = arith.constant 1.500000e+00 : f32
        %sub3A_1236 = vector.broadcast %sub3A_1235 : f32 to vector<16xf32>
        %sub3A_1237 = arith.subf %sub3A_1236, %mul3A_1234 : vector<16xf32>
        %mul3A_1238 = arith.mulf %mul3A_1229, %sub3A_1237 : vector<16xf32>
        %gt3A_1239 = arith.constant 0.000000e+00 : f32
        %gt3A_1240 = vector.broadcast %gt3A_1239 : f32 to vector<16xf32>
        %gt3A_1241 = arith.cmpf ogt, %add3A_1203, %gt3A_1240 : vector<16xf32>
        %mul3A_1242 = arith.mulf %add3A_1203, %mul3A_1238 : vector<16xf32>
        %jit3A_1243 = arith.constant 0.000000e+00 : f32
        %broadcast_in_dim3A_1244 = vector.broadcast %jit3A_1243 : f32 to vector<16xf32>
        %select_n3A_1245 = arith.select %gt3A_1241, %mul3A_1242, %broadcast_in_dim3A_1244 : vector<16xi1>, vector<16xf32>
        %mul3A_1246 = arith.constant -2.000000e-02 : f32
        %mul3A_1247 = vector.broadcast %mul3A_1246 : f32 to vector<16xf32>
        %mul3A_1248 = arith.mulf %add3A_1203, %mul3A_1247 : vector<16xf32>
        %exp3A_1249 = math.exp %mul3A_1248 : vector<16xf32>
        %lt3A_1250 = vector.broadcast %squeeze3A_484 : f32 to vector<16xf32>
        %lt3A_1251 = arith.cmpf olt, %select_n3A_1245, %lt3A_1250 : vector<16xf32>
        %mul3A_1252 = arith.mulf %select_n3A_1245, %exp3A_1249 : vector<16xf32>
        %select_n3A_1253 = arith.select %lt3A_1251, %mul3A_1252, %select_n3A_1245 : vector<16xi1>, vector<16xf32>
        %mul3A_1254 = vector.broadcast %squeeze3A_548 : f32 to vector<16xf32>
        %mul3A_1255 = arith.mulf %get3A_586, %mul3A_1254 : vector<16xf32>
        %add3A_1256 = vector.broadcast %squeeze3A_516 : f32 to vector<16xf32>
        %add3A_1257 = arith.addf %add3A_1256, %mul3A_1255 : vector<16xf32>
        %sub3A_1258 = arith.subf %select_n3A_1253, %add3A_1257 : vector<16xf32>
        %swap3A_1259 = arith.constant 9 : i32
        %swap3A_1260 = arith.index_cast %swap3A_1259 : i32 to index
        %swap3A_1261 = arith.index_cast %multiple_of3A_571 : i32 to index
        %swap3A_1262 = tpu.vector_load %arg13[%swap3A_1260, %swap3A_1261] {strides = array<i32>} : memref<16x2048xf32, #tpu.memory_space<vmem>>, vector<1x16xf32>,
        %swap3A_1263 = vector.shape_cast %swap3A_1262 : vector<1x16xf32> to vector<16xf32>
        %swap3A_1264 = vector.shape_cast %sub3A_1258 : vector<16xf32> to vector<1x16xf32>
        tpu.vector_store %arg13[%swap3A_1260, %swap3A_1261], %swap3A_1264 {strides = array<i32>} : memref<16x2048xf32, #tpu.memory_space<vmem>>, vector<1x16xf32>,
        %sub3A_1265 = vector.broadcast %squeeze3A_422 : f32 to vector<16xf32>
        %sub3A_1266 = arith.subf %get3A_576, %sub3A_1265 : vector<16xf32>
        %sub3A_1267 = vector.broadcast %squeeze3A_454 : f32 to vector<16xf32>
        %sub3A_1268 = arith.subf %get3A_581, %sub3A_1267 : vector<16xf32>
        %mul3A_1269 = arith.mulf %sub3A_1266, %sub3A_1266 : vector<16xf32>
        %mul3A_1270 = arith.mulf %sub3A_1268, %sub3A_1268 : vector<16xf32>
        %add3A_1271 = arith.addf %mul3A_1269, %mul3A_1270 : vector<16xf32>
        %bitcast_convert_type3A_1272 = tpu.bitcast %add3A_1271 : vector<16xf32> -> vector<16xi32>
        %shift_right_arithmetic3A_1273 = arith.constant 1 : i32
        %shift_right_arithmetic3A_1274 = vector.broadcast %shift_right_arithmetic3A_1273 : i32 to vector<16xi32>
        %shift_right_arithmetic3A_1275 = arith.shrsi %bitcast_convert_type3A_1272, %shift_right_arithmetic3A_1274 : vector<16xi32>
        %sub3A_1276 = arith.constant 1597463007 : i32
        %sub3A_1277 = vector.broadcast %sub3A_1276 : i32 to vector<16xi32>
        %sub3A_1278 = arith.subi %sub3A_1277, %shift_right_arithmetic3A_1275 : vector<16xi32>
        %bitcast_convert_type3A_1279 = tpu.bitcast %sub3A_1278 : vector<16xi32> -> vector<16xf32>
        %mul3A_1280 = arith.constant 5.000000e-01 : f32
        %mul3A_1281 = vector.broadcast %mul3A_1280 : f32 to vector<16xf32>
        %mul3A_1282 = arith.mulf %mul3A_1281, %add3A_1271 : vector<16xf32>
        %mul3A_1283 = arith.mulf %mul3A_1282, %bitcast_convert_type3A_1279 : vector<16xf32>
        %mul3A_1284 = arith.mulf %mul3A_1283, %bitcast_convert_type3A_1279 : vector<16xf32>
        %sub3A_1285 = arith.constant 1.500000e+00 : f32
        %sub3A_1286 = vector.broadcast %sub3A_1285 : f32 to vector<16xf32>
        %sub3A_1287 = arith.subf %sub3A_1286, %mul3A_1284 : vector<16xf32>
        %mul3A_1288 = arith.mulf %bitcast_convert_type3A_1279, %sub3A_1287 : vector<16xf32>
        %mul3A_1289 = arith.constant 5.000000e-01 : f32
        %mul3A_1290 = vector.broadcast %mul3A_1289 : f32 to vector<16xf32>
        %mul3A_1291 = arith.mulf %mul3A_1290, %add3A_1271 : vector<16xf32>
        %mul3A_1292 = arith.mulf %mul3A_1291, %mul3A_1288 : vector<16xf32>
        %mul3A_1293 = arith.mulf %mul3A_1292, %mul3A_1288 : vector<16xf32>
        %sub3A_1294 = arith.constant 1.500000e+00 : f32
        %sub3A_1295 = vector.broadcast %sub3A_1294 : f32 to vector<16xf32>
        %sub3A_1296 = arith.subf %sub3A_1295, %mul3A_1293 : vector<16xf32>
        %mul3A_1297 = arith.mulf %mul3A_1288, %sub3A_1296 : vector<16xf32>
        %mul3A_1298 = arith.constant 5.000000e-01 : f32
        %mul3A_1299 = vector.broadcast %mul3A_1298 : f32 to vector<16xf32>
        %mul3A_1300 = arith.mulf %mul3A_1299, %add3A_1271 : vector<16xf32>
        %mul3A_1301 = arith.mulf %mul3A_1300, %mul3A_1297 : vector<16xf32>
        %mul3A_1302 = arith.mulf %mul3A_1301, %mul3A_1297 : vector<16xf32>
        %sub3A_1303 = arith.constant 1.500000e+00 : f32
        %sub3A_1304 = vector.broadcast %sub3A_1303 : f32 to vector<16xf32>
        %sub3A_1305 = arith.subf %sub3A_1304, %mul3A_1302 : vector<16xf32>
        %mul3A_1306 = arith.mulf %mul3A_1297, %sub3A_1305 : vector<16xf32>
        %gt3A_1307 = arith.constant 0.000000e+00 : f32
        %gt3A_1308 = vector.broadcast %gt3A_1307 : f32 to vector<16xf32>
        %gt3A_1309 = arith.cmpf ogt, %add3A_1271, %gt3A_1308 : vector<16xf32>
        %mul3A_1310 = arith.mulf %add3A_1271, %mul3A_1306 : vector<16xf32>
        %jit3A_1311 = arith.constant 0.000000e+00 : f32
        %broadcast_in_dim3A_1312 = vector.broadcast %jit3A_1311 : f32 to vector<16xf32>
        %select_n3A_1313 = arith.select %gt3A_1309, %mul3A_1310, %broadcast_in_dim3A_1312 : vector<16xi1>, vector<16xf32>
        %mul3A_1314 = arith.constant -2.000000e-02 : f32
        %mul3A_1315 = vector.broadcast %mul3A_1314 : f32 to vector<16xf32>
        %mul3A_1316 = arith.mulf %add3A_1271, %mul3A_1315 : vector<16xf32>
        %exp3A_1317 = math.exp %mul3A_1316 : vector<16xf32>
        %lt3A_1318 = vector.broadcast %squeeze3A_486 : f32 to vector<16xf32>
        %lt3A_1319 = arith.cmpf olt, %select_n3A_1313, %lt3A_1318 : vector<16xf32>
        %mul3A_1320 = arith.mulf %select_n3A_1313, %exp3A_1317 : vector<16xf32>
        %select_n3A_1321 = arith.select %lt3A_1319, %mul3A_1320, %select_n3A_1313 : vector<16xi1>, vector<16xf32>
        %mul3A_1322 = vector.broadcast %squeeze3A_550 : f32 to vector<16xf32>
        %mul3A_1323 = arith.mulf %get3A_586, %mul3A_1322 : vector<16xf32>
        %add3A_1324 = vector.broadcast %squeeze3A_518 : f32 to vector<16xf32>
        %add3A_1325 = arith.addf %add3A_1324, %mul3A_1323 : vector<16xf32>
        %sub3A_1326 = arith.subf %select_n3A_1321, %add3A_1325 : vector<16xf32>
        %swap3A_1327 = arith.constant 10 : i32
        %swap3A_1328 = arith.index_cast %swap3A_1327 : i32 to index
        %swap3A_1329 = arith.index_cast %multiple_of3A_571 : i32 to index
        %swap3A_1330 = tpu.vector_load %arg13[%swap3A_1328, %swap3A_1329] {strides = array<i32>} : memref<16x2048xf32, #tpu.memory_space<vmem>>, vector<1x16xf32>,
        %swap3A_1331 = vector.shape_cast %swap3A_1330 : vector<1x16xf32> to vector<16xf32>
        %swap3A_1332 = vector.shape_cast %sub3A_1326 : vector<16xf32> to vector<1x16xf32>
        tpu.vector_store %arg13[%swap3A_1328, %swap3A_1329], %swap3A_1332 {strides = array<i32>} : memref<16x2048xf32, #tpu.memory_space<vmem>>, vector<1x16xf32>,
        %sub3A_1333 = vector.broadcast %squeeze3A_424 : f32 to vector<16xf32>
        %sub3A_1334 = arith.subf %get3A_576, %sub3A_1333 : vector<16xf32>
        %sub3A_1335 = vector.broadcast %squeeze3A_456 : f32 to vector<16xf32>
        %sub3A_1336 = arith.subf %get3A_581, %sub3A_1335 : vector<16xf32>
        %mul3A_1337 = arith.mulf %sub3A_1334, %sub3A_1334 : vector<16xf32>
        %mul3A_1338 = arith.mulf %sub3A_1336, %sub3A_1336 : vector<16xf32>
        %add3A_1339 = arith.addf %mul3A_1337, %mul3A_1338 : vector<16xf32>
        %bitcast_convert_type3A_1340 = tpu.bitcast %add3A_1339 : vector<16xf32> -> vector<16xi32>
        %shift_right_arithmetic3A_1341 = arith.constant 1 : i32
        %shift_right_arithmetic3A_1342 = vector.broadcast %shift_right_arithmetic3A_1341 : i32 to vector<16xi32>
        %shift_right_arithmetic3A_1343 = arith.shrsi %bitcast_convert_type3A_1340, %shift_right_arithmetic3A_1342 : vector<16xi32>
        %sub3A_1344 = arith.constant 1597463007 : i32
        %sub3A_1345 = vector.broadcast %sub3A_1344 : i32 to vector<16xi32>
        %sub3A_1346 = arith.subi %sub3A_1345, %shift_right_arithmetic3A_1343 : vector<16xi32>
        %bitcast_convert_type3A_1347 = tpu.bitcast %sub3A_1346 : vector<16xi32> -> vector<16xf32>
        %mul3A_1348 = arith.constant 5.000000e-01 : f32
        %mul3A_1349 = vector.broadcast %mul3A_1348 : f32 to vector<16xf32>
        %mul3A_1350 = arith.mulf %mul3A_1349, %add3A_1339 : vector<16xf32>
        %mul3A_1351 = arith.mulf %mul3A_1350, %bitcast_convert_type3A_1347 : vector<16xf32>
        %mul3A_1352 = arith.mulf %mul3A_1351, %bitcast_convert_type3A_1347 : vector<16xf32>
        %sub3A_1353 = arith.constant 1.500000e+00 : f32
        %sub3A_1354 = vector.broadcast %sub3A_1353 : f32 to vector<16xf32>
        %sub3A_1355 = arith.subf %sub3A_1354, %mul3A_1352 : vector<16xf32>
        %mul3A_1356 = arith.mulf %bitcast_convert_type3A_1347, %sub3A_1355 : vector<16xf32>
        %mul3A_1357 = arith.constant 5.000000e-01 : f32
        %mul3A_1358 = vector.broadcast %mul3A_1357 : f32 to vector<16xf32>
        %mul3A_1359 = arith.mulf %mul3A_1358, %add3A_1339 : vector<16xf32>
        %mul3A_1360 = arith.mulf %mul3A_1359, %mul3A_1356 : vector<16xf32>
        %mul3A_1361 = arith.mulf %mul3A_1360, %mul3A_1356 : vector<16xf32>
        %sub3A_1362 = arith.constant 1.500000e+00 : f32
        %sub3A_1363 = vector.broadcast %sub3A_1362 : f32 to vector<16xf32>
        %sub3A_1364 = arith.subf %sub3A_1363, %mul3A_1361 : vector<16xf32>
        %mul3A_1365 = arith.mulf %mul3A_1356, %sub3A_1364 : vector<16xf32>
        %mul3A_1366 = arith.constant 5.000000e-01 : f32
        %mul3A_1367 = vector.broadcast %mul3A_1366 : f32 to vector<16xf32>
        %mul3A_1368 = arith.mulf %mul3A_1367, %add3A_1339 : vector<16xf32>
        %mul3A_1369 = arith.mulf %mul3A_1368, %mul3A_1365 : vector<16xf32>
        %mul3A_1370 = arith.mulf %mul3A_1369, %mul3A_1365 : vector<16xf32>
        %sub3A_1371 = arith.constant 1.500000e+00 : f32
        %sub3A_1372 = vector.broadcast %sub3A_1371 : f32 to vector<16xf32>
        %sub3A_1373 = arith.subf %sub3A_1372, %mul3A_1370 : vector<16xf32>
        %mul3A_1374 = arith.mulf %mul3A_1365, %sub3A_1373 : vector<16xf32>
        %gt3A_1375 = arith.constant 0.000000e+00 : f32
        %gt3A_1376 = vector.broadcast %gt3A_1375 : f32 to vector<16xf32>
        %gt3A_1377 = arith.cmpf ogt, %add3A_1339, %gt3A_1376 : vector<16xf32>
        %mul3A_1378 = arith.mulf %add3A_1339, %mul3A_1374 : vector<16xf32>
        %jit3A_1379 = arith.constant 0.000000e+00 : f32
        %broadcast_in_dim3A_1380 = vector.broadcast %jit3A_1379 : f32 to vector<16xf32>
        %select_n3A_1381 = arith.select %gt3A_1377, %mul3A_1378, %broadcast_in_dim3A_1380 : vector<16xi1>, vector<16xf32>
        %mul3A_1382 = arith.constant -2.000000e-02 : f32
        %mul3A_1383 = vector.broadcast %mul3A_1382 : f32 to vector<16xf32>
        %mul3A_1384 = arith.mulf %add3A_1339, %mul3A_1383 : vector<16xf32>
        %exp3A_1385 = math.exp %mul3A_1384 : vector<16xf32>
        %lt3A_1386 = vector.broadcast %squeeze3A_488 : f32 to vector<16xf32>
        %lt3A_1387 = arith.cmpf olt, %select_n3A_1381, %lt3A_1386 : vector<16xf32>
        %mul3A_1388 = arith.mulf %select_n3A_1381, %exp3A_1385 : vector<16xf32>
        %select_n3A_1389 = arith.select %lt3A_1387, %mul3A_1388, %select_n3A_1381 : vector<16xi1>, vector<16xf32>
        %mul3A_1390 = vector.broadcast %squeeze3A_552 : f32 to vector<16xf32>
        %mul3A_1391 = arith.mulf %get3A_586, %mul3A_1390 : vector<16xf32>
        %add3A_1392 = vector.broadcast %squeeze3A_520 : f32 to vector<16xf32>
        %add3A_1393 = arith.addf %add3A_1392, %mul3A_1391 : vector<16xf32>
        %sub3A_1394 = arith.subf %select_n3A_1389, %add3A_1393 : vector<16xf32>
        %swap3A_1395 = arith.constant 11 : i32
        %swap3A_1396 = arith.index_cast %swap3A_1395 : i32 to index
        %swap3A_1397 = arith.index_cast %multiple_of3A_571 : i32 to index
        %swap3A_1398 = tpu.vector_load %arg13[%swap3A_1396, %swap3A_1397] {strides = array<i32>} : memref<16x2048xf32, #tpu.memory_space<vmem>>, vector<1x16xf32>,
        %swap3A_1399 = vector.shape_cast %swap3A_1398 : vector<1x16xf32> to vector<16xf32>
        %swap3A_1400 = vector.shape_cast %sub3A_1394 : vector<16xf32> to vector<1x16xf32>
        tpu.vector_store %arg13[%swap3A_1396, %swap3A_1397], %swap3A_1400 {strides = array<i32>} : memref<16x2048xf32, #tpu.memory_space<vmem>>, vector<1x16xf32>,
        %sub3A_1401 = vector.broadcast %squeeze3A_426 : f32 to vector<16xf32>
        %sub3A_1402 = arith.subf %get3A_576, %sub3A_1401 : vector<16xf32>
        %sub3A_1403 = vector.broadcast %squeeze3A_458 : f32 to vector<16xf32>
        %sub3A_1404 = arith.subf %get3A_581, %sub3A_1403 : vector<16xf32>
        %mul3A_1405 = arith.mulf %sub3A_1402, %sub3A_1402 : vector<16xf32>
        %mul3A_1406 = arith.mulf %sub3A_1404, %sub3A_1404 : vector<16xf32>
        %add3A_1407 = arith.addf %mul3A_1405, %mul3A_1406 : vector<16xf32>
        %bitcast_convert_type3A_1408 = tpu.bitcast %add3A_1407 : vector<16xf32> -> vector<16xi32>
        %shift_right_arithmetic3A_1409 = arith.constant 1 : i32
        %shift_right_arithmetic3A_1410 = vector.broadcast %shift_right_arithmetic3A_1409 : i32 to vector<16xi32>
        %shift_right_arithmetic3A_1411 = arith.shrsi %bitcast_convert_type3A_1408, %shift_right_arithmetic3A_1410 : vector<16xi32>
        %sub3A_1412 = arith.constant 1597463007 : i32
        %sub3A_1413 = vector.broadcast %sub3A_1412 : i32 to vector<16xi32>
        %sub3A_1414 = arith.subi %sub3A_1413, %shift_right_arithmetic3A_1411 : vector<16xi32>
        %bitcast_convert_type3A_1415 = tpu.bitcast %sub3A_1414 : vector<16xi32> -> vector<16xf32>
        %mul3A_1416 = arith.constant 5.000000e-01 : f32
        %mul3A_1417 = vector.broadcast %mul3A_1416 : f32 to vector<16xf32>
        %mul3A_1418 = arith.mulf %mul3A_1417, %add3A_1407 : vector<16xf32>
        %mul3A_1419 = arith.mulf %mul3A_1418, %bitcast_convert_type3A_1415 : vector<16xf32>
        %mul3A_1420 = arith.mulf %mul3A_1419, %bitcast_convert_type3A_1415 : vector<16xf32>
        %sub3A_1421 = arith.constant 1.500000e+00 : f32
        %sub3A_1422 = vector.broadcast %sub3A_1421 : f32 to vector<16xf32>
        %sub3A_1423 = arith.subf %sub3A_1422, %mul3A_1420 : vector<16xf32>
        %mul3A_1424 = arith.mulf %bitcast_convert_type3A_1415, %sub3A_1423 : vector<16xf32>
        %mul3A_1425 = arith.constant 5.000000e-01 : f32
        %mul3A_1426 = vector.broadcast %mul3A_1425 : f32 to vector<16xf32>
        %mul3A_1427 = arith.mulf %mul3A_1426, %add3A_1407 : vector<16xf32>
        %mul3A_1428 = arith.mulf %mul3A_1427, %mul3A_1424 : vector<16xf32>
        %mul3A_1429 = arith.mulf %mul3A_1428, %mul3A_1424 : vector<16xf32>
        %sub3A_1430 = arith.constant 1.500000e+00 : f32
        %sub3A_1431 = vector.broadcast %sub3A_1430 : f32 to vector<16xf32>
        %sub3A_1432 = arith.subf %sub3A_1431, %mul3A_1429 : vector<16xf32>
        %mul3A_1433 = arith.mulf %mul3A_1424, %sub3A_1432 : vector<16xf32>
        %mul3A_1434 = arith.constant 5.000000e-01 : f32
        %mul3A_1435 = vector.broadcast %mul3A_1434 : f32 to vector<16xf32>
        %mul3A_1436 = arith.mulf %mul3A_1435, %add3A_1407 : vector<16xf32>
        %mul3A_1437 = arith.mulf %mul3A_1436, %mul3A_1433 : vector<16xf32>
        %mul3A_1438 = arith.mulf %mul3A_1437, %mul3A_1433 : vector<16xf32>
        %sub3A_1439 = arith.constant 1.500000e+00 : f32
        %sub3A_1440 = vector.broadcast %sub3A_1439 : f32 to vector<16xf32>
        %sub3A_1441 = arith.subf %sub3A_1440, %mul3A_1438 : vector<16xf32>
        %mul3A_1442 = arith.mulf %mul3A_1433, %sub3A_1441 : vector<16xf32>
        %gt3A_1443 = arith.constant 0.000000e+00 : f32
        %gt3A_1444 = vector.broadcast %gt3A_1443 : f32 to vector<16xf32>
        %gt3A_1445 = arith.cmpf ogt, %add3A_1407, %gt3A_1444 : vector<16xf32>
        %mul3A_1446 = arith.mulf %add3A_1407, %mul3A_1442 : vector<16xf32>
        %jit3A_1447 = arith.constant 0.000000e+00 : f32
        %broadcast_in_dim3A_1448 = vector.broadcast %jit3A_1447 : f32 to vector<16xf32>
        %select_n3A_1449 = arith.select %gt3A_1445, %mul3A_1446, %broadcast_in_dim3A_1448 : vector<16xi1>, vector<16xf32>
        %mul3A_1450 = arith.constant -2.000000e-02 : f32
        %mul3A_1451 = vector.broadcast %mul3A_1450 : f32 to vector<16xf32>
        %mul3A_1452 = arith.mulf %add3A_1407, %mul3A_1451 : vector<16xf32>
        %exp3A_1453 = math.exp %mul3A_1452 : vector<16xf32>
        %lt3A_1454 = vector.broadcast %squeeze3A_490 : f32 to vector<16xf32>
        %lt3A_1455 = arith.cmpf olt, %select_n3A_1449, %lt3A_1454 : vector<16xf32>
        %mul3A_1456 = arith.mulf %select_n3A_1449, %exp3A_1453 : vector<16xf32>
        %select_n3A_1457 = arith.select %lt3A_1455, %mul3A_1456, %select_n3A_1449 : vector<16xi1>, vector<16xf32>
        %mul3A_1458 = vector.broadcast %squeeze3A_554 : f32 to vector<16xf32>
        %mul3A_1459 = arith.mulf %get3A_586, %mul3A_1458 : vector<16xf32>
        %add3A_1460 = vector.broadcast %squeeze3A_522 : f32 to vector<16xf32>
        %add3A_1461 = arith.addf %add3A_1460, %mul3A_1459 : vector<16xf32>
        %sub3A_1462 = arith.subf %select_n3A_1457, %add3A_1461 : vector<16xf32>
        %swap3A_1463 = arith.constant 12 : i32
        %swap3A_1464 = arith.index_cast %swap3A_1463 : i32 to index
        %swap3A_1465 = arith.index_cast %multiple_of3A_571 : i32 to index
        %swap3A_1466 = tpu.vector_load %arg13[%swap3A_1464, %swap3A_1465] {strides = array<i32>} : memref<16x2048xf32, #tpu.memory_space<vmem>>, vector<1x16xf32>,
        %swap3A_1467 = vector.shape_cast %swap3A_1466 : vector<1x16xf32> to vector<16xf32>
        %swap3A_1468 = vector.shape_cast %sub3A_1462 : vector<16xf32> to vector<1x16xf32>
        tpu.vector_store %arg13[%swap3A_1464, %swap3A_1465], %swap3A_1468 {strides = array<i32>} : memref<16x2048xf32, #tpu.memory_space<vmem>>, vector<1x16xf32>,
        %sub3A_1469 = vector.broadcast %squeeze3A_428 : f32 to vector<16xf32>
        %sub3A_1470 = arith.subf %get3A_576, %sub3A_1469 : vector<16xf32>
        %sub3A_1471 = vector.broadcast %squeeze3A_460 : f32 to vector<16xf32>
        %sub3A_1472 = arith.subf %get3A_581, %sub3A_1471 : vector<16xf32>
        %mul3A_1473 = arith.mulf %sub3A_1470, %sub3A_1470 : vector<16xf32>
        %mul3A_1474 = arith.mulf %sub3A_1472, %sub3A_1472 : vector<16xf32>
        %add3A_1475 = arith.addf %mul3A_1473, %mul3A_1474 : vector<16xf32>
        %bitcast_convert_type3A_1476 = tpu.bitcast %add3A_1475 : vector<16xf32> -> vector<16xi32>
        %shift_right_arithmetic3A_1477 = arith.constant 1 : i32
        %shift_right_arithmetic3A_1478 = vector.broadcast %shift_right_arithmetic3A_1477 : i32 to vector<16xi32>
        %shift_right_arithmetic3A_1479 = arith.shrsi %bitcast_convert_type3A_1476, %shift_right_arithmetic3A_1478 : vector<16xi32>
        %sub3A_1480 = arith.constant 1597463007 : i32
        %sub3A_1481 = vector.broadcast %sub3A_1480 : i32 to vector<16xi32>
        %sub3A_1482 = arith.subi %sub3A_1481, %shift_right_arithmetic3A_1479 : vector<16xi32>
        %bitcast_convert_type3A_1483 = tpu.bitcast %sub3A_1482 : vector<16xi32> -> vector<16xf32>
        %mul3A_1484 = arith.constant 5.000000e-01 : f32
        %mul3A_1485 = vector.broadcast %mul3A_1484 : f32 to vector<16xf32>
        %mul3A_1486 = arith.mulf %mul3A_1485, %add3A_1475 : vector<16xf32>
        %mul3A_1487 = arith.mulf %mul3A_1486, %bitcast_convert_type3A_1483 : vector<16xf32>
        %mul3A_1488 = arith.mulf %mul3A_1487, %bitcast_convert_type3A_1483 : vector<16xf32>
        %sub3A_1489 = arith.constant 1.500000e+00 : f32
        %sub3A_1490 = vector.broadcast %sub3A_1489 : f32 to vector<16xf32>
        %sub3A_1491 = arith.subf %sub3A_1490, %mul3A_1488 : vector<16xf32>
        %mul3A_1492 = arith.mulf %bitcast_convert_type3A_1483, %sub3A_1491 : vector<16xf32>
        %mul3A_1493 = arith.constant 5.000000e-01 : f32
        %mul3A_1494 = vector.broadcast %mul3A_1493 : f32 to vector<16xf32>
        %mul3A_1495 = arith.mulf %mul3A_1494, %add3A_1475 : vector<16xf32>
        %mul3A_1496 = arith.mulf %mul3A_1495, %mul3A_1492 : vector<16xf32>
        %mul3A_1497 = arith.mulf %mul3A_1496, %mul3A_1492 : vector<16xf32>
        %sub3A_1498 = arith.constant 1.500000e+00 : f32
        %sub3A_1499 = vector.broadcast %sub3A_1498 : f32 to vector<16xf32>
        %sub3A_1500 = arith.subf %sub3A_1499, %mul3A_1497 : vector<16xf32>
        %mul3A_1501 = arith.mulf %mul3A_1492, %sub3A_1500 : vector<16xf32>
        %mul3A_1502 = arith.constant 5.000000e-01 : f32
        %mul3A_1503 = vector.broadcast %mul3A_1502 : f32 to vector<16xf32>
        %mul3A_1504 = arith.mulf %mul3A_1503, %add3A_1475 : vector<16xf32>
        %mul3A_1505 = arith.mulf %mul3A_1504, %mul3A_1501 : vector<16xf32>
        %mul3A_1506 = arith.mulf %mul3A_1505, %mul3A_1501 : vector<16xf32>
        %sub3A_1507 = arith.constant 1.500000e+00 : f32
        %sub3A_1508 = vector.broadcast %sub3A_1507 : f32 to vector<16xf32>
        %sub3A_1509 = arith.subf %sub3A_1508, %mul3A_1506 : vector<16xf32>
        %mul3A_1510 = arith.mulf %mul3A_1501, %sub3A_1509 : vector<16xf32>
        %gt3A_1511 = arith.constant 0.000000e+00 : f32
        %gt3A_1512 = vector.broadcast %gt3A_1511 : f32 to vector<16xf32>
        %gt3A_1513 = arith.cmpf ogt, %add3A_1475, %gt3A_1512 : vector<16xf32>
        %mul3A_1514 = arith.mulf %add3A_1475, %mul3A_1510 : vector<16xf32>
        %jit3A_1515 = arith.constant 0.000000e+00 : f32
        %broadcast_in_dim3A_1516 = vector.broadcast %jit3A_1515 : f32 to vector<16xf32>
        %select_n3A_1517 = arith.select %gt3A_1513, %mul3A_1514, %broadcast_in_dim3A_1516 : vector<16xi1>, vector<16xf32>
        %mul3A_1518 = arith.constant -2.000000e-02 : f32
        %mul3A_1519 = vector.broadcast %mul3A_1518 : f32 to vector<16xf32>
        %mul3A_1520 = arith.mulf %add3A_1475, %mul3A_1519 : vector<16xf32>
        %exp3A_1521 = math.exp %mul3A_1520 : vector<16xf32>
        %lt3A_1522 = vector.broadcast %squeeze3A_492 : f32 to vector<16xf32>
        %lt3A_1523 = arith.cmpf olt, %select_n3A_1517, %lt3A_1522 : vector<16xf32>
        %mul3A_1524 = arith.mulf %select_n3A_1517, %exp3A_1521 : vector<16xf32>
        %select_n3A_1525 = arith.select %lt3A_1523, %mul3A_1524, %select_n3A_1517 : vector<16xi1>, vector<16xf32>
        %mul3A_1526 = vector.broadcast %squeeze3A_556 : f32 to vector<16xf32>
        %mul3A_1527 = arith.mulf %get3A_586, %mul3A_1526 : vector<16xf32>
        %add3A_1528 = vector.broadcast %squeeze3A_524 : f32 to vector<16xf32>
        %add3A_1529 = arith.addf %add3A_1528, %mul3A_1527 : vector<16xf32>
        %sub3A_1530 = arith.subf %select_n3A_1525, %add3A_1529 : vector<16xf32>
        %swap3A_1531 = arith.constant 13 : i32
        %swap3A_1532 = arith.index_cast %swap3A_1531 : i32 to index
        %swap3A_1533 = arith.index_cast %multiple_of3A_571 : i32 to index
        %swap3A_1534 = tpu.vector_load %arg13[%swap3A_1532, %swap3A_1533] {strides = array<i32>} : memref<16x2048xf32, #tpu.memory_space<vmem>>, vector<1x16xf32>,
        %swap3A_1535 = vector.shape_cast %swap3A_1534 : vector<1x16xf32> to vector<16xf32>
        %swap3A_1536 = vector.shape_cast %sub3A_1530 : vector<16xf32> to vector<1x16xf32>
        tpu.vector_store %arg13[%swap3A_1532, %swap3A_1533], %swap3A_1536 {strides = array<i32>} : memref<16x2048xf32, #tpu.memory_space<vmem>>, vector<1x16xf32>,
        %sub3A_1537 = vector.broadcast %squeeze3A_430 : f32 to vector<16xf32>
        %sub3A_1538 = arith.subf %get3A_576, %sub3A_1537 : vector<16xf32>
        %sub3A_1539 = vector.broadcast %squeeze3A_462 : f32 to vector<16xf32>
        %sub3A_1540 = arith.subf %get3A_581, %sub3A_1539 : vector<16xf32>
        %mul3A_1541 = arith.mulf %sub3A_1538, %sub3A_1538 : vector<16xf32>
        %mul3A_1542 = arith.mulf %sub3A_1540, %sub3A_1540 : vector<16xf32>
        %add3A_1543 = arith.addf %mul3A_1541, %mul3A_1542 : vector<16xf32>
        %bitcast_convert_type3A_1544 = tpu.bitcast %add3A_1543 : vector<16xf32> -> vector<16xi32>
        %shift_right_arithmetic3A_1545 = arith.constant 1 : i32
        %shift_right_arithmetic3A_1546 = vector.broadcast %shift_right_arithmetic3A_1545 : i32 to vector<16xi32>
        %shift_right_arithmetic3A_1547 = arith.shrsi %bitcast_convert_type3A_1544, %shift_right_arithmetic3A_1546 : vector<16xi32>
        %sub3A_1548 = arith.constant 1597463007 : i32
        %sub3A_1549 = vector.broadcast %sub3A_1548 : i32 to vector<16xi32>
        %sub3A_1550 = arith.subi %sub3A_1549, %shift_right_arithmetic3A_1547 : vector<16xi32>
        %bitcast_convert_type3A_1551 = tpu.bitcast %sub3A_1550 : vector<16xi32> -> vector<16xf32>
        %mul3A_1552 = arith.constant 5.000000e-01 : f32
        %mul3A_1553 = vector.broadcast %mul3A_1552 : f32 to vector<16xf32>
        %mul3A_1554 = arith.mulf %mul3A_1553, %add3A_1543 : vector<16xf32>
        %mul3A_1555 = arith.mulf %mul3A_1554, %bitcast_convert_type3A_1551 : vector<16xf32>
        %mul3A_1556 = arith.mulf %mul3A_1555, %bitcast_convert_type3A_1551 : vector<16xf32>
        %sub3A_1557 = arith.constant 1.500000e+00 : f32
        %sub3A_1558 = vector.broadcast %sub3A_1557 : f32 to vector<16xf32>
        %sub3A_1559 = arith.subf %sub3A_1558, %mul3A_1556 : vector<16xf32>
        %mul3A_1560 = arith.mulf %bitcast_convert_type3A_1551, %sub3A_1559 : vector<16xf32>
        %mul3A_1561 = arith.constant 5.000000e-01 : f32
        %mul3A_1562 = vector.broadcast %mul3A_1561 : f32 to vector<16xf32>
        %mul3A_1563 = arith.mulf %mul3A_1562, %add3A_1543 : vector<16xf32>
        %mul3A_1564 = arith.mulf %mul3A_1563, %mul3A_1560 : vector<16xf32>
        %mul3A_1565 = arith.mulf %mul3A_1564, %mul3A_1560 : vector<16xf32>
        %sub3A_1566 = arith.constant 1.500000e+00 : f32
        %sub3A_1567 = vector.broadcast %sub3A_1566 : f32 to vector<16xf32>
        %sub3A_1568 = arith.subf %sub3A_1567, %mul3A_1565 : vector<16xf32>
        %mul3A_1569 = arith.mulf %mul3A_1560, %sub3A_1568 : vector<16xf32>
        %mul3A_1570 = arith.constant 5.000000e-01 : f32
        %mul3A_1571 = vector.broadcast %mul3A_1570 : f32 to vector<16xf32>
        %mul3A_1572 = arith.mulf %mul3A_1571, %add3A_1543 : vector<16xf32>
        %mul3A_1573 = arith.mulf %mul3A_1572, %mul3A_1569 : vector<16xf32>
        %mul3A_1574 = arith.mulf %mul3A_1573, %mul3A_1569 : vector<16xf32>
        %sub3A_1575 = arith.constant 1.500000e+00 : f32
        %sub3A_1576 = vector.broadcast %sub3A_1575 : f32 to vector<16xf32>
        %sub3A_1577 = arith.subf %sub3A_1576, %mul3A_1574 : vector<16xf32>
        %mul3A_1578 = arith.mulf %mul3A_1569, %sub3A_1577 : vector<16xf32>
        %gt3A_1579 = arith.constant 0.000000e+00 : f32
        %gt3A_1580 = vector.broadcast %gt3A_1579 : f32 to vector<16xf32>
        %gt3A_1581 = arith.cmpf ogt, %add3A_1543, %gt3A_1580 : vector<16xf32>
        %mul3A_1582 = arith.mulf %add3A_1543, %mul3A_1578 : vector<16xf32>
        %jit3A_1583 = arith.constant 0.000000e+00 : f32
        %broadcast_in_dim3A_1584 = vector.broadcast %jit3A_1583 : f32 to vector<16xf32>
        %select_n3A_1585 = arith.select %gt3A_1581, %mul3A_1582, %broadcast_in_dim3A_1584 : vector<16xi1>, vector<16xf32>
        %mul3A_1586 = arith.constant -2.000000e-02 : f32
        %mul3A_1587 = vector.broadcast %mul3A_1586 : f32 to vector<16xf32>
        %mul3A_1588 = arith.mulf %add3A_1543, %mul3A_1587 : vector<16xf32>
        %exp3A_1589 = math.exp %mul3A_1588 : vector<16xf32>
        %lt3A_1590 = vector.broadcast %squeeze3A_494 : f32 to vector<16xf32>
        %lt3A_1591 = arith.cmpf olt, %select_n3A_1585, %lt3A_1590 : vector<16xf32>
        %mul3A_1592 = arith.mulf %select_n3A_1585, %exp3A_1589 : vector<16xf32>
        %select_n3A_1593 = arith.select %lt3A_1591, %mul3A_1592, %select_n3A_1585 : vector<16xi1>, vector<16xf32>
        %mul3A_1594 = vector.broadcast %squeeze3A_558 : f32 to vector<16xf32>
        %mul3A_1595 = arith.mulf %get3A_586, %mul3A_1594 : vector<16xf32>
        %add3A_1596 = vector.broadcast %squeeze3A_526 : f32 to vector<16xf32>
        %add3A_1597 = arith.addf %add3A_1596, %mul3A_1595 : vector<16xf32>
        %sub3A_1598 = arith.subf %select_n3A_1593, %add3A_1597 : vector<16xf32>
        %swap3A_1599 = arith.constant 14 : i32
        %swap3A_1600 = arith.index_cast %swap3A_1599 : i32 to index
        %swap3A_1601 = arith.index_cast %multiple_of3A_571 : i32 to index
        %swap3A_1602 = tpu.vector_load %arg13[%swap3A_1600, %swap3A_1601] {strides = array<i32>} : memref<16x2048xf32, #tpu.memory_space<vmem>>, vector<1x16xf32>,
        %swap3A_1603 = vector.shape_cast %swap3A_1602 : vector<1x16xf32> to vector<16xf32>
        %swap3A_1604 = vector.shape_cast %sub3A_1598 : vector<16xf32> to vector<1x16xf32>
        tpu.vector_store %arg13[%swap3A_1600, %swap3A_1601], %swap3A_1604 {strides = array<i32>} : memref<16x2048xf32, #tpu.memory_space<vmem>>, vector<1x16xf32>,
        %sub3A_1605 = vector.broadcast %squeeze3A_432 : f32 to vector<16xf32>
        %sub3A_1606 = arith.subf %get3A_576, %sub3A_1605 : vector<16xf32>
        %sub3A_1607 = vector.broadcast %squeeze3A_464 : f32 to vector<16xf32>
        %sub3A_1608 = arith.subf %get3A_581, %sub3A_1607 : vector<16xf32>
        %mul3A_1609 = arith.mulf %sub3A_1606, %sub3A_1606 : vector<16xf32>
        %mul3A_1610 = arith.mulf %sub3A_1608, %sub3A_1608 : vector<16xf32>
        %add3A_1611 = arith.addf %mul3A_1609, %mul3A_1610 : vector<16xf32>
        %bitcast_convert_type3A_1612 = tpu.bitcast %add3A_1611 : vector<16xf32> -> vector<16xi32>
        %shift_right_arithmetic3A_1613 = arith.constant 1 : i32
        %shift_right_arithmetic3A_1614 = vector.broadcast %shift_right_arithmetic3A_1613 : i32 to vector<16xi32>
        %shift_right_arithmetic3A_1615 = arith.shrsi %bitcast_convert_type3A_1612, %shift_right_arithmetic3A_1614 : vector<16xi32>
        %sub3A_1616 = arith.constant 1597463007 : i32
        %sub3A_1617 = vector.broadcast %sub3A_1616 : i32 to vector<16xi32>
        %sub3A_1618 = arith.subi %sub3A_1617, %shift_right_arithmetic3A_1615 : vector<16xi32>
        %bitcast_convert_type3A_1619 = tpu.bitcast %sub3A_1618 : vector<16xi32> -> vector<16xf32>
        %mul3A_1620 = arith.constant 5.000000e-01 : f32
        %mul3A_1621 = vector.broadcast %mul3A_1620 : f32 to vector<16xf32>
        %mul3A_1622 = arith.mulf %mul3A_1621, %add3A_1611 : vector<16xf32>
        %mul3A_1623 = arith.mulf %mul3A_1622, %bitcast_convert_type3A_1619 : vector<16xf32>
        %mul3A_1624 = arith.mulf %mul3A_1623, %bitcast_convert_type3A_1619 : vector<16xf32>
        %sub3A_1625 = arith.constant 1.500000e+00 : f32
        %sub3A_1626 = vector.broadcast %sub3A_1625 : f32 to vector<16xf32>
        %sub3A_1627 = arith.subf %sub3A_1626, %mul3A_1624 : vector<16xf32>
        %mul3A_1628 = arith.mulf %bitcast_convert_type3A_1619, %sub3A_1627 : vector<16xf32>
        %mul3A_1629 = arith.constant 5.000000e-01 : f32
        %mul3A_1630 = vector.broadcast %mul3A_1629 : f32 to vector<16xf32>
        %mul3A_1631 = arith.mulf %mul3A_1630, %add3A_1611 : vector<16xf32>
        %mul3A_1632 = arith.mulf %mul3A_1631, %mul3A_1628 : vector<16xf32>
        %mul3A_1633 = arith.mulf %mul3A_1632, %mul3A_1628 : vector<16xf32>
        %sub3A_1634 = arith.constant 1.500000e+00 : f32
        %sub3A_1635 = vector.broadcast %sub3A_1634 : f32 to vector<16xf32>
        %sub3A_1636 = arith.subf %sub3A_1635, %mul3A_1633 : vector<16xf32>
        %mul3A_1637 = arith.mulf %mul3A_1628, %sub3A_1636 : vector<16xf32>
        %mul3A_1638 = arith.constant 5.000000e-01 : f32
        %mul3A_1639 = vector.broadcast %mul3A_1638 : f32 to vector<16xf32>
        %mul3A_1640 = arith.mulf %mul3A_1639, %add3A_1611 : vector<16xf32>
        %mul3A_1641 = arith.mulf %mul3A_1640, %mul3A_1637 : vector<16xf32>
        %mul3A_1642 = arith.mulf %mul3A_1641, %mul3A_1637 : vector<16xf32>
        %sub3A_1643 = arith.constant 1.500000e+00 : f32
        %sub3A_1644 = vector.broadcast %sub3A_1643 : f32 to vector<16xf32>
        %sub3A_1645 = arith.subf %sub3A_1644, %mul3A_1642 : vector<16xf32>
        %mul3A_1646 = arith.mulf %mul3A_1637, %sub3A_1645 : vector<16xf32>
        %gt3A_1647 = arith.constant 0.000000e+00 : f32
        %gt3A_1648 = vector.broadcast %gt3A_1647 : f32 to vector<16xf32>
        %gt3A_1649 = arith.cmpf ogt, %add3A_1611, %gt3A_1648 : vector<16xf32>
        %mul3A_1650 = arith.mulf %add3A_1611, %mul3A_1646 : vector<16xf32>
        %jit3A_1651 = arith.constant 0.000000e+00 : f32
        %broadcast_in_dim3A_1652 = vector.broadcast %jit3A_1651 : f32 to vector<16xf32>
        %select_n3A_1653 = arith.select %gt3A_1649, %mul3A_1650, %broadcast_in_dim3A_1652 : vector<16xi1>, vector<16xf32>
        %mul3A_1654 = arith.constant -2.000000e-02 : f32
        %mul3A_1655 = vector.broadcast %mul3A_1654 : f32 to vector<16xf32>
        %mul3A_1656 = arith.mulf %add3A_1611, %mul3A_1655 : vector<16xf32>
        %exp3A_1657 = math.exp %mul3A_1656 : vector<16xf32>
        %lt3A_1658 = vector.broadcast %squeeze3A_496 : f32 to vector<16xf32>
        %lt3A_1659 = arith.cmpf olt, %select_n3A_1653, %lt3A_1658 : vector<16xf32>
        %mul3A_1660 = arith.mulf %select_n3A_1653, %exp3A_1657 : vector<16xf32>
        %select_n3A_1661 = arith.select %lt3A_1659, %mul3A_1660, %select_n3A_1653 : vector<16xi1>, vector<16xf32>
        %mul3A_1662 = vector.broadcast %squeeze3A_560 : f32 to vector<16xf32>
        %mul3A_1663 = arith.mulf %get3A_586, %mul3A_1662 : vector<16xf32>
        %add3A_1664 = vector.broadcast %squeeze3A_528 : f32 to vector<16xf32>
        %add3A_1665 = arith.addf %add3A_1664, %mul3A_1663 : vector<16xf32>
        %sub3A_1666 = arith.subf %select_n3A_1661, %add3A_1665 : vector<16xf32>
        %swap3A_1667 = arith.constant 15 : i32
        %swap3A_1668 = arith.index_cast %swap3A_1667 : i32 to index
        %swap3A_1669 = arith.index_cast %multiple_of3A_571 : i32 to index
        %swap3A_1670 = tpu.vector_load %arg13[%swap3A_1668, %swap3A_1669] {strides = array<i32>} : memref<16x2048xf32, #tpu.memory_space<vmem>>, vector<1x16xf32>,
        %swap3A_1671 = vector.shape_cast %swap3A_1670 : vector<1x16xf32> to vector<16xf32>
        %swap3A_1672 = vector.shape_cast %sub3A_1666 : vector<16xf32> to vector<1x16xf32>
        tpu.vector_store %arg13[%swap3A_1668, %swap3A_1669], %swap3A_1672 {strides = array<i32>} : memref<16x2048xf32, #tpu.memory_space<vmem>>, vector<1x16xf32>,
      }
      %scan3A_566 = arith.constant 128 : i32
      %add3A_567 = arith.addi %mul3A_2, %multiple_of3A : i32
      "tpu.region"() ({
        %run_scoped3A = tpu.sem_alloc : memref<!tpu.dma_semaphore, #tpu.memory_space<semaphore_mem>>
        %dma_start3A = arith.constant 0 : i32
        %dma_start3A_568 = tpu.memref_slice %arg7[%add3A_567, %dma_start3A] : memref<1024x2048xf32, #tpu.memory_space<hbm>> -> memref<16x2048xf32, #tpu.memory_space<hbm>>
        %dma_start3A_569 = arith.constant 0 : i32
        %dma_start3A_570 = tpu.memref_slice %arg7[%add3A_567, %dma_start3A_569] : memref<1024x2048xf32, #tpu.memory_space<hbm>> -> memref<16x2048xf32, #tpu.memory_space<hbm>>
        tpu.enqueue_dma source(%arg13 : memref<16x2048xf32, #tpu.memory_space<vmem>>) target(%dma_start3A_570 : memref<16x2048xf32, #tpu.memory_space<hbm>>) target_semaphore(%run_scoped3A : memref<!tpu.dma_semaphore, #tpu.memory_space<semaphore_mem>>)
        %dma_wait3A = arith.constant 0 : i32
        %dma_wait3A_571 = tpu.memref_slice %arg7[%add3A_567, %dma_wait3A] : memref<1024x2048xf32, #tpu.memory_space<hbm>> -> memref<16x2048xf32, #tpu.memory_space<hbm>>
        %dma_wait3A_572 = arith.constant 0 : i32
        %dma_wait3A_573 = tpu.memref_slice %arg7[%add3A_567, %dma_wait3A_572] : memref<1024x2048xf32, #tpu.memory_space<hbm>> -> memref<16x2048xf32, #tpu.memory_space<hbm>>
        tpu.wait_dma2 semaphore(%run_scoped3A : memref<!tpu.dma_semaphore, #tpu.memory_space<semaphore_mem>>) src(%arg13 : memref<16x2048xf32, #tpu.memory_space<vmem>>) dst(%dma_wait3A_573 : memref<16x2048xf32, #tpu.memory_space<hbm>>)
        tpu.yield
      }) : () -> ()
    }
    %scan3A_8 = arith.constant 2 : i32
    return
  }
}

module attributes {stable_mosaic.version = 14 : i64} {
  func.func @_tc_body(%arg0: i32, %arg1: memref<256x2xf32, #tpu.memory_space<vmem>>, %arg2: memref<256x2xf32, #tpu.memory_space<vmem>>, %arg3: memref<2x2048xf32, #tpu.memory_space<vmem>>, %arg4: memref<1x2048xf32, #tpu.memory_space<vmem>>, %arg5: memref<256x2048xf32, #tpu.memory_space<vmem>>) attributes {dimension_semantics = [#tpu.dimension_semantics<arbitrary>], iteration_bounds = array<i64: 28>, scalar_prefetch = 0 : i64, scratch_operands = 0 : i64, tpu.core_type = #tpu.core_type<tc>, window_params = [{transform_indices = @transform_0, window_bounds = array<i64: 256, 2>}, {transform_indices = @transform_1, window_bounds = array<i64: 256, 2>}, {pipeline_mode = #tpu.pipeline_mode<synchronous>, transform_indices = @transform_2, window_bounds = array<i64: 2, 2048>}, {pipeline_mode = #tpu.pipeline_mode<synchronous>, transform_indices = @transform_3, window_bounds = array<i64: 1, 2048>}, {transform_indices = @transform_4, window_bounds = array<i64: 256, 2048>}]} {
    %get3A = arith.constant 0 : index
    %get3A_0 = arith.constant 0 : index
    %get3A_1 = vector.load %arg1[%get3A, %get3A_0] : memref<256x2xf32, #tpu.memory_space<vmem>>, vector<256x1xf32>
    %get3A_2 = arith.constant 0 : index
    %get3A_3 = arith.constant 1 : index
    %get3A_4 = vector.load %arg1[%get3A_2, %get3A_3] : memref<256x2xf32, #tpu.memory_space<vmem>>, vector<256x1xf32>
    %get3A_5 = arith.constant 0 : index
    %get3A_6 = arith.constant 0 : index
    %get3A_7 = vector.load %arg3[%get3A_5, %get3A_6] : memref<2x2048xf32, #tpu.memory_space<vmem>>, vector<1x2048xf32>
    %get3A_8 = arith.constant 1 : index
    %get3A_9 = arith.constant 0 : index
    %get3A_10 = vector.load %arg3[%get3A_8, %get3A_9] : memref<2x2048xf32, #tpu.memory_space<vmem>>, vector<1x2048xf32>
    %sub3A = vector.broadcast %get3A_1 : vector<256x1xf32> to vector<256x2048xf32>
    %sub3A_11 = vector.broadcast %get3A_7 : vector<1x2048xf32> to vector<256x2048xf32>
    %sub3A_12 = arith.subf %sub3A, %sub3A_11 : vector<256x2048xf32>
    %sub3A_13 = vector.broadcast %get3A_4 : vector<256x1xf32> to vector<256x2048xf32>
    %sub3A_14 = vector.broadcast %get3A_10 : vector<1x2048xf32> to vector<256x2048xf32>
    %sub3A_15 = arith.subf %sub3A_13, %sub3A_14 : vector<256x2048xf32>
    %mul3A = arith.mulf %sub3A_12, %sub3A_12 : vector<256x2048xf32>
    %mul3A_16 = arith.mulf %sub3A_15, %sub3A_15 : vector<256x2048xf32>
    %add3A = arith.addf %mul3A, %mul3A_16 : vector<256x2048xf32>
    %sqrt3A = math.sqrt %add3A : vector<256x2048xf32>
    %iota3A = tpu.iota {dimensions = array<i32: 1>} : vector<256x2048xi32>
    %broadcast_in_dim3A = arith.constant 0.000000e+00 : f32
    %broadcast_in_dim3A_17 = vector.broadcast %broadcast_in_dim3A : f32 to vector<256x1xf32>
    %reduce_min3A = arith.constant dense<0x7F800000> : vector<256xf32>
    %reduce_min3A_18 = vector.multi_reduction <minimumf>, %sqrt3A, %reduce_min3A [1] : vector<256x2048xf32> to vector<256xf32>
    %broadcast_in_dim3A_19 = vector.shape_cast %reduce_min3A_18 : vector<256xf32> to vector<256x1xf32>
    %add3A_20 = arith.addf %broadcast_in_dim3A_17, %broadcast_in_dim3A_19 : vector<256x1xf32>
    %le3A = vector.broadcast %broadcast_in_dim3A_19 : vector<256x1xf32> to vector<256x2048xf32>
    %le3A_21 = arith.cmpf ole, %sqrt3A, %le3A : vector<256x2048xf32>
    %jit3A = arith.constant 2048 : i32
    %broadcast_in_dim3A_22 = vector.broadcast %jit3A : i32 to vector<256x2048xi32>
    %select_n3A = arith.select %le3A_21, %iota3A, %broadcast_in_dim3A_22 : vector<256x2048xi1>, vector<256x2048xi32>
    %reduce_min3A_23 = arith.constant dense<2147483647> : vector<256xi32>
    %reduce_min3A_24 = vector.multi_reduction <minsi>, %select_n3A, %reduce_min3A_23 [1] : vector<256x2048xi32> to vector<256xi32>
    %broadcast_in_dim3A_25 = vector.shape_cast %reduce_min3A_24 : vector<256xi32> to vector<256x1xi32>
    %eq3A = vector.broadcast %broadcast_in_dim3A_25 : vector<256x1xi32> to vector<256x2048xi32>
    %eq3A_26 = arith.cmpi eq, %iota3A, %eq3A : vector<256x2048xi32>
    %jit3A_27 = arith.constant 0x7F800000 : f32
    %broadcast_in_dim3A_28 = vector.broadcast %jit3A_27 : f32 to vector<256x2048xf32>
    %select_n3A_29 = arith.select %eq3A_26, %broadcast_in_dim3A_28, %sqrt3A : vector<256x2048xi1>, vector<256x2048xf32>
    %reduce_min3A_30 = arith.constant dense<0x7F800000> : vector<256xf32>
    %reduce_min3A_31 = vector.multi_reduction <minimumf>, %select_n3A_29, %reduce_min3A_30 [1] : vector<256x2048xf32> to vector<256xf32>
    %broadcast_in_dim3A_32 = vector.shape_cast %reduce_min3A_31 : vector<256xf32> to vector<256x1xf32>
    %add3A_33 = arith.addf %add3A_20, %broadcast_in_dim3A_32 : vector<256x1xf32>
    %le3A_34 = vector.broadcast %broadcast_in_dim3A_32 : vector<256x1xf32> to vector<256x2048xf32>
    %le3A_35 = arith.cmpf ole, %select_n3A_29, %le3A_34 : vector<256x2048xf32>
    %jit3A_36 = arith.constant 2048 : i32
    %broadcast_in_dim3A_37 = vector.broadcast %jit3A_36 : i32 to vector<256x2048xi32>
    %select_n3A_38 = arith.select %le3A_35, %iota3A, %broadcast_in_dim3A_37 : vector<256x2048xi1>, vector<256x2048xi32>
    %reduce_min3A_39 = arith.constant dense<2147483647> : vector<256xi32>
    %reduce_min3A_40 = vector.multi_reduction <minsi>, %select_n3A_38, %reduce_min3A_39 [1] : vector<256x2048xi32> to vector<256xi32>
    %broadcast_in_dim3A_41 = vector.shape_cast %reduce_min3A_40 : vector<256xi32> to vector<256x1xi32>
    %eq3A_42 = vector.broadcast %broadcast_in_dim3A_41 : vector<256x1xi32> to vector<256x2048xi32>
    %eq3A_43 = arith.cmpi eq, %iota3A, %eq3A_42 : vector<256x2048xi32>
    %jit3A_44 = arith.constant 0x7F800000 : f32
    %broadcast_in_dim3A_45 = vector.broadcast %jit3A_44 : f32 to vector<256x2048xf32>
    %select_n3A_46 = arith.select %eq3A_43, %broadcast_in_dim3A_45, %select_n3A_29 : vector<256x2048xi1>, vector<256x2048xf32>
    %reduce_min3A_47 = arith.constant dense<0x7F800000> : vector<256xf32>
    %reduce_min3A_48 = vector.multi_reduction <minimumf>, %select_n3A_46, %reduce_min3A_47 [1] : vector<256x2048xf32> to vector<256xf32>
    %broadcast_in_dim3A_49 = vector.shape_cast %reduce_min3A_48 : vector<256xf32> to vector<256x1xf32>
    %add3A_50 = arith.addf %add3A_33, %broadcast_in_dim3A_49 : vector<256x1xf32>
    %le3A_51 = vector.broadcast %broadcast_in_dim3A_49 : vector<256x1xf32> to vector<256x2048xf32>
    %le3A_52 = arith.cmpf ole, %select_n3A_46, %le3A_51 : vector<256x2048xf32>
    %jit3A_53 = arith.constant 2048 : i32
    %broadcast_in_dim3A_54 = vector.broadcast %jit3A_53 : i32 to vector<256x2048xi32>
    %select_n3A_55 = arith.select %le3A_52, %iota3A, %broadcast_in_dim3A_54 : vector<256x2048xi1>, vector<256x2048xi32>
    %reduce_min3A_56 = arith.constant dense<2147483647> : vector<256xi32>
    %reduce_min3A_57 = vector.multi_reduction <minsi>, %select_n3A_55, %reduce_min3A_56 [1] : vector<256x2048xi32> to vector<256xi32>
    %broadcast_in_dim3A_58 = vector.shape_cast %reduce_min3A_57 : vector<256xi32> to vector<256x1xi32>
    %eq3A_59 = vector.broadcast %broadcast_in_dim3A_58 : vector<256x1xi32> to vector<256x2048xi32>
    %eq3A_60 = arith.cmpi eq, %iota3A, %eq3A_59 : vector<256x2048xi32>
    %jit3A_61 = arith.constant 0x7F800000 : f32
    %broadcast_in_dim3A_62 = vector.broadcast %jit3A_61 : f32 to vector<256x2048xf32>
    %select_n3A_63 = arith.select %eq3A_60, %broadcast_in_dim3A_62, %select_n3A_46 : vector<256x2048xi1>, vector<256x2048xf32>
    %reduce_min3A_64 = arith.constant dense<0x7F800000> : vector<256xf32>
    %reduce_min3A_65 = vector.multi_reduction <minimumf>, %select_n3A_63, %reduce_min3A_64 [1] : vector<256x2048xf32> to vector<256xf32>
    %broadcast_in_dim3A_66 = vector.shape_cast %reduce_min3A_65 : vector<256xf32> to vector<256x1xf32>
    %add3A_67 = arith.addf %add3A_50, %broadcast_in_dim3A_66 : vector<256x1xf32>
    %le3A_68 = vector.broadcast %broadcast_in_dim3A_66 : vector<256x1xf32> to vector<256x2048xf32>
    %le3A_69 = arith.cmpf ole, %select_n3A_63, %le3A_68 : vector<256x2048xf32>
    %jit3A_70 = arith.constant 2048 : i32
    %broadcast_in_dim3A_71 = vector.broadcast %jit3A_70 : i32 to vector<256x2048xi32>
    %select_n3A_72 = arith.select %le3A_69, %iota3A, %broadcast_in_dim3A_71 : vector<256x2048xi1>, vector<256x2048xi32>
    %reduce_min3A_73 = arith.constant dense<2147483647> : vector<256xi32>
    %reduce_min3A_74 = vector.multi_reduction <minsi>, %select_n3A_72, %reduce_min3A_73 [1] : vector<256x2048xi32> to vector<256xi32>
    %broadcast_in_dim3A_75 = vector.shape_cast %reduce_min3A_74 : vector<256xi32> to vector<256x1xi32>
    %eq3A_76 = vector.broadcast %broadcast_in_dim3A_75 : vector<256x1xi32> to vector<256x2048xi32>
    %eq3A_77 = arith.cmpi eq, %iota3A, %eq3A_76 : vector<256x2048xi32>
    %jit3A_78 = arith.constant 0x7F800000 : f32
    %broadcast_in_dim3A_79 = vector.broadcast %jit3A_78 : f32 to vector<256x2048xf32>
    %select_n3A_80 = arith.select %eq3A_77, %broadcast_in_dim3A_79, %select_n3A_63 : vector<256x2048xi1>, vector<256x2048xf32>
    %reduce_min3A_81 = arith.constant dense<0x7F800000> : vector<256xf32>
    %reduce_min3A_82 = vector.multi_reduction <minimumf>, %select_n3A_80, %reduce_min3A_81 [1] : vector<256x2048xf32> to vector<256xf32>
    %broadcast_in_dim3A_83 = vector.shape_cast %reduce_min3A_82 : vector<256xf32> to vector<256x1xf32>
    %add3A_84 = arith.addf %add3A_67, %broadcast_in_dim3A_83 : vector<256x1xf32>
    %div3A = arith.constant 5.000000e+00 : f32
    %div3A_85 = vector.broadcast %div3A : f32 to vector<256x1xf32>
    %div3A_86 = arith.divf %add3A_84, %div3A_85 : vector<256x1xf32>
    %get3A_87 = arith.constant 0 : index
    %get3A_88 = arith.constant 0 : index
    %get3A_89 = vector.load %arg2[%get3A_87, %get3A_88] : memref<256x2xf32, #tpu.memory_space<vmem>>, vector<256x1xf32>
    %get3A_90 = arith.constant 0 : index
    %get3A_91 = arith.constant 1 : index
    %get3A_92 = vector.load %arg2[%get3A_90, %get3A_91] : memref<256x2xf32, #tpu.memory_space<vmem>>, vector<256x1xf32>
    %sub3A_93 = arith.subf %get3A_89, %get3A_92 : vector<256x1xf32>
    %logistic3A = arith.negf %sub3A_93 : vector<256x1xf32>
    %logistic3A_94 = math.exp %logistic3A : vector<256x1xf32>
    %logistic3A_95 = arith.constant 1.000000e+00 : f32
    %logistic3A_96 = vector.broadcast %logistic3A_95 : f32 to vector<256x1xf32>
    %logistic3A_97 = arith.addf %logistic3A_96, %logistic3A_94 : vector<256x1xf32>
    %logistic3A_98 = arith.divf %logistic3A_96, %logistic3A_97 : vector<256x1xf32>
    %get3A_99 = arith.constant 0 : index
    %get3A_100 = arith.constant 0 : index
    %get3A_101 = vector.load %arg4[%get3A_99, %get3A_100] : memref<1x2048xf32, #tpu.memory_space<vmem>>, vector<1x2048xf32>
    %mul3A_102 = arith.constant 2.000000e+00 : f32
    %mul3A_103 = vector.broadcast %mul3A_102 : f32 to vector<256x1xf32>
    %mul3A_104 = arith.mulf %mul3A_103, %logistic3A_98 : vector<256x1xf32>
    %sub3A_105 = arith.constant 1.000000e+00 : f32
    %sub3A_106 = vector.broadcast %sub3A_105 : f32 to vector<256x1xf32>
    %sub3A_107 = arith.subf %sub3A_106, %mul3A_104 : vector<256x1xf32>
    %mul3A_108 = vector.broadcast %get3A_101 : vector<1x2048xf32> to vector<256x2048xf32>
    %mul3A_109 = vector.broadcast %sub3A_107 : vector<256x1xf32> to vector<256x2048xf32>
    %mul3A_110 = arith.mulf %mul3A_108, %mul3A_109 : vector<256x2048xf32>
    %add3A_111 = vector.broadcast %logistic3A_98 : vector<256x1xf32> to vector<256x2048xf32>
    %add3A_112 = arith.addf %add3A_111, %mul3A_110 : vector<256x2048xf32>
    %mul3A_113 = arith.constant -2.000000e-02 : f32
    %mul3A_114 = vector.broadcast %mul3A_113 : f32 to vector<256x2048xf32>
    %mul3A_115 = arith.mulf %add3A, %mul3A_114 : vector<256x2048xf32>
    %exp3A = math.exp %mul3A_115 : vector<256x2048xf32>
    %lt3A = vector.broadcast %div3A_86 : vector<256x1xf32> to vector<256x2048xf32>
    %lt3A_116 = arith.cmpf olt, %sqrt3A, %lt3A : vector<256x2048xf32>
    %mul3A_117 = arith.mulf %sqrt3A, %exp3A : vector<256x2048xf32>
    %select_n3A_118 = arith.select %lt3A_116, %mul3A_117, %sqrt3A : vector<256x2048xi1>, vector<256x2048xf32>
    %sub3A_119 = arith.subf %select_n3A_118, %add3A_112 : vector<256x2048xf32>
    %swap3A = arith.constant 0 : index
    %swap3A_120 = arith.constant 0 : index
    %swap3A_121 = vector.load %arg5[%swap3A, %swap3A_120] : memref<256x2048xf32, #tpu.memory_space<vmem>>, vector<256x2048xf32>
    tpu.vector_store %arg5[%swap3A, %swap3A_120], %sub3A_119 {strides = array<i32>} : memref<256x2048xf32, #tpu.memory_space<vmem>>, vector<256x2048xf32>,
    return
  }
  func.func @transform_0(%arg0: i32) -> (i32, i32) {
    %add3A = arith.constant 4 : i32
    %add3A_0 = arith.addi %arg0, %add3A : i32
    %c0_i32 = arith.constant 0 : i32
    %c0_i32_1 = arith.constant 0 : i32
    return %add3A_0, %c0_i32 : i32, i32
  }
  func.func @transform_1(%arg0: i32) -> (i32, i32) {
    %add3A = arith.constant 4 : i32
    %add3A_0 = arith.addi %arg0, %add3A : i32
    %c0_i32 = arith.constant 0 : i32
    %c0_i32_1 = arith.constant 0 : i32
    return %add3A_0, %c0_i32 : i32, i32
  }
  func.func @transform_2(%arg0: i32) -> (i32, i32) {
    %c0_i32 = arith.constant 0 : i32
    %c0_i32_0 = arith.constant 0 : i32
    %c0_i32_1 = arith.constant 0 : i32
    return %c0_i32, %c0_i32_0 : i32, i32
  }
  func.func @transform_3(%arg0: i32) -> (i32, i32) {
    %c0_i32 = arith.constant 0 : i32
    %c0_i32_0 = arith.constant 0 : i32
    %c0_i32_1 = arith.constant 0 : i32
    return %c0_i32, %c0_i32_0 : i32, i32
  }
  func.func @transform_4(%arg0: i32) -> (i32, i32) {
    %add3A = arith.constant 4 : i32
    %add3A_0 = arith.addi %arg0, %add3A : i32
    %c0_i32 = arith.constant 0 : i32
    %c0_i32_1 = arith.constant 0 : i32
    return %add3A_0, %c0_i32 : i32, i32
  }
}

module attributes {stable_mosaic.version = 14 : i64} {
  func.func @_merge_body(%arg0: i32, %arg1: memref<8192x2048xf32, #tpu.memory_space<any>>, %arg2: memref<256x2048xf32, #tpu.memory_space<vmem>>, %arg3: memref<256x2048xf32, #tpu.memory_space<vmem>>) attributes {dimension_semantics = [#tpu.dimension_semantics<arbitrary>], iteration_bounds = array<i64: 4>, scalar_prefetch = 0 : i64, scratch_operands = 0 : i64, tpu.core_type = #tpu.core_type<tc>, window_params = [{}, {transform_indices = @transform_1, window_bounds = array<i64: 256, 2048>}, {transform_indices = @transform_2, window_bounds = array<i64: 256, 2048>}]} {
    %get3A = arith.constant 0 : index
    %get3A_0 = arith.constant 0 : index
    %get3A_1 = vector.load %arg2[%get3A, %get3A_0] : memref<256x2048xf32, #tpu.memory_space<vmem>>, vector<256x2048xf32>
    %swap3A = arith.constant 0 : index
    %swap3A_2 = arith.constant 0 : index
    %swap3A_3 = vector.load %arg3[%swap3A, %swap3A_2] : memref<256x2048xf32, #tpu.memory_space<vmem>>, vector<256x2048xf32>
    tpu.vector_store %arg3[%swap3A, %swap3A_2], %get3A_1 {strides = array<i32>} : memref<256x2048xf32, #tpu.memory_space<vmem>>, vector<256x2048xf32>,
    return
  }
  func.func @transform_1(%arg0: i32) -> (i32, i32) {
    %c0_i32 = arith.constant 0 : i32
    %c0_i32_0 = arith.constant 0 : i32
    return %arg0, %c0_i32 : i32, i32
  }
  func.func @transform_2(%arg0: i32) -> (i32, i32) {
    %c0_i32 = arith.constant 0 : i32
    %c0_i32_0 = arith.constant 0 : i32
    return %arg0, %c0_i32 : i32, i32
  }
}

</mosaic_0001>

<sc_bundles>
// kernel: kernel.5.cloned.1.call-start
scs
__scs_entry_jumppad:
0x0: {  	(pc) =	sbr.rel $0x88, $3  }
0x1: {  	(tag) =	ssettag $0x0;
	lr =	simm.s32 $0x1  }
0x2: {  	[smem:$0x3F9D] =	sst lr;
	_ =	strace $0xD0000000  }
0x3: {  	_ = 	snop  }
0x4: {  	_ = 	snop  }
0x5: {  	_ = 	snop  }
0x6: {  	_ = 	snop  }
0x7: {  	_ = 	snop  }
__scs_overlays_trampoline_lowered:
0x8: {  	[smem:$0x3FAC] =	sst s0  }
0x9: {  	[smem:$0x3FAD] =	sst s1  }
0xa: {  	[smem:$0x3FAE] =	sst s2  }
0xb: {  	[smem:$0x3FAF] =	sst s3  }
0xc: {  	[smem:$0x3FB0] =	sst s4  }
0xd: {  	[smem:$0x3FB1] =	sst s5  }
0xe: {  	[smem:$0x3FB2] =	sst s6  }
0xf: {  	[smem:$0x3FB3] =	sst s7  }
0x10: {  	[smem:$0x3FB4] =	sst s8  }
0x11: {  	[smem:$0x3FB5] =	sst s9;
	s0 =	simm.s32 @!p0 $0x0  }
0x12: {  	s1 =	sld [smem:$0x3F9B];
	s0 =	simm.s32 @p0 $0x1  }
0x13: {  	[smem:$0x3FB6] =	sst s0;
	s0 =	simm.s32 @!p1 $0x0  }
0x14: {  	s2 =	sld [smem:$0x3F9A];
	s0 =	simm.s32 @p1 $0x1  }
0x15: {  	[smem:$0x3FB7] =	sst s0;
	s0 =	simm.s32 @!p2 $0x0  }
0x16: {  	s3 =	sld [smem:$0x3FDB];
	s0 =	simm.s32 @p2 $0x1  }
0x17: {  	s4 =	simm.s32 $0x1BF5;
	[smem:$0x3FB9] =	sst s0  }
0x18: {  	s0 =	sld [smem:$0x3F9C];
	_ =	swait.ge [sflag:s4], $0x0  }
0x19: {  	s7 =	sld [smem:$0x3F9D]  }
0x1a: {  	s8 =	sadd.s32 $0xFFFFE003, lr  }
0x1b: {  	s9 =	sadd.s32 $0xFFFFFEF7, lr;
	s5 =	simm.s32 $0xFFFFFFFF;
	p2 =	slt.u32 s8, $0xFFFFF086  }
0x1c: {  	p1 =	slt.u32 s9, $0xF7A;
	s5 =	simm.s32 @!p2 $0x0  }
0x1d: {  	s5 =	simm.s32 @p1 $0x1;
	p0 =	seq.s32 s7, s2  }
0x1e: {  	s7 =	smul.u32 @!p0 $0xF7A, s2;
	p2 =	seq.s32 @!p0 s5, $0x0  }
0x1f: {  	s9 =	smul.u32 $0xF7A, s1;
	s8 =	simm.s32 @!p0 $0x1BF5;
	p2 =	por !p2, p0  }
0x20: {  	[sflag:s8] =	ssyncset.s32 @!p0 $0xFFFFF086;
	s6 =	sadd.s32 @!p0 s3, s7;
	s7 =	simm.s32 @!p0 $0x108  }
0x21: {  	s3 =	sadd.s32 s3, s9;
	s6 =	sadd.s32 @!p0 $0x88, s6;
	s7 =	simm.s32 @p2 $0x1082  }
0x22: {  	[simem:s7], [sflag:s8] =	dma.local @!p0 [hbm:s6], $0xF7A  }
0x23: {  	s9 =	sor.u32 $0xD0000000, s2;
	s6 =	simm.s32 $0x108;
	_ =	swait.ge @!p0 [sflag:s8], $0x0  }
0x24: {  	s3 =	sadd.s32 $0x88, s3;
	s6 =	simm.s32 @!p1 $0x1082;
	[sflag:s4] =	ssyncset.s32 $0xFFFFF086  }
0x25: {  	[simem:s6], [sflag:s4] =	dma.local [hbm:s3], $0xF7A  }
0x26: {  	[smem:$0x3F9D] =	sst s1;
	(tag) =	ssettag s2;
	_ =	strace s9  }
0x27: {  	s1 =	sld [smem:$0x3FAD]  }
0x28: {  	s2 =	sld [smem:$0x3FAE]  }
0x29: {  	s4 =	sld [smem:$0x3FB0]  }
0x2a: {  	p0 =	seq.s32 s5, $0x0;
	s5 =	sld [smem:$0x3FB1]  }
0x2b: {  	s6 =	sld [smem:$0x3FB2]  }
0x2c: {  	s7 =	sld [smem:$0x3FB3]  }
0x2d: {  	s3 =	simm.s32 $0x108;
	s8 =	sld [smem:$0x3FB4]  }
0x2e: {  	s3 =	simm.s32 @!p0 $0x1082;
	s9 =	sld [smem:$0x3FB5]  }
0x2f: {  	lr =	sadd.s32 s0, s3;
	s0 =	sld [smem:$0x3FAC]  }
0x30: {  	s3 =	sld [smem:$0x3FAF]  }
0x31: {  	[smem:$0x3FB8] =	sst s10  }
0x32: {  	s10 =	sld [smem:$0x3FB6];
	_ =	sdelay $0x3  }
0x33: {  	p0 =	seq.s32 s10, $0x1;
	s10 =	sld [smem:$0x3FB8];
	_ =	sdelay $0x3  }
0x34: {  	[smem:$0x3FB8] =	sst s10  }
0x35: {  	s10 =	sld [smem:$0x3FB7];
	_ =	sdelay $0x3  }
0x36: {  	p1 =	seq.s32 s10, $0x1;
	s10 =	sld [smem:$0x3FB8];
	_ =	sdelay $0x3  }
0x37: {  	[smem:$0x3FB8] =	sst s10  }
0x38: {  	s10 =	sld [smem:$0x3FB9]  }
0x39: {  	_ = 	snop;
	(pc) =	sbr.ind lr, $3  }
0x3a: {  	_ = 	snop  }
0x3b: {  	_ = 	snop  }
0x3c: {  	p2 =	seq.s32 s10, $0x1;
	s10 =	sld [smem:$0x3FB8]  }
0x3d: {  	_ =	shalt  }
0x3e: {  	_ =	shalt  }
0x3f: {  	_ =	shalt  }
0x40: {  	_ =	shalt  }
0x41: {  	_ =	shalt  }
0x42: {  	_ =	shalt  }
0x43: {  	_ =	shalt  }
0x44: {  	_ =	shalt  }
0x45: {  	_ =	shalt  }
0x46: {  	_ =	shalt  }
0x47: {  	_ =	shalt  }
0x48: {  	_ =	shalt  }
0x49: {  	_ =	shalt  }
0x4a: {  	_ =	shalt  }
0x4b: {  	_ =	shalt  }
0x4c: {  	_ =	shalt  }
0x4d: {  	_ =	shalt  }
0x4e: {  	_ =	shalt  }
0x4f: {  	_ =	shalt  }
0x50: {  	_ =	shalt  }
0x51: {  	_ =	shalt  }
0x52: {  	_ =	shalt  }
0x53: {  	_ =	shalt  }
0x54: {  	_ =	shalt  }
0x55: {  	_ =	shalt  }
0x56: {  	_ =	shalt  }
0x57: {  	_ =	shalt  }
0x58: {  	_ =	shalt  }
0x59: {  	_ =	shalt  }
0x5a: {  	_ =	shalt  }
0x5b: {  	_ =	shalt  }
0x5c: {  	_ =	shalt  }
0x5d: {  	_ =	shalt  }
0x5e: {  	_ =	shalt  }
0x5f: {  	_ =	shalt  }
0x60: {  	_ =	shalt  }
0x61: {  	_ =	shalt  }
0x62: {  	_ =	shalt  }
0x63: {  	_ =	shalt  }
0x64: {  	_ =	shalt  }
0x65: {  	_ =	shalt  }
0x66: {  	_ =	shalt  }
0x67: {  	_ =	shalt  }
0x68: {  	_ =	shalt  }
0x69: {  	_ =	shalt  }
0x6a: {  	_ =	shalt  }
0x6b: {  	_ =	shalt  }
0x6c: {  	_ =	shalt  }
0x6d: {  	_ =	shalt  }
0x6e: {  	_ =	shalt  }
0x6f: {  	_ =	shalt  }
0x70: {  	_ =	shalt  }
0x71: {  	_ =	shalt  }
0x72: {  	_ =	shalt  }
0x73: {  	_ =	shalt  }
0x74: {  	_ =	shalt  }
0x75: {  	_ =	shalt  }
0x76: {  	_ =	shalt  }
0x77: {  	_ =	shalt  }
0x78: {  	_ =	shalt  }
0x79: {  	_ =	shalt  }
0x7a: {  	_ =	shalt  }
0x7b: {  	_ =	shalt  }
0x7c: {  	_ =	shalt  }
0x7d: {  	_ =	shalt  }
0x7e: {  	_ =	shalt  }
0x7f: {  	_ =	shalt  }
0x80: {  	_ =	shalt  }
0x81: {  	_ =	shalt  }
0x82: {  	_ =	shalt  }
0x83: {  	_ =	shalt  }
0x84: {  	_ =	shalt  }
0x85: {  	_ =	shalt  }
0x86: {  	_ =	shalt  }
0x87: {  	_ =	shalt  }
.Lfunc_end0:
.L_simem_size_0:
called_computation_lowered:
.L_overlay_start_0:
0x88: {  	s2 =	sld [smem:$0x3FD9]  }
0x89: {  	s3 =	sld [smem:$0x3FFE];
	_ =	sdelay $0x1  }
0x8a: {  	s1 =	srdreg.scid  }
0x8b: {  	s0 =	sand.u32 $0x1, s1  }
0x8c: {  	s16 =	sshll.u32 s0, $0xA;
	s2 =	sadd.s32 s3, s2  }
0x8d: {  	s2 =	sadd.s32 s2, s16  }
0x8e: {  	[smem:$0x3FC4] =	sst s2  }
0x8f: {  	_ = 	snop  }
0x90: {  	(tm) =	ssettm $0x1  }
0x91: {  	s17 =	sld [smem:$0x3FFB];
	_ =	sdelay $0x3  }
0x92: {  	_ =	strace s17  }
0x93: {  	s2 =	sld [smem:$0x3FFC];
	_ =	sdelay $0x3  }
0x94: {  	_ =	strace s2  }
0x95: {  	s2 =	sld [smem:$0x3FFD];
	_ =	sdelay $0x3  }
0x96: {  	_ =	strace s2  }
0x97: {  	_ =	strace $0x8FFFFFFF  }
0x98: {  	s18 =	sld [smem:$0x3FDB];
	_ =	sdelay $0x1  }
0x99: {  	s19 =	simm.s32 $_scs_section_size  }
0x9a: {  	s4 =	simm.s32 $_size__tile_overlayer_lowered;
	s5 =	simm.s32 $_tile_overlayer_lowered  }
0x9b: {  	s22 =	simm.s32 $0x1BFF;
	s21 =	sshll.u32 s5, $0x1;
	s2 =	sadd.s32 s19, s18  }
0x9c: {  	s6 =	simm.s32 $0x0;
	s20 =	sshll.u32 s4, $0x1;
	s4 =	sadd.s32 s21, s2  }
0x9d: {  	[timem:s6], [sflag:s22] =	dma.local [hbm:s4], s20  }
0x9e: {  	_ =	swait.ge [sflag:s22], s20  }
0x9f: {  	s3 =	ssub.s32 $0x0, s20;
	[sflag:s22] =	ssyncset.done $0x0  }
0xa0: {  	[sflag:s22] =	ssyncadd.s32 s3;
	_ =	sdelay $0x1  }
0xa1: {  	s23 =	simm.s32 $0x1B8B  }
0xa2: {  	_ =	swait.ge [sflag:s23], $0x1  }
0xa3: {  	[sflag:s23] =	ssyncset.done $0x0  }
0xa4: {  	s25 =	simm.s32 $0x1B8E;
	s24 =	sld [smem:$0x3FFE];
	[sflag:s23] =	ssyncadd.s32 $0xFFFFFFFF  }
0xa5: {  	s26 =	simm.s32 $execute0_lowered;
	[smem:$0x3FD2] =	sst s25  }
0xa6: {  	s4 =	sshll.u32 s26, $0x1;
	_ =	strace $0x80000046;
	[dreg:$0x1] =	wrdreg $0xFFFFFFFF  }
0xa7: {  	s28 =	simm.s32 $_size_execute0_lowered;
	s2 =	sadd.s32 s2, s4;
	[dreg:$0x0] =	wrdreg $0x0  }
0xa8: {  	s4 =	sshll.u32 s28, $0x1;
	[dreg:$0x2] =	wrdreg s2  }
0xa9: {  	[dreg:$0x3] =	wrdreg s4  }
0xaa: {  	[dreg:$0x4] =	wrdreg $0xC0  }
0xab: {  	_ =	task [dreg:s6], $0x5FFFF  }
0xac: {  	[dreg:$0x1] =	wrdreg $0xFFFFFFFF  }
0xad: {  	[dreg:$0x0] =	wrdreg $0x60  }
0xae: {  	[dreg:$0x2] =	wrdreg s24  }
0xaf: {  	[dreg:$0x3] =	wrdreg $0x9  }
0xb0: {  	_ =	task.clear_ibuf [dreg:s6], $0x4FFFF;
	_ =	strace $0x90000046  }
0xb1: {  	s29 =	simm.s32 $0x9;
	_ =	strace $0x80000048  }
0xb2: {  	_ =	swait.ge [sflag:s29], $0x1  }
0xb3: {  	[sflag:s29] =	ssyncadd.s32 $0xFFFFFFFF  }
0xb4: {  	_ =	strace $0x90000048  }
0xb5: {  	_ =	sfence  }
0xb6: {  	s30 =	sld [smem:$0x0];
	_ =	sdelay $0x2  }
0xb7: {  	s31 =	sshll.u32 s1, $0xD;
	s1 =	sshrl.u32 s1, $0x2  }
0xb8: {  	s3 =	sand.u32 $0x4000, s31;
	s1 =	sadd.s32 s1, s30  }
0xb9: {  	s0 =	sor.u32 s3, s0;
	s1 =	sshll.u32 s1, $0x11  }
0xba: {  	s0 =	sor.u32 s1, s0  }
0xbb: {  	s0 =	sadd.s32 $0x8F2B, s0  }
0xbc: {  	[sflag:s0] =	ssyncadd.remote.s32 $0x1  }
0xbd: {  	_ =	sfence.sel $0xFFFF  }
0xbe: {  	[dreg:$0x0] =	wrdreg $0xFFFFFFFF;
	(pc) =	sbr.abs _section_cstart, $3  }
0xbf: {  	[dreg:$0x1] =	wrdreg $0xFFFFFFFF  }
0xc0: {  	_ =	task.clear_ibuf [dreg:s6], $0x2FFFF;
	_ =	strace $0x9FFFFFFF  }
0xc1: {  	(tm) =	ssettm $0x7FFFFFFF  }
tec
execute0_lowered:
.L_overlay_start_1:
0x0: {  	(tag) =	ssettag $0x1  }
0x1: {  	s1 =	rddreg [dreg:$0x0];
	s2 =	simm.s32 $0x0  }
0x2: {  	[smem:$0x7FF] =	sst s2  }
0x3: {  	s0 =	rddreg [dreg:$0x1];
	v0 =	vimm.f32 $5.000000000e+00;
	_ =	strace $0x80000047  }
0x4: {  	(erf) = vrcp.f32 v0;
	_ =	sdelay $0x2  }
0x5: {  	s4 =	srdreg.scid;
	s3 =	stileid.u32;
	s11 =	simm.s32 $0x1  }
0x6: {  	s12 =	simm.s32 $0x80;
	s13 =	simm.s32 $0x100;
	s5 =	sand.u32 $0x1, s4  }
0x7: {  	s14 =	simm.s32 $0x180;
	s29 =	sshll.u32 s3, $0x6;
	s6 =	sshll.u32 s5, $0x5  }
0x8: {  	s15 =	simm.s32 $0x200;
	s30 =	ssub.s32 $0x2, s5;
	s4 =	sor.u32 s6, s29  }
0x9: {  	s16 =	simm.s32 $0x2200;
	s7 =	sshrl.u32 s30, $0x1;
	s31 =	sshrl.u32 s4, $0x3  }
0xa: {  	s17 =	simm.s32 $0x0;
	s10 =	ssub.s32 s30, s7;
	s9 =	sadd.s32 s31, s1  }
0xb: {  	s5 =	sadd.s32 $0xC00, s1;
	s10 =	smax.u32 s10, $0x1;
	s6 =	sadd.s32 $0x800, s9;
	v0 =	vpop (erf)  }
0xc: {  	s7 =	sadd.s32 $0xA00, s9;
	s8 =	sadd.s32 $0x600, s9;
	s9 =	sadd.s32 $0x400, s9;
	[tilespmem:$0x1FFF0] =	vst v0  }
.LBB2_1:
0xd: {  	[tilespmem:s2], [sflag:$0x1] =	stream.linear.gather [hbm4b:s6+s2], $0x20, $0x38;
	[tilespmem:$0xA200] =	vst v63  }
0xe: {  	_ =	swait.ge [sflag:s11], $0x20  }
0xf: {  	[sflag:s11] =	ssyncset.done $0x0  }
0x10: {  	[sflag:s11] =	ssyncadd.s32 $0xFFFFFFE0  }
0x11: {  	[tilespmem:s12], [sflag:$0x1] =	stream.linear.gather [hbm4b:s7+s2], $0x20, $0x38;
	[tilespmem:$0xA200] =	vst v63  }
0x12: {  	_ =	swait.ge [sflag:s11], $0x20  }
0x13: {  	[sflag:s11] =	ssyncset.done $0x0  }
0x14: {  	[sflag:s11] =	ssyncadd.s32 $0xFFFFFFE0  }
0x15: {  	[tilespmem:s13], [sflag:$0x1] =	stream.linear.gather [hbm4b:s8+s2], $0x20, $0x38;
	[tilespmem:$0xA200] =	vst v63  }
0x16: {  	_ =	swait.ge [sflag:s11], $0x20  }
0x17: {  	[sflag:s11] =	ssyncset.done $0x0  }
0x18: {  	[sflag:s11] =	ssyncadd.s32 $0xFFFFFFE0  }
0x19: {  	[tilespmem:s14], [sflag:$0x1] =	stream.linear.gather [hbm4b:s9+s2], $0x20, $0x38;
	[tilespmem:$0xA200] =	vst v63  }
0x1a: {  	_ =	swait.ge [sflag:s11], $0x20  }
0x1b: {  	[sflag:s11] =	ssyncset.done $0x0  }
0x1c: {  	[sflag:s11] =	ssyncadd.s32 $0xFFFFFFE0  }
0x1d: {  	[tilespmem:s15], [sflag:$0x1] =	stream.linear.gather [hbm4b:s1+s2], $0x2000, $0x38;
	[tilespmem:$0xA200] =	vst v63  }
0x1e: {  	_ =	swait.ge [sflag:s11], $0x2000  }
0x1f: {  	[sflag:s11] =	ssyncset.done $0x0  }
0x20: {  	p1 =	por $0x1, $0x1;
	s18 =	simm.s32 $0x0;
	[sflag:s11] =	ssyncadd.s32 $0xFFFFE000  }
.LBB2_2:
0x21: {  	v2 =	vimm.f32 $+Inf;
	v3 =	vimm.f32 $+Inf  }
0x22: {  	v4 =	vimm.f32 $+Inf;
	v5 =	vimm.f32 $+Inf;
	v6 =	vimm.f32 $+Inf  }
0x23: {  	v7 =	vimm.f32 $+Inf;
	v8 =	vimm.f32 $+Inf;
	v9 =	vimm.f32 $+Inf  }
0x24: {  	v57 =	vld [tilespmem:s18+$0x0];
	v10 =	vimm.f32 $+Inf;
	v11 =	vimm.f32 $+Inf;
	v12 =	vimm.f32 $+Inf  }
0x25: {  	v61 =	vld [tilespmem:s18+$0x80];
	v13 =	vimm.f32 $+Inf;
	v14 =	vimm.f32 $+Inf;
	v15 =	vimm.f32 $+Inf  }
0x26: {  	v0 =	vld [tilespmem:s18+$0x100];
	v18 =	vimm.f32 $+Inf;
	v16 =	vimm.f32 $+Inf;
	v17 =	vimm.f32 $+Inf  }
0x27: {  	p0 =	por p1, p1;
	v1 =	vld [tilespmem:s18+$0x180];
	s19 =	simm.s32 $0x0;
	s20 =	simm.s32 $0x0;
	v19 =	vimm.f32 $+Inf;
	v20 =	vimm.f32 $+Inf;
	v21 =	vimm.f32 $+Inf  }
.LBB2_3:
0x28: {  	s21 =	sand.u32 $0x70, s20;
	s22 =	sand.u32 $0x1E00, s19  }
0x29: {  	s21 =	sor.u32 s21, s22  }
0x2a: {  	v25 =	vld [tilespmem:s21+$0x200]  }
0x2b: {  	v26 =	vld [tilespmem:s21+$0x280];
	_ =	sdelay $0x4  }
0x2c: {  	v22 =	vbroadcast v25, $0x0;
	v23 =	vbroadcast v26, $0x0  }
0x2d: {  	v24 =	vbroadcast v25, $0x1;
	v27 =	vbroadcast v26, $0x1  }
0x2e: {  	v28 =	vbroadcast v25, $0x2;
	v29 =	vbroadcast v26, $0x2  }
0x2f: {  	v30 =	vbroadcast v25, $0x3;
	v31 =	vbroadcast v26, $0x3  }
0x30: {  	v51 =	vbroadcast v25, $0x4;
	v52 =	vbroadcast v26, $0x4  }
0x31: {  	v53 =	vbroadcast v25, $0x5;
	v54 =	vbroadcast v26, $0x5  }
0x32: {  	v33 =	vbroadcast v25, $0x6;
	v34 =	vbroadcast v26, $0x6  }
0x33: {  	v55 =	vbroadcast v25, $0x7;
	v58 =	vbroadcast v26, $0x7  }
0x34: {  	v35 =	vbroadcast v25, $0x8;
	v36 =	vbroadcast v26, $0x8  }
0x35: {  	v37 =	vbroadcast v25, $0x9;
	v38 =	vbroadcast v26, $0x9  }
0x36: {  	v44 =	vbroadcast v25, $0xA;
	v45 =	vbroadcast v26, $0xA  }
0x37: {  	v46 =	vbroadcast v25, $0xB;
	v47 =	vbroadcast v26, $0xB;
	v22 =	vsub.f32 v57, v22  }
0x38: {  	v39 =	vbroadcast v25, $0xC;
	v23 =	vsub.f32 v61, v23;
	v24 =	vsub.f32 v57, v24  }
0x39: {  	v40 =	vbroadcast v26, $0xC;
	v27 =	vsub.f32 v61, v27;
	v28 =	vsub.f32 v57, v28  }
0x3a: {  	v49 =	vbroadcast v25, $0xD;
	v29 =	vsub.f32 v61, v29;
	v30 =	vsub.f32 v57, v30  }
0x3b: {  	v41 =	vbroadcast v25, $0xE;
	v31 =	vsub.f32 v61, v31;
	v33 =	vsub.f32 v57, v33  }
0x3c: {  	v42 =	vbroadcast v26, $0xE;
	v34 =	vsub.f32 v61, v34;
	v35 =	vsub.f32 v57, v35  }
0x3d: {  	v25 =	vbroadcast v25, $0xF;
	v36 =	vsub.f32 v61, v36;
	v37 =	vsub.f32 v57, v37  }
0x3e: {  	v38 =	vsub.f32 v61, v38;
	v39 =	vsub.f32 v57, v39;
	v22 =	vmul.f32 v22, v22  }
0x3f: {  	v40 =	vsub.f32 v61, v40;
	v23 =	vmul.f32 v23, v23;
	v24 =	vmul.f32 v24, v24  }
0x40: {  	v41 =	vsub.f32 v57, v41;
	v27 =	vmul.f32 v27, v27;
	v28 =	vmul.f32 v28, v28  }
0x41: {  	v42 =	vsub.f32 v61, v42;
	v29 =	vmul.f32 v29, v29;
	v56 =	vmul.f32 v34, v34  }
0x42: {  	v25 =	vsub.f32 v57, v25;
	v59 =	vmul.f32 v35, v35;
	v60 =	vmul.f32 v36, v36  }
0x43: {  	v34 =	vsub.f32 v61, v58;
	v62 =	vmul.f32 v37, v37;
	v63 =	vmul.f32 v38, v38  }
0x44: {  	v35 =	vsub.f32 v57, v46;
	v38 =	vsub.f32 v61, v47;
	v48 =	vmul.f32 v39, v39  }
0x45: {  	v50 =	vmul.f32 v40, v40;
	v39 =	vsub.f32 v57, v49;
	v25 =	vmul.f32 v25, v25  }
0x46: {  	v32 =	vadd.f32 v23, v22;
	v22 =	vmul.f32 v30, v30;
	v23 =	vmul.f32 v31, v31  }
0x47: {  	v30 =	vadd.f32 v27, v24;
	v24 =	vadd.f32 v29, v28;
	v34 =	vmul.f32 v34, v34  }
0x48: {  	v27 =	vsub.f32 v57, v51;
	v35 =	vmul.f32 v35, v35;
	v38 =	vmul.f32 v38, v38  }
0x49: {  	v31 =	vsub.f32 v61, v52;
	v51 =	vbroadcast v26, $0xD;
	v26 =	vbroadcast v26, $0xF  }
0x4a: {  	v28 =	vsub.f32 v57, v53;
	v39 =	vmul.f32 v39, v39;
	v52 =	vmul.f32 v41, v41  }
0x4b: {  	v29 =	vsub.f32 v61, v54;
	v53 =	vmul.f32 v42, v42;
	v27 =	vmul.f32 v27, v27  }
0x4c: {  	v36 =	vadd.f32 v63, v62;
	v31 =	vmul.f32 v31, v31;
	v28 =	vmul.f32 v28, v28  }
0x4d: {  	v22 =	vadd.f32 v23, v22;
	v23 =	vmul.f32 v33, v33;
	v33 =	vsub.f32 v57, v55  }
0x4e: {  	v29 =	vmul.f32 v29, v29;
	v40 =	vsub.f32 v61, v51;
	v43 =	vsub.f32 v61, v26  }
0x4f: {  	v26 =	vadd.f32 v38, v35;
	v35 =	vadd.f32 v53, v52;
	v55 =	vmax.f32 v21, v32  }
0x50: {  	v21 =	vmin.f32 v21, v32;
	v38 =	vmax.f32 v18, v30;
	v18 =	vmin.f32 v18, v30  }
0x51: {  	v31 =	vadd.f32 v31, v27;
	v33 =	vmul.f32 v33, v33;
	v28 =	vadd.f32 v29, v28  }
0x52: {  	v27 =	vadd.f32 v56, v23;
	v29 =	vadd.f32 v60, v59;
	v40 =	vmul.f32 v40, v40  }
0x53: {  	v54 =	vmul.f32 v43, v43;
	v56 =	vmax.f32 v20, v55;
	v20 =	vmin.f32 v20, v55  }
0x54: {  	v58 =	vmin.f32 v19, v56;
	v19 =	vmax.f32 v19, v56;
	v23 =	vadd.f32 v34, v33  }
0x55: {  	v56 =	vmax.f32 v6, v22;
	v33 =	vsub.f32 v57, v44;
	v34 =	vsub.f32 v61, v45  }
0x56: {  	v6 =	vmin.f32 v6, v22;
	v39 =	vadd.f32 v40, v39;
	v25 =	vadd.f32 v54, v25  }
0x57: {  	v32 =	vmin.f32 v17, v19;
	v17 =	vmax.f32 v17, v19;
	v19 =	vmax.f32 v21, v31  }
0x58: {  	v40 =	vmax.f32 v15, v38;
	v15 =	vmin.f32 v15, v38;
	v22 =	vmax.f32 v5, v56  }
0x59: {  	v5 =	vmin.f32 v5, v56;
	v16 =	vmin.f32 v16, v17;
	v17 =	vmin.f32 v21, v31  }
0x5a: {  	v21 =	vmax.f32 v20, v19;
	v19 =	vmin.f32 v20, v19;
	v41 =	vmin.f32 v14, v40  }
0x5b: {  	v14 =	vmax.f32 v14, v40;
	v33 =	vmul.f32 v33, v33;
	v34 =	vmul.f32 v34, v34  }
0x5c: {  	v20 =	vmin.f32 v58, v21;
	v21 =	vmax.f32 v58, v21;
	v60 =	vmax.f32 v17, v29  }
0x5d: {  	v17 =	vmin.f32 v17, v29;
	v58 =	vmin.f32 v4, v22;
	v4 =	vmax.f32 v4, v22  }
0x5e: {  	v59 =	vmin.f32 v32, v21;
	v21 =	vmax.f32 v32, v21;
	v22 =	vmin.f32 v3, v4  }
0x5f: {  	v3 =	vmax.f32 v3, v4;
	v4 =	vmax.f32 v6, v23;
	v33 =	vadd.f32 v34, v33  }
0x60: {  	v34 =	vadd.f32 v50, v48;
	v16 =	vmin.f32 v16, v21;
	v21 =	vmax.f32 v19, v60  }
0x61: {  	v19 =	vmin.f32 v19, v60;
	v48 =	vmax.f32 v11, v24;
	v11 =	vmin.f32 v11, v24  }
0x62: {  	v2 =	vmin.f32 v2, v3;
	v3 =	vmin.f32 v6, v23;
	v6 =	vmax.f32 v5, v4  }
0x63: {  	v4 =	vmin.f32 v5, v4;
	v62 =	vmin.f32 v20, v21;
	v20 =	vmax.f32 v20, v21  }
0x64: {  	v49 =	vmax.f32 v10, v48;
	v10 =	vmin.f32 v10, v48;
	v5 =	vmin.f32 v58, v6  }
0x65: {  	v6 =	vmax.f32 v58, v6;
	v63 =	vmin.f32 v59, v20;
	v20 =	vmax.f32 v59, v20  }
0x66: {  	v37 =	vmax.f32 v17, v34;
	v21 =	vmin.f32 v17, v34;
	v50 =	vmin.f32 v9, v49  }
0x67: {  	v9 =	vmax.f32 v9, v49;
	v23 =	vmin.f32 v22, v6;
	v6 =	vmax.f32 v22, v6  }
0x68: {  	v22 =	vmax.f32 v3, v26;
	v3 =	vmin.f32 v3, v26;
	v16 =	vmin.f32 v16, v20  }
0x69: {  	v17 =	vmax.f32 v19, v37;
	v20 =	vmin.f32 v19, v37;
	v24 =	vmin.f32 v8, v9  }
0x6a: {  	v8 =	vmax.f32 v8, v9;
	v9 =	vmax.f32 v11, v27;
	v2 =	vmin.f32 v2, v6  }
0x6b: {  	v6 =	vmax.f32 v4, v22;
	v4 =	vmin.f32 v4, v22;
	v59 =	vmax.f32 v3, v25  }
0x6c: {  	v19 =	vmin.f32 v62, v17;
	v29 =	vmax.f32 v62, v17;
	v7 =	vmin.f32 v7, v8  }
0x6d: {  	v8 =	vmin.f32 v11, v27;
	v11 =	vmax.f32 v10, v9;
	v9 =	vmin.f32 v10, v9  }
0x6e: {  	v22 =	vmax.f32 v5, v6;
	v60 =	vmin.f32 v5, v6;
	v62 =	vmax.f32 v4, v59  }
0x6f: {  	v6 =	vmin.f32 v3, v25;
	v17 =	vmin.f32 v63, v29;
	v29 =	vmax.f32 v63, v29  }
0x70: {  	v10 =	vmin.f32 v50, v11;
	v11 =	vmax.f32 v50, v11;
	v52 =	vmax.f32 v8, v33  }
0x71: {  	v8 =	vmin.f32 v8, v33;
	v5 =	vmax.f32 v23, v22;
	v22 =	vmin.f32 v23, v22  }
0x72: {  	v23 =	vmax.f32 v60, v62;
	v16 =	vmin.f32 v16, v29;
	v29 =	vmin.f32 v13, v14  }
0x73: {  	v13 =	vmax.f32 v13, v14;
	v14 =	vmax.f32 v18, v28;
	v51 =	vmin.f32 v24, v11  }
0x74: {  	v11 =	vmax.f32 v24, v11;
	v55 =	vmax.f32 v8, v35;
	v2 =	vmin.f32 v2, v5  }
0x75: {  	v5 =	vmin.f32 v4, v59;
	v63 =	vmax.f32 v22, v23;
	v4 =	vmin.f32 v60, v62  }
0x76: {  	v3 =	vmin.f32 v22, v23;
	v12 =	vmin.f32 v12, v13;
	v13 =	vmin.f32 v18, v28  }
0x77: {  	v18 =	vmax.f32 v15, v14;
	v14 =	vmin.f32 v15, v14;
	v7 =	vmin.f32 v7, v11  }
0x78: {  	v11 =	vmax.f32 v9, v52;
	v9 =	vmin.f32 v9, v52;
	v2 =	vmin.f32 v2, v63  }
0x79: {  	v15 =	vmin.f32 v41, v18;
	v18 =	vmax.f32 v41, v18;
	v43 =	vmax.f32 v13, v36  }
0x7a: {  	v13 =	vmin.f32 v13, v36;
	v53 =	vmin.f32 v10, v11;
	v10 =	vmax.f32 v10, v11  }
0x7b: {  	v11 =	vmin.f32 v8, v35;
	v8 =	vmax.f32 v9, v55;
	v42 =	vmin.f32 v29, v18  }
0x7c: {  	v18 =	vmax.f32 v29, v18;
	v46 =	vmax.f32 v13, v39;
	v54 =	vmin.f32 v51, v10  }
0x7d: {  	v10 =	vmax.f32 v51, v10;
	v24 =	vmax.f32 v53, v8;
	v12 =	vmin.f32 v12, v18  }
0x7e: {  	v18 =	vmax.f32 v14, v43;
	v14 =	vmin.f32 v14, v43;
	v7 =	vmin.f32 v7, v10  }
0x7f: {  	p1 =	sne.s32 s20, $0x7F0;
	v10 =	vmin.f32 v9, v55;
	v9 =	vmin.f32 v53, v8;
	v8 =	vmin.f32 v54, v24  }
.Ltmp0:
0x80: {  	v24 =	vmax.f32 v54, v24;
	v44 =	vmin.f32 v15, v18;
	v15 =	vmax.f32 v15, v18;
	(pc) =	sbr.rel @p1 .LBB2_3-.Ltmp0, $4  }
0x81: {  	v18 =	vmin.f32 v13, v39;
	v13 =	vmax.f32 v14, v46;
	v7 =	vmin.f32 v7, v24  }
0x82: {  	v45 =	vmin.f32 v42, v15;
	v15 =	vmax.f32 v42, v15;
	v47 =	vmax.f32 v44, v13  }
0x83: {  	v12 =	vmin.f32 v12, v15;
	v15 =	vmin.f32 v14, v46;
	v28 =	vmax.f32 v45, v47  }
0x84: {  	s19 =	sadd.s32 $0x40, s19;
	s20 =	sadd.s32 $0x10, s20;
	v14 =	vmin.f32 v44, v13;
	v13 =	vmin.f32 v45, v47;
	v12 =	vmin.f32 v12, v28  }
0x85: {  	v22 =	vmax.f32 v21, v18;
	v18 =	vmin.f32 v21, v18;
	v0 =	vsub.f32 v1, v0  }
0x86: {  	v23 =	vmax.f32 v20, v22;
	v49 =	vmin.f32 v20, v22;
	v52 =	vmax.f32 v18, v15  }
0x87: {  	v15 =	vmin.f32 v18, v15;
	v50 =	vmax.f32 v19, v23;
	v19 =	vmin.f32 v19, v23  }
0x88: {  	v53 =	vmax.f32 v49, v52;
	v18 =	vmin.f32 v49, v52;
	v56 =	vmax.f32 v15, v14  }
0x89: {  	v14 =	vmin.f32 v15, v14;
	v51 =	vmax.f32 v17, v50;
	v17 =	vmin.f32 v17, v50  }
0x8a: {  	v54 =	vmax.f32 v19, v53;
	v19 =	vmin.f32 v19, v53;
	v58 =	vmax.f32 v18, v56  }
0x8b: {  	v15 =	vmin.f32 v18, v56;
	v60 =	vmax.f32 v14, v13;
	v13 =	vmin.f32 v14, v13  }
0x8c: {  	v16 =	vmin.f32 v16, v51;
	v55 =	vmax.f32 v17, v54;
	v17 =	vmin.f32 v17, v54  }
0x8d: {  	v18 =	vmax.f32 v19, v58;
	v19 =	vmin.f32 v19, v58;
	v14 =	vmin.f32 v15, v60  }
0x8e: {  	v62 =	vmax.f32 v13, v12;
	v12 =	vmin.f32 v13, v12;
	v16 =	vmin.f32 v16, v55  }
0x8f: {  	v59 =	vmax.f32 v17, v18;
	v17 =	vmin.f32 v17, v18;
	v18 =	vmax.f32 v15, v60  }
0x90: {  	v16 =	vmin.f32 v16, v59;
	v15 =	vmax.f32 v19, v18;
	v18 =	vmin.f32 v19, v18  }
0x91: {  	v19 =	vmax.f32 v17, v15;
	v15 =	vmin.f32 v17, v15;
	v17 =	vmax.f32 v14, v62  }
0x92: {  	v13 =	vmin.f32 v14, v62;
	v16 =	vmin.f32 v16, v19;
	v14 =	vmax.f32 v18, v17  }
0x93: {  	v17 =	vmin.f32 v18, v17;
	v19 =	vmax.f32 v12, v11;
	v11 =	vmin.f32 v12, v11  }
0x94: {  	v18 =	vmax.f32 v15, v14;
	v14 =	vmin.f32 v15, v14;
	v12 =	vmin.f32 v13, v19  }
0x95: {  	v15 =	vmin.f32 v16, v18;
	v16 =	vmax.f32 v13, v19;
	v18 =	vmax.f32 v11, v10  }
0x96: {  	v10 =	vmin.f32 v11, v10;
	v13 =	vmax.f32 v17, v16;
	v16 =	vmin.f32 v17, v16  }
0x97: {  	v11 =	vmin.f32 v12, v18;
	v17 =	vmax.f32 v14, v13;
	v13 =	vmin.f32 v14, v13  }
0x98: {  	v14 =	vmin.f32 v15, v17;
	v15 =	vmax.f32 v12, v18;
	v17 =	vmax.f32 v10, v9  }
0x99: {  	v9 =	vmin.f32 v10, v9;
	v12 =	vmax.f32 v16, v15;
	v15 =	vmin.f32 v16, v15  }
0x9a: {  	v10 =	vmin.f32 v11, v17;
	v16 =	vmax.f32 v13, v12;
	v12 =	vmin.f32 v13, v12  }
0x9b: {  	v13 =	vmin.f32 v14, v16;
	v14 =	vmax.f32 v11, v17;
	v16 =	vmax.f32 v9, v8  }
0x9c: {  	v8 =	vmin.f32 v9, v8;
	v11 =	vmax.f32 v15, v14;
	v14 =	vmin.f32 v15, v14  }
0x9d: {  	v9 =	vmin.f32 v10, v16;
	v15 =	vmax.f32 v12, v11;
	v11 =	vmin.f32 v12, v11  }
0x9e: {  	v12 =	vmin.f32 v13, v15;
	v13 =	vmax.f32 v10, v16;
	v15 =	vmax.f32 v8, v7  }
0x9f: {  	v7 =	vmin.f32 v8, v7;
	v10 =	vmax.f32 v14, v13;
	v13 =	vmin.f32 v14, v13  }
0xa0: {  	v8 =	vmin.f32 v9, v15;
	v14 =	vmax.f32 v11, v10;
	v10 =	vmin.f32 v11, v10  }
0xa1: {  	v11 =	vmin.f32 v12, v14;
	v12 =	vmax.f32 v9, v15;
	v14 =	vmax.f32 v7, v6  }
0xa2: {  	v6 =	vmin.f32 v7, v6;
	v9 =	vmax.f32 v13, v12;
	v12 =	vmin.f32 v13, v12  }
0xa3: {  	v7 =	vmin.f32 v8, v14;
	v13 =	vmax.f32 v10, v9;
	v9 =	vmin.f32 v10, v9  }
0xa4: {  	v10 =	vmin.f32 v11, v13;
	v11 =	vmax.f32 v8, v14;
	v13 =	vmin.f32 v6, v5  }
0xa5: {  	v5 =	vmax.f32 v6, v5;
	v8 =	vmax.f32 v12, v11;
	v11 =	vmin.f32 v12, v11  }
0xa6: {  	v6 =	vmin.f32 v13, v4;
	v12 =	vmin.f32 v9, v8;
	v8 =	vmax.f32 v9, v8  }
0xa7: {  	v9 =	vmax.f32 v7, v5;
	v8 =	vmin.f32 v10, v8;
	v10 =	vmin.f32 v6, v3  }
0xa8: {  	v5 =	vmin.f32 v7, v5;
	v7 =	vmin.f32 v11, v9;
	v14 =	vmin.f32 v10, v2  }
0xa9: {  	v9 =	vmax.f32 v11, v9;
	v11 =	vshra.s32 v14, $0x1;
	v15 =	vmul.f32 $5.000000000e-01, v14  }
0xaa: {  	v4 =	vmax.f32 v13, v4;
	v3 =	vmax.f32 v6, v3;
	v11 =	vsub.s32 $0x5F3759DF, v11  }
0xab: {  	v16 =	vmin.f32 v12, v9;
	v9 =	vmax.f32 v12, v9;
	v13 =	vmul.f32 v11, v15  }
0xac: {  	v12 =	vmax.f32 v5, v4;
	v4 =	vmin.f32 v5, v4;
	v2 =	vmax.f32 v10, v2  }
0xad: {  	v5 =	vmax.f32 v7, v12;
	v7 =	vmin.f32 v7, v12;
	v12 =	vmul.f32 v11, v13  }
0xae: {  	v8 =	vmin.f32 v8, v9;
	v6 =	vmin.f32 v4, v3;
	v3 =	vmax.f32 v4, v3  }
0xaf: {  	v9 =	vmax.f32 v16, v5;
	v5 =	vmin.f32 v16, v5;
	v4 =	vsub.f32 $1.500000000e+00, v12  }
0xb0: {  	v8 =	vmin.f32 v8, v9;
	v9 =	vmin.f32 v7, v3;
	v3 =	vmax.f32 v7, v3  }
0xb1: {  	v10 =	vmin.f32 v6, v2;
	v7 =	vmin.f32 v5, v3;
	v4 =	vmul.f32 v11, v4  }
0xb2: {  	v3 =	vmax.f32 v5, v3;
	v5 =	vshra.s32 v10, $0x1;
	v11 =	vmul.f32 $5.000000000e-01, v10  }
0xb3: {  	v2 =	vmax.f32 v6, v2;
	v5 =	vsub.s32 $0x5F3759DF, v5;
	v6 =	vmul.f32 v4, v15  }
0xb4: {  	v3 =	vmin.f32 v8, v3;
	v8 =	vmax.f32 v9, v2;
	v12 =	vmul.f32 v5, v11  }
0xb5: {  	v2 =	vmin.f32 v9, v2;
	v9 =	vmin.f32 v7, v8;
	v6 =	vmul.f32 v6, v4  }
0xb6: {  	v13 =	vshra.s32 v2, $0x1;
	v16 =	vmul.f32 $5.000000000e-01, v2;
	v12 =	vmul.f32 v5, v12  }
0xb7: {  	v7 =	vmax.f32 v7, v8;
	v8 =	vsub.s32 $0x5F3759DF, v13;
	v6 =	vsub.f32 $1.500000000e+00, v6  }
0xb8: {  	v3 =	vmin.f32 v3, v7;
	v7 =	vsub.f32 $1.500000000e+00, v12;
	v12 =	vmul.f32 v8, v16  }
0xb9: {  	v13 =	vmul.f32 $5.000000000e-01, v9;
	v4 =	vmul.f32 v6, v4;
	v6 =	vshra.s32 v9, $0x1  }
0xba: {  	v5 =	vmul.f32 v5, v7;
	v7 =	vmul.f32 v8, v12;
	v6 =	vsub.s32 $0x5F3759DF, v6  }
0xbb: {  	v17 =	vshra.s32 v3, $0x1;
	v18 =	vmul.f32 $5.000000000e-01, v3;
	v12 =	vmul.f32 v6, v13  }
0xbc: {  	v0 =	vmul.f32 $1.442695020e+00, v0;
	v17 =	vsub.s32 $0x5F3759DF, v17;
	v7 =	vsub.f32 $1.500000000e+00, v7  }
0xbd: {  	v63 =	vmul.f32 v17, v18;
	v12 =	vmul.f32 v6, v12  }
0xbe: {  	v19 =	vmul.f32 v5, v11;
	v7 =	vmul.f32 v8, v7  }
0xbf: {  	v15 =	vmul.f32 v4, v15;
	v8 =	vsub.f32 $1.500000000e+00, v12;
	v12 =	vmul.f32 v17, v63  }
0xc0: {  	v1 =	vmul.f32 v19, v5;
	v19 =	vmul.f32 v7, v16  }
0xc1: {  	(erf) = vpow2.f32 v0;
	v6 =	vmul.f32 v6, v8;
	v8 =	vsub.f32 $1.500000000e+00, v12  }
0xc2: {  	v15 =	vmul.f32 v15, v4;
	v1 =	vsub.f32 $1.500000000e+00, v1;
	v12 =	vmul.f32 v19, v7  }
0xc3: {  	v0 =	vmul.f32 v6, v13;
	v8 =	vmul.f32 v17, v8  }
0xc4: {  	v1 =	vmul.f32 v1, v5;
	v5 =	vsub.f32 $1.500000000e+00, v12  }
0xc5: {  	v12 =	vsub.f32 $1.500000000e+00, v15;
	v0 =	vmul.f32 v0, v6;
	v15 =	vmul.f32 v8, v18  }
0xc6: {  	v11 =	vmul.f32 v1, v11;
	v5 =	vmul.f32 v5, v7  }
0xc7: {  	v4 =	vmul.f32 v12, v4;
	v0 =	vsub.f32 $1.500000000e+00, v0;
	v7 =	vmul.f32 v15, v8  }
0xc8: {  	v11 =	vmul.f32 v11, v1;
	v12 =	vmul.f32 v5, v16  }
0xc9: {  	v0 =	vmul.f32 v0, v6;
	v6 =	vsub.f32 $1.500000000e+00, v7  }
0xca: {  	v7 =	vsub.f32 $1.500000000e+00, v11;
	v11 =	vmul.f32 v12, v5  }
0xcb: {  	v12 =	vmul.f32 v0, v13;
	v6 =	vmul.f32 v6, v8;
	v8 =	vpop (erf)  }
0xcc: {  	v1 =	vmul.f32 v7, v1;
	v7 =	vadd.f32 $1.000000000e+00, v8  }
0xcd: {  	v8 =	vsub.f32 $1.500000000e+00, v11;
	v11 =	vmul.f32 v12, v0;
	v12 =	vmul.f32 v6, v18  }
0xce: {  	v4 =	vmul.f32 v4, v14;
	(erf) = vrcp.f32 v7  }
0xcf: {  	v5 =	vmul.f32 v8, v5;
	v7 =	vsub.f32 $1.500000000e+00, v11;
	v8 =	vmul.f32 v12, v6  }
0xd0: {  	vm0 =	vgt.f32 v14, $0.0e+00;
	v4 =	vadd.f32 $0.0e+00, v4;
	v1 =	vmul.f32 v1, v10  }
0xd1: {  	vm1 =	vgt.f32 v10, $0.0e+00;
	v0 =	vmul.f32 v7, v0;
	v7 =	vsub.f32 $1.500000000e+00, v8  }
0xd2: {  	v4 =	vnsel vm0, $0x0, v4;
	v1 =	vnsel vm1, $0x0, v1;
	v5 =	vmul.f32 v5, v2  }
0xd3: {  	vm13 =	vgt.f32 v2, $0.0e+00;
	v1 =	vadd.f32 v1, v4;
	v4 =	vmul.f32 v7, v6  }
0xd4: {  	v2 =	vnsel vm13, $0x0, v5;
	v0 =	vmul.f32 v0, v9  }
0xd5: {  	vm14 =	vgt.f32 v9, $0.0e+00;
	v1 =	vadd.f32 v2, v1;
	v2 =	vmul.f32 v4, v3  }
0xd6: {  	vm15 =	vgt.f32 v3, $0.0e+00;
	v0 =	vnsel vm14, $0x0, v0  }
0xd7: {  	v0 =	vadd.f32 v0, v1;
	v1 =	vnsel vm15, $0x0, v2;
	v2 =	vld [tilespmem:$0x1FFF0];
	_ =	sdelay $0x2  }
0xd8: {  	v0 =	vadd.f32 v1, v0;
	_ =	sdelay $0x1  }
0xd9: {  	v0 =	vmul.f32 v0, v2;
	v2 =	vbroadcast v57, $0x0  }
0xda: {  	v16 =	vpop (erf)  }
0xdb: {  	v1 =	vadd.f32 v16, v16;
	[tilespmem:$0x1FD10] =	vst v2;
	v2 =	vbroadcast v61, $0x0;
	_ =	sdelay $0x1  }
0xdc: {  	v1 =	vsub.f32 $1.000000000e+00, v1;
	[tilespmem:$0x1FD20] =	vst v2;
	v2 =	vbroadcast v0, $0x0;
	_ =	sdelay $0x1  }
0xdd: {  	[tilespmem:$0x1FD30] =	vst v2;
	v2 =	vbroadcast v1, $0x0;
	_ =	sdelay $0x1  }
0xde: {  	[tilespmem:$0x1FD40] =	vst v2;
	v2 =	vbroadcast v57, $0x1;
	_ =	sdelay $0x1  }
0xdf: {  	[tilespmem:$0x1FD50] =	vst v2;
	v2 =	vbroadcast v61, $0x1;
	_ =	sdelay $0x1  }
0xe0: {  	[tilespmem:$0x1FD60] =	vst v2;
	v2 =	vbroadcast v0, $0x1;
	_ =	sdelay $0x1  }
0xe1: {  	[tilespmem:$0x1FD70] =	vst v2;
	v2 =	vbroadcast v1, $0x1;
	_ =	sdelay $0x1  }
0xe2: {  	[tilespmem:$0x1FD80] =	vst v2;
	v2 =	vbroadcast v57, $0x2;
	_ =	sdelay $0x1  }
0xe3: {  	[tilespmem:$0x1FD90] =	vst v2;
	v2 =	vbroadcast v61, $0x2;
	_ =	sdelay $0x1  }
0xe4: {  	[tilespmem:$0x1FDA0] =	vst v2;
	v2 =	vbroadcast v0, $0x2;
	_ =	sdelay $0x1  }
0xe5: {  	[tilespmem:$0x1FDB0] =	vst v2;
	v2 =	vbroadcast v1, $0x2;
	_ =	sdelay $0x1  }
0xe6: {  	[tilespmem:$0x1FDC0] =	vst v2;
	v2 =	vbroadcast v57, $0x3;
	_ =	sdelay $0x1  }
0xe7: {  	[tilespmem:$0x1FDD0] =	vst v2;
	v2 =	vbroadcast v61, $0x3;
	_ =	sdelay $0x1  }
0xe8: {  	[tilespmem:$0x1FDE0] =	vst v2;
	v2 =	vbroadcast v0, $0x3;
	_ =	sdelay $0x1  }
0xe9: {  	[tilespmem:$0x1FDF0] =	vst v2;
	v2 =	vbroadcast v1, $0x3;
	_ =	sdelay $0x1  }
0xea: {  	[tilespmem:$0x1FE00] =	vst v2;
	v2 =	vbroadcast v57, $0x4;
	_ =	sdelay $0x1  }
0xeb: {  	[tilespmem:$0x1FE10] =	vst v2;
	v2 =	vbroadcast v61, $0x4;
	_ =	sdelay $0x1  }
0xec: {  	[tilespmem:$0x1FE20] =	vst v2;
	v2 =	vbroadcast v0, $0x4;
	_ =	sdelay $0x1  }
0xed: {  	[tilespmem:$0x1FE30] =	vst v2;
	v2 =	vbroadcast v1, $0x4;
	_ =	sdelay $0x1  }
0xee: {  	[tilespmem:$0x1FE40] =	vst v2;
	v2 =	vbroadcast v57, $0x5;
	_ =	sdelay $0x1  }
0xef: {  	[tilespmem:$0x1FE50] =	vst v2;
	v2 =	vbroadcast v61, $0x5;
	_ =	sdelay $0x1  }
0xf0: {  	[tilespmem:$0x1FE60] =	vst v2;
	v2 =	vbroadcast v0, $0x5;
	_ =	sdelay $0x1  }
0xf1: {  	[tilespmem:$0x1FE70] =	vst v2;
	v2 =	vbroadcast v1, $0x5;
	_ =	sdelay $0x1  }
0xf2: {  	[tilespmem:$0x1FE80] =	vst v2;
	v2 =	vbroadcast v57, $0x6;
	_ =	sdelay $0x1  }
0xf3: {  	[tilespmem:$0x1FE90] =	vst v2;
	v2 =	vbroadcast v61, $0x6;
	_ =	sdelay $0x1  }
0xf4: {  	[tilespmem:$0x1FEA0] =	vst v2;
	v2 =	vbroadcast v0, $0x6;
	_ =	sdelay $0x1  }
0xf5: {  	[tilespmem:$0x1FEB0] =	vst v2;
	v2 =	vbroadcast v1, $0x6;
	_ =	sdelay $0x1  }
0xf6: {  	[tilespmem:$0x1FEC0] =	vst v2;
	v2 =	vbroadcast v57, $0x7;
	_ =	sdelay $0x1  }
0xf7: {  	[tilespmem:$0x1FED0] =	vst v2;
	v2 =	vbroadcast v61, $0x7;
	_ =	sdelay $0x1  }
0xf8: {  	[tilespmem:$0x1FEE0] =	vst v2;
	v2 =	vbroadcast v0, $0x7;
	_ =	sdelay $0x1  }
0xf9: {  	[tilespmem:$0x1FEF0] =	vst v2;
	v2 =	vbroadcast v1, $0x7;
	_ =	sdelay $0x1  }
0xfa: {  	[tilespmem:$0x1FF00] =	vst v2;
	v2 =	vbroadcast v57, $0x8;
	_ =	sdelay $0x1  }
0xfb: {  	[tilespmem:$0x1FF10] =	vst v2;
	v2 =	vbroadcast v61, $0x8;
	_ =	sdelay $0x1  }
0xfc: {  	[tilespmem:$0x1FF20] =	vst v2;
	v2 =	vbroadcast v0, $0x8;
	_ =	sdelay $0x1  }
0xfd: {  	[tilespmem:$0x1FF30] =	vst v2;
	v2 =	vbroadcast v1, $0x8  }
0xfe: {  	v49 =	vbroadcast v57, $0xC;
	v50 =	vbroadcast v61, $0xC  }
0xff: {  	v53 =	vbroadcast v57, $0xD;
	[tilespmem:$0x1FF40] =	vst v2;
	v2 =	vbroadcast v57, $0x9  }
0x100: {  	v54 =	vbroadcast v61, $0xD;
	v58 =	vbroadcast v57, $0xE  }
0x101: {  	v59 =	vbroadcast v61, $0xE;
	[tilespmem:$0x1FF50] =	vst v2;
	v2 =	vbroadcast v61, $0x9  }
0x102: {  	v3 =	vbroadcast v16, $0x2;
	v4 =	vbroadcast v16, $0x3  }
0x103: {  	v5 =	vbroadcast v16, $0x4;
	[tilespmem:$0x1FF60] =	vst v2;
	v2 =	vbroadcast v0, $0x9  }
0x104: {  	v6 =	vbroadcast v16, $0x5;
	v7 =	vbroadcast v16, $0x6  }
0x105: {  	v8 =	vbroadcast v16, $0x7;
	[tilespmem:$0x1FF70] =	vst v2;
	v2 =	vbroadcast v1, $0x9  }
0x106: {  	v9 =	vbroadcast v16, $0x8;
	v10 =	vbroadcast v16, $0x9  }
0x107: {  	v11 =	vbroadcast v16, $0xA;
	[tilespmem:$0x1FF80] =	vst v2;
	v2 =	vbroadcast v57, $0xA  }
0x108: {  	v12 =	vbroadcast v16, $0xB;
	v13 =	vbroadcast v16, $0xC  }
0x109: {  	v14 =	vbroadcast v16, $0xD;
	[tilespmem:$0x1FF90] =	vst v2;
	v2 =	vbroadcast v61, $0xA  }
0x10a: {  	v15 =	vbroadcast v16, $0xE;
	v48 =	vbroadcast v1, $0xB  }
0x10b: {  	v52 =	vbroadcast v1, $0xC;
	[tilespmem:$0x1FFA0] =	vst v2;
	v2 =	vbroadcast v0, $0xA  }
0x10c: {  	v56 =	vbroadcast v1, $0xD;
	v63 =	vbroadcast v1, $0xE  }
0x10d: {  	v47 =	vbroadcast v0, $0xB;
	[tilespmem:$0x1FFB0] =	vst v2;
	v2 =	vbroadcast v1, $0xA  }
0x10e: {  	v51 =	vbroadcast v0, $0xC;
	v55 =	vbroadcast v0, $0xD  }
0x10f: {  	v60 =	vbroadcast v0, $0xE;
	[tilespmem:$0x1FFC0] =	vst v2;
	v2 =	vbroadcast v57, $0xB  }
0x110: {  	v62 =	vbroadcast v0, $0xF;
	v0 =	vbroadcast v1, $0xF  }
0x111: {  	v1 =	vbroadcast v16, $0x0;
	[tilespmem:$0x1FFD0] =	vst v2;
	v2 =	vbroadcast v61, $0xB  }
0x112: {  	v57 =	vbroadcast v57, $0xF;
	v61 =	vbroadcast v61, $0xF  }
0x113: {  	s19 =	simm.s32 $0x0;
	s20 =	simm.s32 $0x0;
	[tilespmem:$0x1FFE0] =	vst v2;
	v2 =	vbroadcast v16, $0x1;
	v16 =	vbroadcast v16, $0xF  }
.LBB2_5:
0x114: {  	s22 =	sshll.u32 s20, $0x6  }
0x115: {  	s21 =	sand.u32 $0x70, s19;
	v17 =	vld [tilespmem:$0x1FD10];
	s22 =	sand.u32 $0x3FFFFE00, s22  }
0x116: {  	v20 =	vld [tilespmem:$0x1FD20];
	s22 =	sor.u32 s21, s22  }
0x117: {  	v18 =	vld [tilespmem:s22+$0x200]  }
0x118: {  	v19 =	vld [tilespmem:s22+$0x280];
	_ =	sdelay $0x4  }
0x119: {  	v17 =	vsub.f32 v18, v17;
	v20 =	vsub.f32 v19, v20;
	_ =	sdelay $0x1  }
0x11a: {  	v17 =	vmul.f32 v17, v17;
	v20 =	vmul.f32 v20, v20  }
0x11b: {  	v21 =	vld [tilespmem:$0x1FD60]  }
0x11c: {  	v20 =	vadd.f32 v20, v17;
	v17 =	vld [tilespmem:$0x1FD50];
	_ =	sdelay $0x4  }
0x11d: {  	v21 =	vsub.f32 v19, v21;
	v17 =	vsub.f32 v18, v17;
	_ =	sdelay $0x1  }
0x11e: {  	v21 =	vmul.f32 v21, v21;
	v17 =	vmul.f32 v17, v17  }
0x11f: {  	v22 =	vmul.f32 $5.000000000e-01, v20;
	v23 =	vshra.s32 v20, $0x1  }
0x120: {  	v23 =	vsub.s32 $0x5F3759DF, v23;
	v21 =	vadd.f32 v21, v17  }
0x121: {  	v24 =	vmul.f32 v23, v22  }
0x122: {  	v38 =	vshra.s32 v21, $0x1;
	v25 =	vmul.f32 $5.000000000e-01, v21  }
0x123: {  	v27 =	vld [tilespmem:$0x1FD90];
	v17 =	vmul.f32 v23, v24;
	v24 =	vsub.s32 $0x5F3759DF, v38  }
0x124: {  	v28 =	vld [tilespmem:$0x1FDA0];
	v26 =	vmul.f32 v24, v25;
	_ =	sdelay $0x1  }
0x125: {  	v17 =	vsub.f32 $1.500000000e+00, v17;
	v39 =	vmul.f32 v24, v26;
	_ =	sdelay $0x1  }
0x126: {  	v17 =	vmul.f32 v23, v17;
	v23 =	vsub.f32 $1.500000000e+00, v39  }
0x127: {  	v31 =	vld [tilespmem:$0x1FDE0];
	v27 =	vsub.f32 v18, v27;
	v28 =	vsub.f32 v19, v28  }
0x128: {  	v40 =	vmul.f32 v17, v22;
	v23 =	vmul.f32 v24, v23  }
0x129: {  	v41 =	vmul.f32 v27, v27;
	v42 =	vmul.f32 v28, v28  }
0x12a: {  	v26 =	vmul.f32 v40, v17;
	v43 =	vmul.f32 v23, v25  }
0x12b: {  	v29 =	vmul.f32 $-1.999999960e-02, v20;
	v24 =	vadd.f32 v42, v41  }
0x12c: {  	v34 =	vld [tilespmem:$0x1FDD0];
	v31 =	vsub.f32 v19, v31;
	v26 =	vsub.f32 $1.500000000e+00, v26;
	v44 =	vmul.f32 v43, v23  }
0x12d: {  	v29 =	vmul.f32 $1.442695020e+00, v29;
	v45 =	vshra.s32 v24, $0x1;
	v46 =	vmul.f32 $5.000000000e-01, v24  }
0x12e: {  	v17 =	vmul.f32 v26, v17;
	v26 =	vsub.s32 $0x5F3759DF, v45;
	v27 =	vsub.f32 $1.500000000e+00, v44  }
0x12f: {  	v31 =	vmul.f32 v31, v31;
	v30 =	vmul.f32 v26, v46  }
0x130: {  	(erf) = vpow2.f32 v29;
	v23 =	vmul.f32 v27, v23  }
0x131: {  	v29 =	vsub.f32 v18, v34;
	v33 =	vmul.f32 $-1.999999960e-02, v21;
	v30 =	vmul.f32 v26, v30  }
0x132: {  	v22 =	vmul.f32 v17, v22;
	v25 =	vmul.f32 v23, v25  }
0x133: {  	v29 =	vmul.f32 v29, v29;
	v27 =	vmul.f32 $1.442695020e+00, v33;
	v30 =	vsub.f32 $1.500000000e+00, v30  }
0x134: {  	v22 =	vmul.f32 v22, v17;
	v25 =	vmul.f32 v25, v23  }
0x135: {  	v26 =	vmul.f32 v26, v30;
	(erf) = vpow2.f32 v27;
	v27 =	vadd.f32 v31, v29  }
0x136: {  	v22 =	vsub.f32 $1.500000000e+00, v22;
	v25 =	vsub.f32 $1.500000000e+00, v25  }
0x137: {  	v43 =	vld [tilespmem:$0x1FD30];
	v35 =	vmul.f32 v26, v46;
	v36 =	vshra.s32 v27, $0x1;
	v31 =	vmul.f32 $5.000000000e-01, v27  }
0x138: {  	v44 =	vld [tilespmem:$0x1FD40];
	v22 =	vmul.f32 v22, v17;
	v30 =	vsub.s32 $0x5F3759DF, v36;
	v23 =	vmul.f32 v25, v23  }
0x139: {  	v17 =	vld [tilespmem:s22+$0x300];
	v29 =	vmul.f32 v35, v26;
	v37 =	vmul.f32 v30, v31  }
0x13a: {  	vm0 =	vgt.f32 v20, $0.0e+00;
	v34 =	vld [tilespmem:$0x1FD70];
	v22 =	vmul.f32 v22, v20;
	v38 =	vmul.f32 v23, v21  }
0x13b: {  	vm4 =	vgt.f32 v21, $0.0e+00;
	v29 =	vsub.f32 $1.500000000e+00, v29;
	v39 =	vmul.f32 v30, v37;
	v37 =	vld [tilespmem:$0x1FE10]  }
0x13c: {  	v40 =	vpop (erf);
	v22 =	vnsel vm0, $0x0, v22;
	v41 =	vnsel vm4, $0x0, v38;
	v38 =	vld [tilespmem:$0x1FE20]  }
0x13d: {  	v25 =	vmul.f32 v22, v40;
	v21 =	vmul.f32 v29, v26;
	v42 =	vsub.f32 $1.500000000e+00, v39  }
0x13e: {  	v32 =	vmul.f32 $-1.999999960e-02, v24;
	vm5 =	vlt.f32 v22, v43;
	v23 =	vmul.f32 v17, v44  }
0x13f: {  	v22 =	vsel vm5, v25, v22;
	v44 =	vld [tilespmem:$0x1FE50];
	v45 =	vpop (erf);
	v28 =	vmul.f32 v21, v46;
	v36 =	vmul.f32 v30, v42  }
0x140: {  	v23 =	vadd.f32 v23, v1;
	v46 =	vmul.f32 v41, v45;
	v20 =	vsub.f32 v18, v37;
	v45 =	vld [tilespmem:$0x1FE60]  }
0x141: {  	vm6 =	vlt.f32 v41, v34;
	v28 =	vmul.f32 v28, v21;
	v30 =	vsub.f32 v19, v38  }
0x142: {  	v33 =	vmul.f32 v36, v31;
	v39 =	vmul.f32 v20, v20;
	v20 =	vsub.f32 v22, v23  }
0x143: {  	v22 =	vsel vm6, v46, v41;
	v41 =	vmul.f32 $1.442695020e+00, v32;
	v30 =	vmul.f32 v30, v30  }
0x144: {  	v43 =	vld [tilespmem:$0x1FD80];
	v32 =	vsub.f32 v18, v44;
	v40 =	vsub.f32 $1.500000000e+00, v28;
	v42 =	vmul.f32 v33, v36  }
0x145: {  	(erf) = vpow2.f32 v41;
	v33 =	vsub.f32 v19, v45;
	v28 =	vadd.f32 v30, v39  }
0x146: {  	v32 =	vmul.f32 v32, v32;
	v46 =	vsub.f32 $1.500000000e+00, v42;
	v21 =	vmul.f32 v40, v21  }
0x147: {  	v33 =	vmul.f32 v33, v33;
	v26 =	vmul.f32 $5.000000000e-01, v28;
	v34 =	vshra.s32 v28, $0x1  }
0x148: {  	v25 =	vmul.f32 v46, v36;
	v36 =	vmul.f32 $-1.999999960e-02, v27;
	v34 =	vsub.s32 $0x5F3759DF, v34  }
0x149: {  	vm7 =	vgt.f32 v24, $0.0e+00;
	v30 =	vmul.f32 v17, v43;
	v37 =	vmul.f32 v34, v26  }
0x14a: {  	v41 =	vld [tilespmem:$0x1FDB0];
	v32 =	vadd.f32 v33, v32;
	v31 =	vmul.f32 v25, v31;
	v29 =	vmul.f32 $1.442695020e+00, v36  }
0x14b: {  	vm8 =	vgt.f32 v27, $0.0e+00;
	v46 =	vld [tilespmem:$0x1FEA0];
	v36 =	vmul.f32 v21, v24;
	v23 =	vmul.f32 v34, v37  }
0x14c: {  	v42 =	vld [tilespmem:$0x1FDC0];
	v30 =	vadd.f32 v30, v2;
	v33 =	vshra.s32 v32, $0x1;
	v31 =	vmul.f32 v31, v25  }
0x14d: {  	v45 =	vld [tilespmem:$0x1FE90];
	v35 =	vmul.f32 $5.000000000e-01, v32;
	(erf) = vpow2.f32 v29;
	v23 =	vsub.f32 $1.500000000e+00, v23  }
0x14e: {  	v24 =	vnsel vm7, $0x0, v36;
	v33 =	vsub.s32 $0x5F3759DF, v33;
	v39 =	vsub.f32 $1.500000000e+00, v31  }
0x14f: {  	v21 =	vsub.f32 v22, v30;
	v38 =	vmul.f32 v33, v35;
	v23 =	vmul.f32 v34, v23  }
0x150: {  	v36 =	vsub.f32 v19, v46;
	v46 =	vmul.f32 $-1.999999960e-02, v28;
	v22 =	vmul.f32 v39, v25  }
0x151: {  	vm0 =	vlt.f32 v24, v41;
	v29 =	vmul.f32 v33, v38;
	v43 =	vmul.f32 v23, v26  }
0x152: {  	v40 =	vpop (erf);
	v25 =	vmul.f32 v17, v42;
	v44 =	vmul.f32 v22, v27;
	v22 =	vsub.f32 v18, v45  }
0x153: {  	v30 =	vmul.f32 v24, v40;
	v29 =	vsub.f32 $1.500000000e+00, v29;
	v31 =	vmul.f32 v43, v23  }
0x154: {  	v38 =	vmul.f32 v36, v36;
	v25 =	vadd.f32 v25, v3;
	v37 =	vmul.f32 v22, v22  }
0x155: {  	v24 =	vsel vm0, v30, v24;
	v45 =	vld [tilespmem:$0x1FE00];
	v29 =	vmul.f32 v33, v29;
	v39 =	vsub.f32 $1.500000000e+00, v31  }
0x156: {  	v36 =	vmul.f32 $1.442695020e+00, v46;
	v22 =	vsub.f32 v24, v25;
	v30 =	vadd.f32 v38, v37;
	v38 =	vld [tilespmem:$0x1FED0]  }
0x157: {  	v25 =	vnsel vm8, $0x0, v44;
	v40 =	vpop (erf);
	v41 =	vmul.f32 v29, v35;
	v24 =	vmul.f32 v39, v23;
	v39 =	vld [tilespmem:$0x1FEE0]  }
0x158: {  	v27 =	vmul.f32 v25, v40;
	v44 =	vshra.s32 v30, $0x1;
	v33 =	vmul.f32 $5.000000000e-01, v30  }
0x159: {  	v42 =	vld [tilespmem:$0x1FDF0];
	v43 =	vmul.f32 v41, v29;
	v31 =	vsub.s32 $0x5F3759DF, v44;
	v26 =	vmul.f32 v24, v26  }
0x15a: {  	v34 =	vmul.f32 v17, v45;
	v37 =	vmul.f32 v31, v33  }
0x15b: {  	v23 =	vsub.f32 $1.500000000e+00, v43;
	v38 =	vsub.f32 v18, v38;
	v26 =	vmul.f32 v26, v24  }
0x15c: {  	v45 =	vmul.f32 $-1.999999960e-02, v32;
	v37 =	vmul.f32 v31, v37;
	v39 =	vsub.f32 v19, v39  }
0x15d: {  	v29 =	vmul.f32 v23, v29;
	v41 =	vmul.f32 v38, v38;
	v44 =	vsub.f32 $1.500000000e+00, v26  }
0x15e: {  	vm0 =	vlt.f32 v25, v42;
	v26 =	vmul.f32 $1.442695020e+00, v45;
	v45 =	vld [tilespmem:$0x1FF20];
	v42 =	vmul.f32 v39, v39  }
0x15f: {  	v34 =	vadd.f32 v34, v4;
	v43 =	vsub.f32 $1.500000000e+00, v37;
	v24 =	vmul.f32 v44, v24;
	v44 =	vld [tilespmem:$0x1FF10]  }
0x160: {  	v40 =	vsel vm0, v27, v25;
	v35 =	vmul.f32 v29, v35;
	v27 =	vadd.f32 v42, v41  }
0x161: {  	(erf) = vpow2.f32 v36;
	v23 =	vsub.f32 v40, v34;
	v31 =	vmul.f32 v31, v43  }
0x162: {  	v46 =	vmul.f32 v35, v29;
	v40 =	vshra.s32 v27, $0x1;
	v36 =	vmul.f32 $5.000000000e-01, v27  }
0x163: {  	(erf) = vpow2.f32 v26;
	v38 =	vsub.f32 v19, v45;
	v35 =	vsub.s32 $0x5F3759DF, v40  }
0x164: {  	v41 =	vmul.f32 v31, v33;
	v42 =	vmul.f32 v35, v36;
	v37 =	vsub.f32 v18, v44  }
0x165: {  	v34 =	vsub.f32 $1.500000000e+00, v46;
	v24 =	vmul.f32 v24, v28;
	v40 =	vmul.f32 v38, v38  }
0x166: {  	v25 =	vmul.f32 v35, v42;
	v39 =	vmul.f32 v37, v37  }
0x167: {  	vm9 =	vgt.f32 v28, $0.0e+00;
	v46 =	vmul.f32 v34, v29;
	v43 =	vmul.f32 v41, v31  }
0x168: {  	v24 =	vnsel vm9, $0x0, v24;
	v25 =	vsub.f32 $1.500000000e+00, v25;
	v29 =	vadd.f32 v40, v39  }
0x169: {  	v28 =	vmul.f32 v46, v32;
	v26 =	vsub.f32 $1.500000000e+00, v43;
	v44 =	vmul.f32 $-1.999999960e-02, v30  }
0x16a: {  	v41 =	vpop (erf);
	v25 =	vmul.f32 v35, v25;
	v34 =	vshra.s32 v29, $0x1;
	v35 =	vmul.f32 $5.000000000e-01, v29  }
0x16b: {  	v45 =	vld [tilespmem:$0x1FE30];
	v26 =	vmul.f32 v26, v31;
	v31 =	vmul.f32 v24, v41;
	v34 =	vsub.s32 $0x5F3759DF, v34  }
0x16c: {  	v37 =	vmul.f32 $1.442695020e+00, v44;
	v44 =	vld [tilespmem:$0x1FE80];
	v46 =	vmul.f32 v34, v35  }
0x16d: {  	v41 =	vld [tilespmem:$0x1FF60];
	v42 =	vmul.f32 v26, v33;
	v43 =	vmul.f32 v25, v36  }
0x16e: {  	v38 =	vmul.f32 v34, v46;
	v46 =	vld [tilespmem:$0x1FF50]  }
0x16f: {  	vm10 =	vgt.f32 v32, $0.0e+00;
	v32 =	vmul.f32 v42, v26;
	v33 =	vmul.f32 v43, v25  }
0x170: {  	v28 =	vnsel vm10, $0x0, v28;
	vm11 =	vlt.f32 v24, v45;
	v43 =	vld [tilespmem:$0x1FE40]  }
0x171: {  	v40 =	vpop (erf);
	(erf) = vpow2.f32 v37;
	v32 =	vsub.f32 $1.500000000e+00, v32;
	v33 =	vsub.f32 $1.500000000e+00, v33  }
0x172: {  	v40 =	vmul.f32 v28, v40;
	v45 =	vsub.f32 $1.500000000e+00, v38;
	v38 =	vsub.f32 v19, v41  }
0x173: {  	v26 =	vmul.f32 v32, v26;
	v32 =	vmul.f32 v17, v44;
	v37 =	vsub.f32 v18, v46  }
0x174: {  	v25 =	vmul.f32 v33, v25;
	v44 =	vmul.f32 v38, v38  }
0x175: {  	vm12 =	vgt.f32 v30, $0.0e+00;
	v39 =	vmul.f32 v17, v43;
	v43 =	vmul.f32 v37, v37  }
0x176: {  	v24 =	vsel vm11, v31, v24;
	v33 =	vmul.f32 v34, v45;
	v45 =	vmul.f32 $-1.999999960e-02, v27  }
0x177: {  	v26 =	vmul.f32 v26, v30;
	v42 =	vmul.f32 v25, v36;
	v34 =	vadd.f32 v44, v43  }
0x178: {  	v41 =	vld [tilespmem:$0x1FE70];
	v32 =	vadd.f32 v32, v6;
	v46 =	vmul.f32 v33, v35;
	v30 =	vmul.f32 $1.442695020e+00, v45  }
0x179: {  	v31 =	vmul.f32 v42, v25;
	v43 =	vshra.s32 v34, $0x1;
	v38 =	vmul.f32 $5.000000000e-01, v34  }
0x17a: {  	v42 =	vmul.f32 v46, v33;
	(erf) = vpow2.f32 v30;
	v36 =	vsub.s32 $0x5F3759DF, v43  }
0x17b: {  	v26 =	vnsel vm12, $0x0, v26;
	v39 =	vadd.f32 v39, v5;
	v44 =	vpop (erf);
	v46 =	vmul.f32 v36, v38  }
0x17c: {  	v31 =	vsub.f32 $1.500000000e+00, v31;
	v45 =	vsub.f32 $1.500000000e+00, v42;
	v37 =	vmul.f32 v26, v44;
	v44 =	vld [tilespmem:$0x1FEC0]  }
0x17d: {  	vm13 =	vlt.f32 v28, v41;
	v41 =	vmul.f32 $-1.999999960e-02, v29;
	v43 =	vld [tilespmem:$0x1FEB0];
	v42 =	vmul.f32 v36, v46  }
0x17e: {  	v28 =	vsel vm13, v40, v28;
	v31 =	vmul.f32 v31, v25;
	v30 =	vmul.f32 v45, v33;
	v45 =	vld [tilespmem:$0x1FF90]  }
0x17f: {  	v25 =	vsub.f32 v28, v32;
	v28 =	vmul.f32 $1.442695020e+00, v41;
	v32 =	vsub.f32 $1.500000000e+00, v42  }
0x180: {  	vm15 =	vgt.f32 v27, $0.0e+00;
	v31 =	vmul.f32 v31, v27;
	v46 =	vld [tilespmem:$0x1FFA0]  }
0x181: {  	v24 =	vsub.f32 v24, v39;
	(erf) = vpow2.f32 v28;
	v28 =	vmul.f32 v36, v32  }
0x182: {  	v35 =	vmul.f32 v30, v35;
	v33 =	vmul.f32 v17, v44;
	v31 =	vnsel vm15, $0x0, v31  }
0x183: {  	vm14 =	vlt.f32 v26, v43;
	v39 =	vsub.f32 v18, v45;
	v43 =	vpop (erf);
	v45 =	vld [tilespmem:$0x1FF00];
	v44 =	vmul.f32 v28, v38  }
0x184: {  	v35 =	vmul.f32 v35, v30;
	v36 =	vmul.f32 v31, v43;
	v43 =	vld [tilespmem:$0x1FFD0]  }
0x185: {  	v40 =	vsub.f32 v19, v46;
	v46 =	vmul.f32 v44, v28;
	v44 =	vld [tilespmem:$0x1FFE0]  }
0x186: {  	v33 =	vadd.f32 v33, v7;
	v35 =	vsub.f32 $1.500000000e+00, v35  }
0x187: {  	v26 =	vsel vm14, v37, v26;
	v41 =	vmul.f32 v39, v39;
	v42 =	vmul.f32 v40, v40  }
0x188: {  	v26 =	vsub.f32 v26, v33;
	v30 =	vmul.f32 v35, v30  }
0x189: {  	vm4 =	vgt.f32 v29, $0.0e+00;
	v32 =	vadd.f32 v42, v41;
	v39 =	vsub.f32 v18, v43  }
0x18a: {  	v27 =	vmul.f32 v17, v45;
	v30 =	vmul.f32 v30, v29;
	v40 =	vsub.f32 v19, v44  }
0x18b: {  	v42 =	vshra.s32 v32, $0x1;
	v37 =	vmul.f32 $5.000000000e-01, v32;
	v29 =	vmul.f32 v39, v39  }
0x18c: {  	v45 =	vpop (erf);
	v35 =	vsub.s32 $0x5F3759DF, v42;
	v39 =	vmul.f32 v40, v40;
	v40 =	vnsel vm4, $0x0, v30  }
0x18d: {  	v33 =	vsub.f32 $1.500000000e+00, v46;
	v41 =	vmul.f32 v35, v37;
	v42 =	vmul.f32 v40, v45;
	v45 =	vld [tilespmem:$0x1FEF0]  }
0x18e: {  	v43 =	vsub.f32 v18, v49  }
0x18f: {  	v28 =	vmul.f32 v33, v28;
	v41 =	vmul.f32 v35, v41;
	v30 =	vadd.f32 v39, v29  }
0x190: {  	v27 =	vadd.f32 v27, v8;
	v46 =	vmul.f32 $-1.999999960e-02, v34;
	v44 =	vsub.f32 v19, v50  }
0x191: {  	v29 =	vmul.f32 v28, v38;
	v38 =	vsub.f32 $1.500000000e+00, v41;
	v39 =	vshra.s32 v30, $0x1  }
0x192: {  	v41 =	vmul.f32 $5.000000000e-01, v30;
	v39 =	vsub.s32 $0x5F3759DF, v39;
	vm5 =	vlt.f32 v31, v45  }
0x193: {  	v31 =	vsel vm5, v36, v31;
	v36 =	vmul.f32 v43, v43;
	v43 =	vmul.f32 v44, v44  }
0x194: {  	v35 =	vmul.f32 v35, v38;
	v38 =	vmul.f32 v39, v41  }
0x195: {  	v27 =	vsub.f32 v31, v27;
	v31 =	vmul.f32 v29, v28;
	v29 =	vadd.f32 v43, v36;
	v43 =	vld [tilespmem:$0x1FF40]  }
0x196: {  	v33 =	vmul.f32 $1.442695020e+00, v46;
	v46 =	vmul.f32 v39, v38  }
0x197: {  	v44 =	vmul.f32 v35, v37  }
0x198: {  	(erf) = vpow2.f32 v33;
	v33 =	vsub.f32 $1.500000000e+00, v46;
	v46 =	vld [tilespmem:$0x1FF30]  }
0x199: {  	v38 =	vmul.f32 v44, v35;
	v31 =	vsub.f32 $1.500000000e+00, v31  }
0x19a: {  	v44 =	vmul.f32 $5.000000000e-01, v29;
	v36 =	vmul.f32 v17, v43;
	v43 =	vshra.s32 v29, $0x1  }
0x19b: {  	v45 =	vsub.f32 $1.500000000e+00, v38;
	v33 =	vmul.f32 v39, v33;
	v38 =	vsub.s32 $0x5F3759DF, v43  }
0x19c: {  	vm7 =	vgt.f32 v34, $0.0e+00;
	v28 =	vmul.f32 v31, v28;
	v39 =	vmul.f32 v38, v44  }
0x19d: {  	v31 =	vmul.f32 v45, v35;
	vm6 =	vlt.f32 v40, v46;
	v46 =	vmul.f32 v33, v41  }
0x19e: {  	v36 =	vadd.f32 v36, v9;
	v45 =	vsel vm6, v42, v40;
	v39 =	vmul.f32 v38, v39  }
0x19f: {  	v42 =	vmul.f32 v31, v37;
	v35 =	vmul.f32 v46, v33;
	v46 =	vsub.f32 v19, v54  }
0x1a0: {  	v43 =	vmul.f32 v28, v34;
	v28 =	vsub.f32 v45, v36;
	v37 =	vsub.f32 $1.500000000e+00, v39  }
0x1a1: {  	v34 =	vmul.f32 v42, v31;
	v45 =	vsub.f32 v18, v53;
	v40 =	vmul.f32 v46, v46;
	v46 =	vld [tilespmem:$0x1FF80]  }
0x1a2: {  	v35 =	vsub.f32 $1.500000000e+00, v35;
	v37 =	vmul.f32 v38, v37  }
0x1a3: {  	v34 =	vsub.f32 $1.500000000e+00, v34;
	v38 =	vmul.f32 v45, v45  }
0x1a4: {  	v36 =	vnsel vm7, $0x0, v43;
	v33 =	vmul.f32 v35, v33;
	v39 =	vpop (erf);
	v45 =	vld [tilespmem:$0x1FF70];
	v43 =	vmul.f32 v37, v44  }
0x1a5: {  	v31 =	vmul.f32 v34, v31;
	v39 =	vmul.f32 v36, v39;
	v35 =	vadd.f32 v40, v38  }
0x1a6: {  	v42 =	vmul.f32 v17, v46;
	v34 =	vmul.f32 v43, v37  }
0x1a7: {  	v46 =	vmul.f32 v33, v41;
	v40 =	vshra.s32 v35, $0x1;
	v41 =	vmul.f32 $5.000000000e-01, v35  }
0x1a8: {  	v31 =	vmul.f32 v31, v32;
	v40 =	vsub.s32 $0x5F3759DF, v40;
	v34 =	vsub.f32 $1.500000000e+00, v34  }
0x1a9: {  	vm0 =	vlt.f32 v36, v45;
	v45 =	vmul.f32 $-1.999999960e-02, v32;
	v43 =	vmul.f32 v40, v41  }
0x1aa: {  	v36 =	vsel vm0, v39, v36;
	v39 =	vmul.f32 v46, v33;
	v34 =	vmul.f32 v34, v37  }
0x1ab: {  	v38 =	vmul.f32 $1.442695020e+00, v45;
	v37 =	vmul.f32 v40, v43  }
0x1ac: {  	v45 =	vsub.f32 $1.500000000e+00, v39;
	v43 =	vsub.f32 v18, v58;
	v44 =	vmul.f32 v34, v44  }
0x1ad: {  	v46 =	vmul.f32 $-1.999999960e-02, v30;
	v39 =	vsub.f32 v19, v59;
	v37 =	vsub.f32 $1.500000000e+00, v37  }
0x1ae: {  	v18 =	vsub.f32 v18, v57;
	v19 =	vsub.f32 v19, v61;
	v44 =	vmul.f32 v44, v34  }
0x1af: {  	vm8 =	vgt.f32 v32, $0.0e+00;
	(erf) = vpow2.f32 v38;
	v37 =	vmul.f32 v40, v37  }
0x1b0: {  	v18 =	vmul.f32 v18, v18;
	v19 =	vmul.f32 v19, v19;
	v32 =	vsub.f32 $1.500000000e+00, v44  }
0x1b1: {  	v33 =	vmul.f32 v45, v33;
	v45 =	vmul.f32 v37, v41  }
0x1b2: {  	v38 =	vmul.f32 $1.442695020e+00, v46;
	v18 =	vadd.f32 v19, v18;
	v19 =	vmul.f32 v32, v34  }
0x1b3: {  	v32 =	vmul.f32 v45, v37;
	v45 =	vmul.f32 $-1.999999960e-02, v29  }
0x1b4: {  	v43 =	vmul.f32 v43, v43;
	v39 =	vmul.f32 v39, v39  }
0x1b5: {  	v45 =	vmul.f32 $1.442695020e+00, v45  }
0x1b6: {  	(erf) = vpow2.f32 v38;
	v39 =	vadd.f32 v39, v43  }
0x1b7: {  	(erf) = vpow2.f32 v45;
	v45 =	vld [tilespmem:$0x1FFC0]  }
0x1b8: {  	v46 =	vshra.s32 v39, $0x1;
	v43 =	vmul.f32 $5.000000000e-01, v39;
	v40 =	vshra.s32 v18, $0x1  }
0x1b9: {  	v44 =	vmul.f32 $5.000000000e-01, v18;
	v34 =	vsub.s32 $0x5F3759DF, v46;
	v32 =	vsub.f32 $1.500000000e+00, v32  }
0x1ba: {  	v42 =	vadd.f32 v42, v10;
	v40 =	vsub.s32 $0x5F3759DF, v40;
	v38 =	vmul.f32 v34, v43  }
0x1bb: {  	v46 =	vmul.f32 v40, v44;
	v32 =	vmul.f32 v32, v37  }
0x1bc: {  	v36 =	vsub.f32 v36, v42;
	v38 =	vmul.f32 v34, v38;
	v42 =	vmul.f32 v17, v45;
	v45 =	vld [tilespmem:$0x1FFB0]  }
0x1bd: {  	v41 =	vmul.f32 v32, v41  }
0x1be: {  	vm9 =	vgt.f32 v30, $0.0e+00;
	v46 =	vmul.f32 v40, v46;
	v38 =	vsub.f32 $1.500000000e+00, v38  }
0x1bf: {  	v31 =	vnsel vm8, $0x0, v31;
	v33 =	vmul.f32 v33, v30;
	v37 =	vpop (erf);
	v41 =	vmul.f32 v41, v32  }
0x1c0: {  	v37 =	vmul.f32 v31, v37;
	v34 =	vmul.f32 v34, v38;
	v38 =	vsub.f32 $1.500000000e+00, v46  }
0x1c1: {  	v41 =	vsub.f32 $1.500000000e+00, v41;
	vm0 =	vlt.f32 v31, v45;
	v45 =	vmul.f32 $-1.999999960e-02, v35  }
0x1c2: {  	v31 =	vsel vm0, v37, v31;
	v37 =	vmul.f32 v40, v38;
	v38 =	vmul.f32 v34, v43  }
0x1c3: {  	vm10 =	vgt.f32 v29, $0.0e+00;
	v32 =	vmul.f32 v41, v32;
	v46 =	vmul.f32 $1.442695020e+00, v45  }
0x1c4: {  	vm11 =	vgt.f32 v35, $0.0e+00;
	v38 =	vmul.f32 v38, v34;
	v41 =	vmul.f32 v37, v44  }
0x1c5: {  	v33 =	vnsel vm9, $0x0, v33;
	vm12 =	vgt.f32 v39, $0.0e+00;
	(erf) = vpow2.f32 v46  }
0x1c6: {  	v46 =	vmul.f32 $-1.999999960e-02, v39;
	v45 =	vsub.f32 $1.500000000e+00, v38;
	v41 =	vmul.f32 v41, v37  }
0x1c7: {  	vm13 =	vgt.f32 v18, $0.0e+00;
	v19 =	vmul.f32 v19, v29;
	v40 =	vadd.f32 v42, v11  }
0x1c8: {  	v30 =	vmul.f32 v45, v34;
	v45 =	vmul.f32 $1.442695020e+00, v46;
	v41 =	vsub.f32 $1.500000000e+00, v41  }
0x1c9: {  	v19 =	vnsel vm10, $0x0, v19;
	v42 =	vpop (erf);
	v46 =	vmul.f32 v17, v48;
	v34 =	vmul.f32 $-1.999999960e-02, v18  }
0x1ca: {  	s31 =	sshll.u32 s20, $0x7;
	v31 =	vsub.f32 v31, v40;
	v40 =	vmul.f32 v33, v42;
	v37 =	vmul.f32 v41, v37  }
0x1cb: {  	s22 =	sand.u32 $0x3FFFFC00, s31;
	v38 =	vadd.f32 v46, v12;
	v46 =	vmul.f32 v30, v43;
	v34 =	vmul.f32 $1.442695020e+00, v34  }
0x1cc: {  	s21 =	sor.u32 s21, s22;
	vm0 =	vlt.f32 v33, v47;
	(erf) = vpow2.f32 v45;
	v43 =	vmul.f32 v37, v44  }
0x1cd: {  	[tilespmem:s21+$0x2200] =	vst v20;
	v33 =	vsel vm0, v40, v33;
	v45 =	vpop (erf);
	(erf) = vpow2.f32 v34;
	v44 =	vmul.f32 v46, v30  }
0x1ce: {  	[tilespmem:s21+$0x2280] =	vst v21;
	vm0 =	vlt.f32 v19, v51;
	v29 =	vmul.f32 v19, v45;
	v46 =	vmul.f32 v43, v37  }
0x1cf: {  	[tilespmem:s21+$0x2300] =	vst v22;
	v33 =	vsub.f32 v33, v38;
	v45 =	vmul.f32 v32, v35;
	v20 =	vsub.f32 $1.500000000e+00, v44  }
0x1d0: {  	[tilespmem:s21+$0x2380] =	vst v23;
	v38 =	vmul.f32 v17, v52;
	v19 =	vsel vm0, v29, v19;
	v29 =	vsub.f32 $1.500000000e+00, v46  }
0x1d1: {  	[tilespmem:s21+$0x2400] =	vst v24;
	v41 =	vmul.f32 v17, v56;
	v40 =	vpop (erf);
	v21 =	vnsel vm11, $0x0, v45;
	v20 =	vmul.f32 v20, v30  }
0x1d2: {  	[tilespmem:s21+$0x2480] =	vst v25;
	v22 =	vadd.f32 v38, v13;
	v42 =	vmul.f32 v21, v40;
	v43 =	vmul.f32 v29, v37  }
0x1d3: {  	[tilespmem:s21+$0x2500] =	vst v26;
	v23 =	vadd.f32 v41, v14;
	vm0 =	vlt.f32 v21, v55;
	v20 =	vmul.f32 v20, v39  }
0x1d4: {  	[tilespmem:s21+$0x2580] =	vst v27;
	v19 =	vsub.f32 v19, v22;
	v21 =	vsel vm0, v42, v21;
	v44 =	vmul.f32 v43, v18  }
0x1d5: {  	[tilespmem:s21+$0x6200] =	vst v28;
	v21 =	vsub.f32 v21, v23;
	v45 =	vpop (erf);
	v20 =	vnsel vm12, $0x0, v20;
	v18 =	vmul.f32 v17, v63  }
0x1d6: {  	[tilespmem:s21+$0x6280] =	vst v36;
	v17 =	vmul.f32 v17, v0;
	v23 =	vmul.f32 v20, v45;
	v46 =	vpop (erf);
	v22 =	vnsel vm13, $0x0, v44  }
0x1d7: {  	p1 =	sne.s32 s20, $0x7F;
	[tilespmem:s21+$0x6300] =	vst v31;
	vm14 =	vlt.f32 v20, v60;
	v18 =	vadd.f32 v18, v15;
	v24 =	vmul.f32 v22, v46  }
.Ltmp1:
0x1d8: {  	[tilespmem:s21+$0x6380] =	vst v33;
	v17 =	vadd.f32 v17, v16;
	v20 =	vsel vm14, v23, v20;
	vm15 =	vlt.f32 v22, v62;
	(pc) =	sbr.rel @p1 .LBB2_5-.Ltmp1, $4  }
0x1d9: {  	[tilespmem:s21+$0x6400] =	vst v19;
	v18 =	vsub.f32 v20, v18;
	v19 =	vsel vm15, v24, v22  }
0x1da: {  	[tilespmem:s21+$0x6480] =	vst v21;
	v17 =	vsub.f32 v19, v17  }
0x1db: {  	[tilespmem:s21+$0x6500] =	vst v18  }
0x1dc: {  	s19 =	sadd.s32 $0x10, s19;
	s20 =	sadd.s32 $0x1, s20;
	[tilespmem:s21+$0x6580] =	vst v17  }
0x1dd: {  	s18 =	sor.u32 s4, s18  }
0x1de: {  	s18 =	sshll.u32 s18, $0x8  }
.Ltmp2:
0x1df: {  	s18 =	sadd.s32 s5, s18;
	(pc) =	sbr.rel @p0 .LBB2_2-.Ltmp2, $4  }
0x1e0: {  	[hbm4b:s18+s2] =	stream.linear.scatter [tilespmem:s16], [sflag:$0x1], $0x8000, $0x38;
	[tilespmem:$0xA200] =	vst v63  }
0x1e1: {  	_ =	swait.ge [sflag:s11], $0x8000  }
0x1e2: {  	[sflag:s11] =	ssyncset.done $0x0  }
0x1e3: {  	p1 =	por $0x0, $0x0;
	s18 =	simm.s32 $0x10;
	[sflag:s11] =	ssyncadd.s32 $0xFFFF8000  }
0x1e4: {  	s17 =	sadd.s32 $0x1, s17  }
0x1e5: {  	p0 =	sne.s32 s17, s10  }
.Ltmp3:
0x1e6: {  	_ = 	snop;
	(pc) =	sbr.rel @p0 .LBB2_1-.Ltmp3, $1  }
0x1e7: {  	_ =	sdelay $0x3  }
0x1e8: {  	_ =	sfence.sel $0x180000  }
0x1e9: {  	[bflag:$0x0] =	sbarrier.arrive $0xFFFF  }
0x1ea: {  	p0 =	sne.s32 s3, $0x0;
	_ =	strace $0x90000047  }
0x1eb: {  	s0 =	sadd.s32 @!p0 $0x100000, s0;
	[bflag:$0x2] =	sbarrier.arrive $0xFFFF  }
0x1ec: {  	[sflag:s0] =	ssyncadd.tile.s32 @!p0 $0x1;
	_ =	shalt  }
.Lfunc_end2:
_tile_overlayer_lowered:
.L_overlay_start_2:
0x1ed: {  	(tag) =	ssettag $0x2  }
0x1ee: {  	s0 =	rddreg [dreg:$0x0];
	s2 =	stileid.u32  }
0x1ef: {  	s1 =	rddreg [dreg:$0x1];
	p0 =	sne.s32 s2, $0x0  }
0x1f0: {  	s3 =	rddreg [dreg:$0x2];
	[bflag:$0x3] =	sbarrier.arrive $0xFFFF;
	s2 =	simm.s32 @!p0 $0x1C01  }
0x1f1: {  	[timem:s3], [sflag:s2] =	dma.local @!p0 [hbm:s0], s1  }
0x1f2: {  	s0 =	simm.s32 @!p0 $0x1  }
0x1f3: {  	_ =	swait.ge @!p0 [sflag:s0], s1  }
0x1f4: {  	s1 =	ssub.s32 @!p0 $0x0, s1;
	[sflag:s0] =	ssyncset.done @!p0 $0x0  }
0x1f5: {  	[sflag:s0] =	ssyncadd.s32 @!p0 s1  }
0x1f6: {  	[bflag:$0x3] =	sbarrier.arrive $0xFFFF  }
0x1f7: {  	_ =	shalt  }

</sc_bundles>
